<compile_context>
chip_gen: v7x
topology: tpu7x:2x2x1
jax: 0.10.2.dev20260603
libtpu: 0.0.44.dev20260713+nightly
codegen_flags: <defaults>
</compile_context>

<pallas_src>
import jax
import jax.numpy as jnp
from jax import lax
from jax.experimental import pallas as pl
from jax.experimental.pallas import tpu as pltpu
from jax.experimental.pallas import tpu_sc as plsc

_VOCAB = 100000
_EMBED = 128
_BATCH = 1024
_CTX = 50

_NC = 2
_NS = 16
_LANES = 16
_NW = _NC * _NS
_B_PER_W = _BATCH // _NW
_EV = _EMBED // _LANES


_RB = 4


def _sc_pool_body(emb_hbm, idx_hbm, out_hbm, idx_v, rows_v, pool_v, sems):
    wid = lax.axis_index("s") * _NC + lax.axis_index("c")
    base = wid * _B_PER_W
    pltpu.sync_copy(idx_hbm.at[pl.ds(base, _B_PER_W)], idx_v)

    def gather(b, k):
        return pltpu.make_async_copy(
            emb_hbm.at[idx_v.at[b]], rows_v.at[k], sems.at[k]
        )

    for k in range(_RB - 1):
        gather(k, k).start()

    def do_row(b, carry):
        k = lax.rem(b, _RB)
        gather(b, k).wait()
        nb = b + _RB - 1

        @pl.when(nb < _B_PER_W)
        def _prefetch():
            gather(nb, lax.rem(nb, _RB)).start()

        scale = 1.0 / _CTX
        for j in range(_EV):
            acc = rows_v[k, 0, pl.ds(j * _LANES, _LANES)]
            for c in range(1, _CTX):
                acc = acc + rows_v[k, c, pl.ds(j * _LANES, _LANES)]
            pool_v[b, pl.ds(j * _LANES, _LANES)] = acc * scale
        return carry

    lax.fori_loop(0, _B_PER_W, do_row, 0)
    pltpu.sync_copy(pool_v, out_hbm.at[pl.ds(base, _B_PER_W)])


@jax.jit
def _sc_pool(emb_table, idx):
    mesh = plsc.VectorSubcoreMesh(core_axis_name="c", subcore_axis_name="s")
    return pl.kernel(
        _sc_pool_body,
        out_type=jax.ShapeDtypeStruct((_BATCH, _EMBED), jnp.float32),
        mesh=mesh,
        scratch_types=[
            pltpu.VMEM((_B_PER_W, _CTX), jnp.int32),
            pltpu.VMEM((_RB, _CTX, _EMBED), jnp.float32),
            pltpu.VMEM((_B_PER_W, _EMBED), jnp.float32),
            pltpu.SemaphoreType.DMA((_RB,)),
        ],
    )(emb_table, idx)


_VT = 5000


def _matmul_body(wt_ref, x_ref, b_ref, o_ref):
    acc = jax.lax.dot_general(
        wt_ref[...],
        x_ref[...],
        (((1,), (1,)), ((), ())),
        preferred_element_type=jnp.float32,
    )
    o_ref[...] = acc + jnp.reshape(b_ref[...], (_VT, 1))


@jax.jit
def _project(pooled, dense_w, dense_b):
    wt = dense_w.T
    out_t = pl.pallas_call(
        _matmul_body,
        grid=(_VOCAB // _VT,),
        in_specs=[
            pl.BlockSpec((_VT, _EMBED), lambda i: (i, 0)),
            pl.BlockSpec((_BATCH, _EMBED), lambda i: (0, 0)),
            pl.BlockSpec((1, 1, _VT), lambda i: (i, 0, 0)),
        ],
        out_specs=pl.BlockSpec((_VT, _BATCH), lambda i: (i, 0)),
        out_shape=jax.ShapeDtypeStruct((_VOCAB, _BATCH), jnp.float32),
    )(wt, pooled, dense_b.reshape(_VOCAB // _VT, 1, _VT))
    return out_t.T


def kernel(inputs, emb_table, dense_w, dense_b):
    idx = inputs.astype(jnp.int32)
    pooled = _sc_pool(emb_table, idx)
    return _project(pooled, dense_w, dense_b)

# --- scband reference (transcript-rebuilt; emitter-appended) ---
"""Pipeline reference for scband-cbowmodel-55705725829175 (READ-ONLY COPY).

The authoritative reference and input builder live on the scoring server;
editing this copy changes nothing except your own understanding.
"""

import jax, jax.numpy as jnp
import numpy as np

VOCAB = 100000
EMBED = 128
BATCH = 1024
CTX = 50

def setup_inputs(seed: int = 0) -> dict:
    key = jax.random.key(seed)
    k1, k2, k3, k4 = jax.random.split(key, 4)
    inputs = jax.random.randint(k1, (BATCH, CTX), 0, VOCAB, dtype=jnp.int64)
    emb_table = jax.random.normal(k2, (VOCAB, EMBED), dtype=jnp.float32) * 0.05
    dense_w = jax.random.normal(k3, (EMBED, VOCAB), dtype=jnp.float32) * (1.0 / np.sqrt(EMBED))
    dense_b = jnp.zeros((VOCAB,), dtype=jnp.float32)
    return {"inputs": inputs, "emb_table": emb_table, "dense_w": dense_w, "dense_b": dense_b}

def reference(inputs, emb_table, dense_w, dense_b):
    # Embedding lookup: [B, CTX] -> [B, CTX, EMBED]
    embedded = jnp.take(emb_table, inputs, axis=0)
    # Mean pool over context window: [B, EMBED]
    pooled = jnp.mean(embedded, axis=1)
    # Dense projection to vocab logits: [B, VOCAB]
    logits = pooled @ dense_w + dense_b
    return logits

if __name__ == "__main__":
    import jax
    _d = setup_inputs()
    print(jax.jit(kernel)(*tuple(_d.values())))

</pallas_src>

<mosaic_0001>
#map = affine_map<(d0, d1) -> (0, 0)>
module attributes {stable_mosaic.version = 14 : i64} {
  func.func @_sc_pool_body(%arg0: i32, %arg1: i32, %arg2: memref<100000x128xf32, #tpu.memory_space<hbm>>, %arg3: memref<1024x50xi32, #tpu.memory_space<hbm>>, %arg4: memref<1024x128xf32, #tpu.memory_space<hbm>>, %arg5: memref<32x50xi32, #tpu.memory_space<vmem>>, %arg6: memref<4x50x128xf32, #tpu.memory_space<vmem>>, %arg7: memref<32x128xf32, #tpu.memory_space<vmem>>, %arg8: memref<4x!tpu.dma_semaphore, #tpu.memory_space<semaphore_mem>>) attributes {dimension_semantics = [#tpu.dimension_semantics<core_parallel>, #tpu.dimension_semantics<subcore_parallel>], iteration_bounds = array<i64: 2, 16>, scalar_prefetch = 0 : i64, scratch_operands = 4 : i64, tpu.core_type = #tpu.core_type<sc_vector_subcore>, window_params = [{transform_indices = #map}, {transform_indices = #map}, {transform_indices = #map}]} {
    %mul3A = arith.constant 2 : i32
    %mul3A_0 = arith.muli %arg1, %mul3A : i32
    %add3A = arith.addi %mul3A_0, %arg0 : i32
    %mul3A_1 = arith.constant 32 : i32
    %mul3A_2 = arith.muli %add3A, %mul3A_1 : i32
    "tpu.region"() ({
      %run_scoped3A = tpu.sem_alloc : memref<!tpu.dma_semaphore, #tpu.memory_space<semaphore_mem>>
      %dma_start3A_52 = arith.constant 0 : i32
      %dma_start3A_53 = tpu.memref_slice %arg3[%mul3A_2, %dma_start3A_52] : memref<1024x50xi32, #tpu.memory_space<hbm>> -> memref<32x50xi32, #tpu.memory_space<hbm>>
      %dma_start3A_54 = arith.constant 0 : i32
      %dma_start3A_55 = tpu.memref_slice %arg3[%mul3A_2, %dma_start3A_54] : memref<1024x50xi32, #tpu.memory_space<hbm>> -> memref<32x50xi32, #tpu.memory_space<hbm>>
      tpu.enqueue_dma source(%dma_start3A_55 : memref<32x50xi32, #tpu.memory_space<hbm>>) target(%arg5 : memref<32x50xi32, #tpu.memory_space<vmem>>) target_semaphore(%run_scoped3A : memref<!tpu.dma_semaphore, #tpu.memory_space<semaphore_mem>>)
      %dma_wait3A = arith.constant 0 : i32
      %dma_wait3A_56 = tpu.memref_slice %arg3[%mul3A_2, %dma_wait3A] : memref<1024x50xi32, #tpu.memory_space<hbm>> -> memref<32x50xi32, #tpu.memory_space<hbm>>
      %dma_wait3A_57 = arith.constant 0 : i32
      %dma_wait3A_58 = tpu.memref_slice %arg3[%mul3A_2, %dma_wait3A_57] : memref<1024x50xi32, #tpu.memory_space<hbm>> -> memref<32x50xi32, #tpu.memory_space<hbm>>
      tpu.wait_dma2 semaphore(%run_scoped3A : memref<!tpu.dma_semaphore, #tpu.memory_space<semaphore_mem>>) src(%dma_wait3A_58 : memref<32x50xi32, #tpu.memory_space<hbm>>) dst(%arg5 : memref<32x50xi32, #tpu.memory_space<vmem>>)
      tpu.yield
    }) : () -> ()
    %dma_start3A = arith.constant 0 : i32
    %dma_start3A_3 = arith.constant 0 : i32
    %dma_start3A_4 = arith.constant 0 : i32
    %dma_start3A_5 = arith.constant 0 : i32
    %dma_start3A_6 = arith.constant 0 : i32
    %dma_start3A_7 = tpu.memref_slice %arg6[%dma_start3A_3, %dma_start3A_5, %dma_start3A_6] : memref<4x50x128xf32, #tpu.memory_space<vmem>> -> memref<1x50x128xf32, #tpu.memory_space<vmem>>
    %dma_start3A_8 = tpu.memref_squeeze %dma_start3A_7 : memref<1x50x128xf32, #tpu.memory_space<vmem>> -> memref<50x128xf32, #tpu.memory_space<vmem>>
    %dma_start3A_9 = arith.constant 0 : i32
    %dma_start3A_10 = tpu.memref_slice %arg5[%dma_start3A, %dma_start3A_9] : memref<32x50xi32, #tpu.memory_space<vmem>> -> memref<1x50xi32, #tpu.memory_space<vmem>>
    %dma_start3A_11 = tpu.memref_squeeze %dma_start3A_10 : memref<1x50xi32, #tpu.memory_space<vmem>> -> memref<50xi32, #tpu.memory_space<vmem>>
    %dma_start3A_12 = arith.constant 0 : i32
    %dma_start3A_13 = arith.constant 0 : i32
    %dma_start3A_14 = tpu.memref_slice %arg2[%dma_start3A_12, %dma_start3A_13] : memref<100000x128xf32, #tpu.memory_space<hbm>> -> memref<100000x128xf32, #tpu.memory_space<hbm>>
    %dma_start3A_15 = tpu.memref_slice %arg8[%dma_start3A_4] : memref<4x!tpu.dma_semaphore, #tpu.memory_space<semaphore_mem>> -> memref<1x!tpu.dma_semaphore, #tpu.memory_space<semaphore_mem>>
    %dma_start3A_16 = tpu.memref_squeeze %dma_start3A_15 : memref<1x!tpu.dma_semaphore, #tpu.memory_space<semaphore_mem>> -> memref<!tpu.dma_semaphore, #tpu.memory_space<semaphore_mem>>
    tpu.enqueue_indirect_dma source(%dma_start3A_14 : memref<100000x128xf32, #tpu.memory_space<hbm>>) target(%dma_start3A_8 : memref<50x128xf32, #tpu.memory_space<vmem>>) offsets(%dma_start3A_11 : memref<50xi32, #tpu.memory_space<vmem>>) semaphore(%dma_start3A_16 : memref<!tpu.dma_semaphore, #tpu.memory_space<semaphore_mem>>)
    %dma_start3A_17 = arith.constant 1 : i32
    %dma_start3A_18 = arith.constant 1 : i32
    %dma_start3A_19 = arith.constant 1 : i32
    %dma_start3A_20 = arith.constant 0 : i32
    %dma_start3A_21 = arith.constant 0 : i32
    %dma_start3A_22 = tpu.memref_slice %arg6[%dma_start3A_18, %dma_start3A_20, %dma_start3A_21] : memref<4x50x128xf32, #tpu.memory_space<vmem>> -> memref<1x50x128xf32, #tpu.memory_space<vmem>>
    %dma_start3A_23 = tpu.memref_squeeze %dma_start3A_22 : memref<1x50x128xf32, #tpu.memory_space<vmem>> -> memref<50x128xf32, #tpu.memory_space<vmem>>
    %dma_start3A_24 = arith.constant 0 : i32
    %dma_start3A_25 = tpu.memref_slice %arg5[%dma_start3A_17, %dma_start3A_24] : memref<32x50xi32, #tpu.memory_space<vmem>> -> memref<1x50xi32, #tpu.memory_space<vmem>>
    %dma_start3A_26 = tpu.memref_squeeze %dma_start3A_25 : memref<1x50xi32, #tpu.memory_space<vmem>> -> memref<50xi32, #tpu.memory_space<vmem>>
    %dma_start3A_27 = arith.constant 0 : i32
    %dma_start3A_28 = arith.constant 0 : i32
    %dma_start3A_29 = tpu.memref_slice %arg2[%dma_start3A_27, %dma_start3A_28] : memref<100000x128xf32, #tpu.memory_space<hbm>> -> memref<100000x128xf32, #tpu.memory_space<hbm>>
    %dma_start3A_30 = tpu.memref_slice %arg8[%dma_start3A_19] : memref<4x!tpu.dma_semaphore, #tpu.memory_space<semaphore_mem>> -> memref<1x!tpu.dma_semaphore, #tpu.memory_space<semaphore_mem>>
    %dma_start3A_31 = tpu.memref_squeeze %dma_start3A_30 : memref<1x!tpu.dma_semaphore, #tpu.memory_space<semaphore_mem>> -> memref<!tpu.dma_semaphore, #tpu.memory_space<semaphore_mem>>
    tpu.enqueue_indirect_dma source(%dma_start3A_29 : memref<100000x128xf32, #tpu.memory_space<hbm>>) target(%dma_start3A_23 : memref<50x128xf32, #tpu.memory_space<vmem>>) offsets(%dma_start3A_26 : memref<50xi32, #tpu.memory_space<vmem>>) semaphore(%dma_start3A_31 : memref<!tpu.dma_semaphore, #tpu.memory_space<semaphore_mem>>)
    %dma_start3A_32 = arith.constant 2 : i32
    %dma_start3A_33 = arith.constant 2 : i32
    %dma_start3A_34 = arith.constant 2 : i32
    %dma_start3A_35 = arith.constant 0 : i32
    %dma_start3A_36 = arith.constant 0 : i32
    %dma_start3A_37 = tpu.memref_slice %arg6[%dma_start3A_33, %dma_start3A_35, %dma_start3A_36] : memref<4x50x128xf32, #tpu.memory_space<vmem>> -> memref<1x50x128xf32, #tpu.memory_space<vmem>>
    %dma_start3A_38 = tpu.memref_squeeze %dma_start3A_37 : memref<1x50x128xf32, #tpu.memory_space<vmem>> -> memref<50x128xf32, #tpu.memory_space<vmem>>
    %dma_start3A_39 = arith.constant 0 : i32
    %dma_start3A_40 = tpu.memref_slice %arg5[%dma_start3A_32, %dma_start3A_39] : memref<32x50xi32, #tpu.memory_space<vmem>> -> memref<1x50xi32, #tpu.memory_space<vmem>>
    %dma_start3A_41 = tpu.memref_squeeze %dma_start3A_40 : memref<1x50xi32, #tpu.memory_space<vmem>> -> memref<50xi32, #tpu.memory_space<vmem>>
    %dma_start3A_42 = arith.constant 0 : i32
    %dma_start3A_43 = arith.constant 0 : i32
    %dma_start3A_44 = tpu.memref_slice %arg2[%dma_start3A_42, %dma_start3A_43] : memref<100000x128xf32, #tpu.memory_space<hbm>> -> memref<100000x128xf32, #tpu.memory_space<hbm>>
    %dma_start3A_45 = tpu.memref_slice %arg8[%dma_start3A_34] : memref<4x!tpu.dma_semaphore, #tpu.memory_space<semaphore_mem>> -> memref<1x!tpu.dma_semaphore, #tpu.memory_space<semaphore_mem>>
    %dma_start3A_46 = tpu.memref_squeeze %dma_start3A_45 : memref<1x!tpu.dma_semaphore, #tpu.memory_space<semaphore_mem>> -> memref<!tpu.dma_semaphore, #tpu.memory_space<semaphore_mem>>
    tpu.enqueue_indirect_dma source(%dma_start3A_44 : memref<100000x128xf32, #tpu.memory_space<hbm>>) target(%dma_start3A_38 : memref<50x128xf32, #tpu.memory_space<vmem>>) offsets(%dma_start3A_41 : memref<50xi32, #tpu.memory_space<vmem>>) semaphore(%dma_start3A_46 : memref<!tpu.dma_semaphore, #tpu.memory_space<semaphore_mem>>)
    %scan3A = arith.constant 0 : i32
    %scan3A_47 = arith.constant 0 : i32
    %scan3A_48 = arith.constant 32 : i32
    %scan3A_49 = arith.addi %scan3A_47, %scan3A_48 : i32
    %scan3A_50 = arith.constant 1 : i32
    scf.for %scan3A_52 = %scan3A_47 to %scan3A_49 step %scan3A_50  : i32 {
      %rem3A = arith.constant 4 : i32
      %rem3A_53 = arith.remsi %scan3A_52, %rem3A : i32
      %dma_wait3A = arith.constant 0 : i32
      %dma_wait3A_54 = arith.constant 0 : i32
      %dma_wait3A_55 = tpu.memref_slice %arg6[%rem3A_53, %dma_wait3A, %dma_wait3A_54] : memref<4x50x128xf32, #tpu.memory_space<vmem>> -> memref<1x50x128xf32, #tpu.memory_space<vmem>>
      %dma_wait3A_56 = tpu.memref_squeeze %dma_wait3A_55 : memref<1x50x128xf32, #tpu.memory_space<vmem>> -> memref<50x128xf32, #tpu.memory_space<vmem>>
      %dma_wait3A_57 = arith.constant 0 : i32
      %dma_wait3A_58 = tpu.memref_slice %arg5[%scan3A_52, %dma_wait3A_57] : memref<32x50xi32, #tpu.memory_space<vmem>> -> memref<1x50xi32, #tpu.memory_space<vmem>>
      %dma_wait3A_59 = tpu.memref_squeeze %dma_wait3A_58 : memref<1x50xi32, #tpu.memory_space<vmem>> -> memref<50xi32, #tpu.memory_space<vmem>>
      %dma_wait3A_60 = arith.constant 0 : i32
      %dma_wait3A_61 = arith.constant 0 : i32
      %dma_wait3A_62 = tpu.memref_slice %arg2[%dma_wait3A_60, %dma_wait3A_61] : memref<100000x128xf32, #tpu.memory_space<hbm>> -> memref<100000x128xf32, #tpu.memory_space<hbm>>
      %dma_wait3A_63 = tpu.memref_slice %arg8[%rem3A_53] : memref<4x!tpu.dma_semaphore, #tpu.memory_space<semaphore_mem>> -> memref<1x!tpu.dma_semaphore, #tpu.memory_space<semaphore_mem>>
      %dma_wait3A_64 = tpu.memref_squeeze %dma_wait3A_63 : memref<1x!tpu.dma_semaphore, #tpu.memory_space<semaphore_mem>> -> memref<!tpu.dma_semaphore, #tpu.memory_space<semaphore_mem>>
      tpu.wait_indirect_dma semaphore(%dma_wait3A_64 : memref<!tpu.dma_semaphore, #tpu.memory_space<semaphore_mem>>) src(%dma_wait3A_62 : memref<100000x128xf32, #tpu.memory_space<hbm>>) dst(%dma_wait3A_56 : memref<50x128xf32, #tpu.memory_space<vmem>>)
      %add3A_65 = arith.constant 4 : i32
      %add3A_66 = arith.addi %scan3A_52, %add3A_65 : i32
      %sub3A = arith.constant 1 : i32
      %sub3A_67 = arith.subi %add3A_66, %sub3A : i32
      %lt3A = arith.constant 32 : i32
      %lt3A_68 = arith.cmpi slt, %sub3A_67, %lt3A : i32
      %convert_element_type3A = arith.extui %lt3A_68 : i1 to i32
      %cond3A = arith.constant 0 : i32
      %cond3A_69 = arith.cmpi ne, %convert_element_type3A, %cond3A : i32
      scf.if %cond3A_69 {
        %rem3A_2924 = arith.constant 4 : i32
        %rem3A_2925 = arith.remsi %sub3A_67, %rem3A_2924 : i32
        %dma_start3A_2926 = arith.constant 0 : i32
        %dma_start3A_2927 = arith.constant 0 : i32
        %dma_start3A_2928 = tpu.memref_slice %arg6[%rem3A_2925, %dma_start3A_2926, %dma_start3A_2927] : memref<4x50x128xf32, #tpu.memory_space<vmem>> -> memref<1x50x128xf32, #tpu.memory_space<vmem>>
        %dma_start3A_2929 = tpu.memref_squeeze %dma_start3A_2928 : memref<1x50x128xf32, #tpu.memory_space<vmem>> -> memref<50x128xf32, #tpu.memory_space<vmem>>
        %dma_start3A_2930 = arith.constant 0 : i32
        %dma_start3A_2931 = tpu.memref_slice %arg5[%sub3A_67, %dma_start3A_2930] : memref<32x50xi32, #tpu.memory_space<vmem>> -> memref<1x50xi32, #tpu.memory_space<vmem>>
        %dma_start3A_2932 = tpu.memref_squeeze %dma_start3A_2931 : memref<1x50xi32, #tpu.memory_space<vmem>> -> memref<50xi32, #tpu.memory_space<vmem>>
        %dma_start3A_2933 = arith.constant 0 : i32
        %dma_start3A_2934 = arith.constant 0 : i32
        %dma_start3A_2935 = tpu.memref_slice %arg2[%dma_start3A_2933, %dma_start3A_2934] : memref<100000x128xf32, #tpu.memory_space<hbm>> -> memref<100000x128xf32, #tpu.memory_space<hbm>>
        %dma_start3A_2936 = tpu.memref_slice %arg8[%rem3A_2925] : memref<4x!tpu.dma_semaphore, #tpu.memory_space<semaphore_mem>> -> memref<1x!tpu.dma_semaphore, #tpu.memory_space<semaphore_mem>>
        %dma_start3A_2937 = tpu.memref_squeeze %dma_start3A_2936 : memref<1x!tpu.dma_semaphore, #tpu.memory_space<semaphore_mem>> -> memref<!tpu.dma_semaphore, #tpu.memory_space<semaphore_mem>>
        tpu.enqueue_indirect_dma source(%dma_start3A_2935 : memref<100000x128xf32, #tpu.memory_space<hbm>>) target(%dma_start3A_2929 : memref<50x128xf32, #tpu.memory_space<vmem>>) offsets(%dma_start3A_2932 : memref<50xi32, #tpu.memory_space<vmem>>) semaphore(%dma_start3A_2937 : memref<!tpu.dma_semaphore, #tpu.memory_space<semaphore_mem>>)
      } else {
      }
      %get3A = arith.constant 0 : i32
      %get3A_70 = arith.index_cast %rem3A_53 : i32 to index
      %get3A_71 = arith.index_cast %get3A : i32 to index
      %get3A_72 = arith.constant 0 : index
      %get3A_73 = tpu.vector_load %arg6[%get3A_70, %get3A_71, %get3A_72] {strides = array<i32>} : memref<4x50x128xf32, #tpu.memory_space<vmem>>, vector<1x1x16xf32>,
      %get3A_74 = vector.shape_cast %get3A_73 : vector<1x1x16xf32> to vector<16xf32>
      %get3A_75 = arith.constant 1 : i32
      %get3A_76 = arith.index_cast %rem3A_53 : i32 to index
      %get3A_77 = arith.index_cast %get3A_75 : i32 to index
      %get3A_78 = arith.constant 0 : index
      %get3A_79 = tpu.vector_load %arg6[%get3A_76, %get3A_77, %get3A_78] {strides = array<i32>} : memref<4x50x128xf32, #tpu.memory_space<vmem>>, vector<1x1x16xf32>,
      %get3A_80 = vector.shape_cast %get3A_79 : vector<1x1x16xf32> to vector<16xf32>
      %add3A_81 = arith.addf %get3A_74, %get3A_80 : vector<16xf32>
      %get3A_82 = arith.constant 2 : i32
      %get3A_83 = arith.index_cast %rem3A_53 : i32 to index
      %get3A_84 = arith.index_cast %get3A_82 : i32 to index
      %get3A_85 = arith.constant 0 : index
      %get3A_86 = tpu.vector_load %arg6[%get3A_83, %get3A_84, %get3A_85] {strides = array<i32>} : memref<4x50x128xf32, #tpu.memory_space<vmem>>, vector<1x1x16xf32>,
      %get3A_87 = vector.shape_cast %get3A_86 : vector<1x1x16xf32> to vector<16xf32>
      %add3A_88 = arith.addf %add3A_81, %get3A_87 : vector<16xf32>
      %get3A_89 = arith.constant 3 : i32
      %get3A_90 = arith.index_cast %rem3A_53 : i32 to index
      %get3A_91 = arith.index_cast %get3A_89 : i32 to index
      %get3A_92 = arith.constant 0 : index
      %get3A_93 = tpu.vector_load %arg6[%get3A_90, %get3A_91, %get3A_92] {strides = array<i32>} : memref<4x50x128xf32, #tpu.memory_space<vmem>>, vector<1x1x16xf32>,
      %get3A_94 = vector.shape_cast %get3A_93 : vector<1x1x16xf32> to vector<16xf32>
      %add3A_95 = arith.addf %add3A_88, %get3A_94 : vector<16xf32>
      %get3A_96 = arith.constant 4 : i32
      %get3A_97 = arith.index_cast %rem3A_53 : i32 to index
      %get3A_98 = arith.index_cast %get3A_96 : i32 to index
      %get3A_99 = arith.constant 0 : index
      %get3A_100 = tpu.vector_load %arg6[%get3A_97, %get3A_98, %get3A_99] {strides = array<i32>} : memref<4x50x128xf32, #tpu.memory_space<vmem>>, vector<1x1x16xf32>,
      %get3A_101 = vector.shape_cast %get3A_100 : vector<1x1x16xf32> to vector<16xf32>
      %add3A_102 = arith.addf %add3A_95, %get3A_101 : vector<16xf32>
      %get3A_103 = arith.constant 5 : i32
      %get3A_104 = arith.index_cast %rem3A_53 : i32 to index
      %get3A_105 = arith.index_cast %get3A_103 : i32 to index
      %get3A_106 = arith.constant 0 : index
      %get3A_107 = tpu.vector_load %arg6[%get3A_104, %get3A_105, %get3A_106] {strides = array<i32>} : memref<4x50x128xf32, #tpu.memory_space<vmem>>, vector<1x1x16xf32>,
      %get3A_108 = vector.shape_cast %get3A_107 : vector<1x1x16xf32> to vector<16xf32>
      %add3A_109 = arith.addf %add3A_102, %get3A_108 : vector<16xf32>
      %get3A_110 = arith.constant 6 : i32
      %get3A_111 = arith.index_cast %rem3A_53 : i32 to index
      %get3A_112 = arith.index_cast %get3A_110 : i32 to index
      %get3A_113 = arith.constant 0 : index
      %get3A_114 = tpu.vector_load %arg6[%get3A_111, %get3A_112, %get3A_113] {strides = array<i32>} : memref<4x50x128xf32, #tpu.memory_space<vmem>>, vector<1x1x16xf32>,
      %get3A_115 = vector.shape_cast %get3A_114 : vector<1x1x16xf32> to vector<16xf32>
      %add3A_116 = arith.addf %add3A_109, %get3A_115 : vector<16xf32>
      %get3A_117 = arith.constant 7 : i32
      %get3A_118 = arith.index_cast %rem3A_53 : i32 to index
      %get3A_119 = arith.index_cast %get3A_117 : i32 to index
      %get3A_120 = arith.constant 0 : index
      %get3A_121 = tpu.vector_load %arg6[%get3A_118, %get3A_119, %get3A_120] {strides = array<i32>} : memref<4x50x128xf32, #tpu.memory_space<vmem>>, vector<1x1x16xf32>,
      %get3A_122 = vector.shape_cast %get3A_121 : vector<1x1x16xf32> to vector<16xf32>
      %add3A_123 = arith.addf %add3A_116, %get3A_122 : vector<16xf32>
      %get3A_124 = arith.constant 8 : i32
      %get3A_125 = arith.index_cast %rem3A_53 : i32 to index
      %get3A_126 = arith.index_cast %get3A_124 : i32 to index
      %get3A_127 = arith.constant 0 : index
      %get3A_128 = tpu.vector_load %arg6[%get3A_125, %get3A_126, %get3A_127] {strides = array<i32>} : memref<4x50x128xf32, #tpu.memory_space<vmem>>, vector<1x1x16xf32>,
      %get3A_129 = vector.shape_cast %get3A_128 : vector<1x1x16xf32> to vector<16xf32>
      %add3A_130 = arith.addf %add3A_123, %get3A_129 : vector<16xf32>
      %get3A_131 = arith.constant 9 : i32
      %get3A_132 = arith.index_cast %rem3A_53 : i32 to index
      %get3A_133 = arith.index_cast %get3A_131 : i32 to index
      %get3A_134 = arith.constant 0 : index
      %get3A_135 = tpu.vector_load %arg6[%get3A_132, %get3A_133, %get3A_134] {strides = array<i32>} : memref<4x50x128xf32, #tpu.memory_space<vmem>>, vector<1x1x16xf32>,
      %get3A_136 = vector.shape_cast %get3A_135 : vector<1x1x16xf32> to vector<16xf32>
      %add3A_137 = arith.addf %add3A_130, %get3A_136 : vector<16xf32>
      %get3A_138 = arith.constant 10 : i32
      %get3A_139 = arith.index_cast %rem3A_53 : i32 to index
      %get3A_140 = arith.index_cast %get3A_138 : i32 to index
      %get3A_141 = arith.constant 0 : index
      %get3A_142 = tpu.vector_load %arg6[%get3A_139, %get3A_140, %get3A_141] {strides = array<i32>} : memref<4x50x128xf32, #tpu.memory_space<vmem>>, vector<1x1x16xf32>,
      %get3A_143 = vector.shape_cast %get3A_142 : vector<1x1x16xf32> to vector<16xf32>
      %add3A_144 = arith.addf %add3A_137, %get3A_143 : vector<16xf32>
      %get3A_145 = arith.constant 11 : i32
      %get3A_146 = arith.index_cast %rem3A_53 : i32 to index
      %get3A_147 = arith.index_cast %get3A_145 : i32 to index
      %get3A_148 = arith.constant 0 : index
      %get3A_149 = tpu.vector_load %arg6[%get3A_146, %get3A_147, %get3A_148] {strides = array<i32>} : memref<4x50x128xf32, #tpu.memory_space<vmem>>, vector<1x1x16xf32>,
      %get3A_150 = vector.shape_cast %get3A_149 : vector<1x1x16xf32> to vector<16xf32>
      %add3A_151 = arith.addf %add3A_144, %get3A_150 : vector<16xf32>
      %get3A_152 = arith.constant 12 : i32
      %get3A_153 = arith.index_cast %rem3A_53 : i32 to index
      %get3A_154 = arith.index_cast %get3A_152 : i32 to index
      %get3A_155 = arith.constant 0 : index
      %get3A_156 = tpu.vector_load %arg6[%get3A_153, %get3A_154, %get3A_155] {strides = array<i32>} : memref<4x50x128xf32, #tpu.memory_space<vmem>>, vector<1x1x16xf32>,
      %get3A_157 = vector.shape_cast %get3A_156 : vector<1x1x16xf32> to vector<16xf32>
      %add3A_158 = arith.addf %add3A_151, %get3A_157 : vector<16xf32>
      %get3A_159 = arith.constant 13 : i32
      %get3A_160 = arith.index_cast %rem3A_53 : i32 to index
      %get3A_161 = arith.index_cast %get3A_159 : i32 to index
      %get3A_162 = arith.constant 0 : index
      %get3A_163 = tpu.vector_load %arg6[%get3A_160, %get3A_161, %get3A_162] {strides = array<i32>} : memref<4x50x128xf32, #tpu.memory_space<vmem>>, vector<1x1x16xf32>,
      %get3A_164 = vector.shape_cast %get3A_163 : vector<1x1x16xf32> to vector<16xf32>
      %add3A_165 = arith.addf %add3A_158, %get3A_164 : vector<16xf32>
      %get3A_166 = arith.constant 14 : i32
      %get3A_167 = arith.index_cast %rem3A_53 : i32 to index
      %get3A_168 = arith.index_cast %get3A_166 : i32 to index
      %get3A_169 = arith.constant 0 : index
      %get3A_170 = tpu.vector_load %arg6[%get3A_167, %get3A_168, %get3A_169] {strides = array<i32>} : memref<4x50x128xf32, #tpu.memory_space<vmem>>, vector<1x1x16xf32>,
      %get3A_171 = vector.shape_cast %get3A_170 : vector<1x1x16xf32> to vector<16xf32>
      %add3A_172 = arith.addf %add3A_165, %get3A_171 : vector<16xf32>
      %get3A_173 = arith.constant 15 : i32
      %get3A_174 = arith.index_cast %rem3A_53 : i32 to index
      %get3A_175 = arith.index_cast %get3A_173 : i32 to index
      %get3A_176 = arith.constant 0 : index
      %get3A_177 = tpu.vector_load %arg6[%get3A_174, %get3A_175, %get3A_176] {strides = array<i32>} : memref<4x50x128xf32, #tpu.memory_space<vmem>>, vector<1x1x16xf32>,
      %get3A_178 = vector.shape_cast %get3A_177 : vector<1x1x16xf32> to vector<16xf32>
      %add3A_179 = arith.addf %add3A_172, %get3A_178 : vector<16xf32>
      %get3A_180 = arith.constant 16 : i32
      %get3A_181 = arith.index_cast %rem3A_53 : i32 to index
      %get3A_182 = arith.index_cast %get3A_180 : i32 to index
      %get3A_183 = arith.constant 0 : index
      %get3A_184 = tpu.vector_load %arg6[%get3A_181, %get3A_182, %get3A_183] {strides = array<i32>} : memref<4x50x128xf32, #tpu.memory_space<vmem>>, vector<1x1x16xf32>,
      %get3A_185 = vector.shape_cast %get3A_184 : vector<1x1x16xf32> to vector<16xf32>
      %add3A_186 = arith.addf %add3A_179, %get3A_185 : vector<16xf32>
      %get3A_187 = arith.constant 17 : i32
      %get3A_188 = arith.index_cast %rem3A_53 : i32 to index
      %get3A_189 = arith.index_cast %get3A_187 : i32 to index
      %get3A_190 = arith.constant 0 : index
      %get3A_191 = tpu.vector_load %arg6[%get3A_188, %get3A_189, %get3A_190] {strides = array<i32>} : memref<4x50x128xf32, #tpu.memory_space<vmem>>, vector<1x1x16xf32>,
      %get3A_192 = vector.shape_cast %get3A_191 : vector<1x1x16xf32> to vector<16xf32>
      %add3A_193 = arith.addf %add3A_186, %get3A_192 : vector<16xf32>
      %get3A_194 = arith.constant 18 : i32
      %get3A_195 = arith.index_cast %rem3A_53 : i32 to index
      %get3A_196 = arith.index_cast %get3A_194 : i32 to index
      %get3A_197 = arith.constant 0 : index
      %get3A_198 = tpu.vector_load %arg6[%get3A_195, %get3A_196, %get3A_197] {strides = array<i32>} : memref<4x50x128xf32, #tpu.memory_space<vmem>>, vector<1x1x16xf32>,
      %get3A_199 = vector.shape_cast %get3A_198 : vector<1x1x16xf32> to vector<16xf32>
      %add3A_200 = arith.addf %add3A_193, %get3A_199 : vector<16xf32>
      %get3A_201 = arith.constant 19 : i32
      %get3A_202 = arith.index_cast %rem3A_53 : i32 to index
      %get3A_203 = arith.index_cast %get3A_201 : i32 to index
      %get3A_204 = arith.constant 0 : index
      %get3A_205 = tpu.vector_load %arg6[%get3A_202, %get3A_203, %get3A_204] {strides = array<i32>} : memref<4x50x128xf32, #tpu.memory_space<vmem>>, vector<1x1x16xf32>,
      %get3A_206 = vector.shape_cast %get3A_205 : vector<1x1x16xf32> to vector<16xf32>
      %add3A_207 = arith.addf %add3A_200, %get3A_206 : vector<16xf32>
      %get3A_208 = arith.constant 20 : i32
      %get3A_209 = arith.index_cast %rem3A_53 : i32 to index
      %get3A_210 = arith.index_cast %get3A_208 : i32 to index
      %get3A_211 = arith.constant 0 : index
      %get3A_212 = tpu.vector_load %arg6[%get3A_209, %get3A_210, %get3A_211] {strides = array<i32>} : memref<4x50x128xf32, #tpu.memory_space<vmem>>, vector<1x1x16xf32>,
      %get3A_213 = vector.shape_cast %get3A_212 : vector<1x1x16xf32> to vector<16xf32>
      %add3A_214 = arith.addf %add3A_207, %get3A_213 : vector<16xf32>
      %get3A_215 = arith.constant 21 : i32
      %get3A_216 = arith.index_cast %rem3A_53 : i32 to index
      %get3A_217 = arith.index_cast %get3A_215 : i32 to index
      %get3A_218 = arith.constant 0 : index
      %get3A_219 = tpu.vector_load %arg6[%get3A_216, %get3A_217, %get3A_218] {strides = array<i32>} : memref<4x50x128xf32, #tpu.memory_space<vmem>>, vector<1x1x16xf32>,
      %get3A_220 = vector.shape_cast %get3A_219 : vector<1x1x16xf32> to vector<16xf32>
      %add3A_221 = arith.addf %add3A_214, %get3A_220 : vector<16xf32>
      %get3A_222 = arith.constant 22 : i32
      %get3A_223 = arith.index_cast %rem3A_53 : i32 to index
      %get3A_224 = arith.index_cast %get3A_222 : i32 to index
      %get3A_225 = arith.constant 0 : index
      %get3A_226 = tpu.vector_load %arg6[%get3A_223, %get3A_224, %get3A_225] {strides = array<i32>} : memref<4x50x128xf32, #tpu.memory_space<vmem>>, vector<1x1x16xf32>,
      %get3A_227 = vector.shape_cast %get3A_226 : vector<1x1x16xf32> to vector<16xf32>
      %add3A_228 = arith.addf %add3A_221, %get3A_227 : vector<16xf32>
      %get3A_229 = arith.constant 23 : i32
      %get3A_230 = arith.index_cast %rem3A_53 : i32 to index
      %get3A_231 = arith.index_cast %get3A_229 : i32 to index
      %get3A_232 = arith.constant 0 : index
      %get3A_233 = tpu.vector_load %arg6[%get3A_230, %get3A_231, %get3A_232] {strides = array<i32>} : memref<4x50x128xf32, #tpu.memory_space<vmem>>, vector<1x1x16xf32>,
      %get3A_234 = vector.shape_cast %get3A_233 : vector<1x1x16xf32> to vector<16xf32>
      %add3A_235 = arith.addf %add3A_228, %get3A_234 : vector<16xf32>
      %get3A_236 = arith.constant 24 : i32
      %get3A_237 = arith.index_cast %rem3A_53 : i32 to index
      %get3A_238 = arith.index_cast %get3A_236 : i32 to index
      %get3A_239 = arith.constant 0 : index
      %get3A_240 = tpu.vector_load %arg6[%get3A_237, %get3A_238, %get3A_239] {strides = array<i32>} : memref<4x50x128xf32, #tpu.memory_space<vmem>>, vector<1x1x16xf32>,
      %get3A_241 = vector.shape_cast %get3A_240 : vector<1x1x16xf32> to vector<16xf32>
      %add3A_242 = arith.addf %add3A_235, %get3A_241 : vector<16xf32>
      %get3A_243 = arith.constant 25 : i32
      %get3A_244 = arith.index_cast %rem3A_53 : i32 to index
      %get3A_245 = arith.index_cast %get3A_243 : i32 to index
      %get3A_246 = arith.constant 0 : index
      %get3A_247 = tpu.vector_load %arg6[%get3A_244, %get3A_245, %get3A_246] {strides = array<i32>} : memref<4x50x128xf32, #tpu.memory_space<vmem>>, vector<1x1x16xf32>,
      %get3A_248 = vector.shape_cast %get3A_247 : vector<1x1x16xf32> to vector<16xf32>
      %add3A_249 = arith.addf %add3A_242, %get3A_248 : vector<16xf32>
      %get3A_250 = arith.constant 26 : i32
      %get3A_251 = arith.index_cast %rem3A_53 : i32 to index
      %get3A_252 = arith.index_cast %get3A_250 : i32 to index
      %get3A_253 = arith.constant 0 : index
      %get3A_254 = tpu.vector_load %arg6[%get3A_251, %get3A_252, %get3A_253] {strides = array<i32>} : memref<4x50x128xf32, #tpu.memory_space<vmem>>, vector<1x1x16xf32>,
      %get3A_255 = vector.shape_cast %get3A_254 : vector<1x1x16xf32> to vector<16xf32>
      %add3A_256 = arith.addf %add3A_249, %get3A_255 : vector<16xf32>
      %get3A_257 = arith.constant 27 : i32
      %get3A_258 = arith.index_cast %rem3A_53 : i32 to index
      %get3A_259 = arith.index_cast %get3A_257 : i32 to index
      %get3A_260 = arith.constant 0 : index
      %get3A_261 = tpu.vector_load %arg6[%get3A_258, %get3A_259, %get3A_260] {strides = array<i32>} : memref<4x50x128xf32, #tpu.memory_space<vmem>>, vector<1x1x16xf32>,
      %get3A_262 = vector.shape_cast %get3A_261 : vector<1x1x16xf32> to vector<16xf32>
      %add3A_263 = arith.addf %add3A_256, %get3A_262 : vector<16xf32>
      %get3A_264 = arith.constant 28 : i32
      %get3A_265 = arith.index_cast %rem3A_53 : i32 to index
      %get3A_266 = arith.index_cast %get3A_264 : i32 to index
      %get3A_267 = arith.constant 0 : index
      %get3A_268 = tpu.vector_load %arg6[%get3A_265, %get3A_266, %get3A_267] {strides = array<i32>} : memref<4x50x128xf32, #tpu.memory_space<vmem>>, vector<1x1x16xf32>,
      %get3A_269 = vector.shape_cast %get3A_268 : vector<1x1x16xf32> to vector<16xf32>
      %add3A_270 = arith.addf %add3A_263, %get3A_269 : vector<16xf32>
      %get3A_271 = arith.constant 29 : i32
      %get3A_272 = arith.index_cast %rem3A_53 : i32 to index
      %get3A_273 = arith.index_cast %get3A_271 : i32 to index
      %get3A_274 = arith.constant 0 : index
      %get3A_275 = tpu.vector_load %arg6[%get3A_272, %get3A_273, %get3A_274] {strides = array<i32>} : memref<4x50x128xf32, #tpu.memory_space<vmem>>, vector<1x1x16xf32>,
      %get3A_276 = vector.shape_cast %get3A_275 : vector<1x1x16xf32> to vector<16xf32>
      %add3A_277 = arith.addf %add3A_270, %get3A_276 : vector<16xf32>
      %get3A_278 = arith.constant 30 : i32
      %get3A_279 = arith.index_cast %rem3A_53 : i32 to index
      %get3A_280 = arith.index_cast %get3A_278 : i32 to index
      %get3A_281 = arith.constant 0 : index
      %get3A_282 = tpu.vector_load %arg6[%get3A_279, %get3A_280, %get3A_281] {strides = array<i32>} : memref<4x50x128xf32, #tpu.memory_space<vmem>>, vector<1x1x16xf32>,
      %get3A_283 = vector.shape_cast %get3A_282 : vector<1x1x16xf32> to vector<16xf32>
      %add3A_284 = arith.addf %add3A_277, %get3A_283 : vector<16xf32>
      %get3A_285 = arith.constant 31 : i32
      %get3A_286 = arith.index_cast %rem3A_53 : i32 to index
      %get3A_287 = arith.index_cast %get3A_285 : i32 to index
      %get3A_288 = arith.constant 0 : index
      %get3A_289 = tpu.vector_load %arg6[%get3A_286, %get3A_287, %get3A_288] {strides = array<i32>} : memref<4x50x128xf32, #tpu.memory_space<vmem>>, vector<1x1x16xf32>,
      %get3A_290 = vector.shape_cast %get3A_289 : vector<1x1x16xf32> to vector<16xf32>
      %add3A_291 = arith.addf %add3A_284, %get3A_290 : vector<16xf32>
      %get3A_292 = arith.constant 32 : i32
      %get3A_293 = arith.index_cast %rem3A_53 : i32 to index
      %get3A_294 = arith.index_cast %get3A_292 : i32 to index
      %get3A_295 = arith.constant 0 : index
      %get3A_296 = tpu.vector_load %arg6[%get3A_293, %get3A_294, %get3A_295] {strides = array<i32>} : memref<4x50x128xf32, #tpu.memory_space<vmem>>, vector<1x1x16xf32>,
      %get3A_297 = vector.shape_cast %get3A_296 : vector<1x1x16xf32> to vector<16xf32>
      %add3A_298 = arith.addf %add3A_291, %get3A_297 : vector<16xf32>
      %get3A_299 = arith.constant 33 : i32
      %get3A_300 = arith.index_cast %rem3A_53 : i32 to index
      %get3A_301 = arith.index_cast %get3A_299 : i32 to index
      %get3A_302 = arith.constant 0 : index
      %get3A_303 = tpu.vector_load %arg6[%get3A_300, %get3A_301, %get3A_302] {strides = array<i32>} : memref<4x50x128xf32, #tpu.memory_space<vmem>>, vector<1x1x16xf32>,
      %get3A_304 = vector.shape_cast %get3A_303 : vector<1x1x16xf32> to vector<16xf32>
      %add3A_305 = arith.addf %add3A_298, %get3A_304 : vector<16xf32>
      %get3A_306 = arith.constant 34 : i32
      %get3A_307 = arith.index_cast %rem3A_53 : i32 to index
      %get3A_308 = arith.index_cast %get3A_306 : i32 to index
      %get3A_309 = arith.constant 0 : index
      %get3A_310 = tpu.vector_load %arg6[%get3A_307, %get3A_308, %get3A_309] {strides = array<i32>} : memref<4x50x128xf32, #tpu.memory_space<vmem>>, vector<1x1x16xf32>,
      %get3A_311 = vector.shape_cast %get3A_310 : vector<1x1x16xf32> to vector<16xf32>
      %add3A_312 = arith.addf %add3A_305, %get3A_311 : vector<16xf32>
      %get3A_313 = arith.constant 35 : i32
      %get3A_314 = arith.index_cast %rem3A_53 : i32 to index
      %get3A_315 = arith.index_cast %get3A_313 : i32 to index
      %get3A_316 = arith.constant 0 : index
      %get3A_317 = tpu.vector_load %arg6[%get3A_314, %get3A_315, %get3A_316] {strides = array<i32>} : memref<4x50x128xf32, #tpu.memory_space<vmem>>, vector<1x1x16xf32>,
      %get3A_318 = vector.shape_cast %get3A_317 : vector<1x1x16xf32> to vector<16xf32>
      %add3A_319 = arith.addf %add3A_312, %get3A_318 : vector<16xf32>
      %get3A_320 = arith.constant 36 : i32
      %get3A_321 = arith.index_cast %rem3A_53 : i32 to index
      %get3A_322 = arith.index_cast %get3A_320 : i32 to index
      %get3A_323 = arith.constant 0 : index
      %get3A_324 = tpu.vector_load %arg6[%get3A_321, %get3A_322, %get3A_323] {strides = array<i32>} : memref<4x50x128xf32, #tpu.memory_space<vmem>>, vector<1x1x16xf32>,
      %get3A_325 = vector.shape_cast %get3A_324 : vector<1x1x16xf32> to vector<16xf32>
      %add3A_326 = arith.addf %add3A_319, %get3A_325 : vector<16xf32>
      %get3A_327 = arith.constant 37 : i32
      %get3A_328 = arith.index_cast %rem3A_53 : i32 to index
      %get3A_329 = arith.index_cast %get3A_327 : i32 to index
      %get3A_330 = arith.constant 0 : index
      %get3A_331 = tpu.vector_load %arg6[%get3A_328, %get3A_329, %get3A_330] {strides = array<i32>} : memref<4x50x128xf32, #tpu.memory_space<vmem>>, vector<1x1x16xf32>,
      %get3A_332 = vector.shape_cast %get3A_331 : vector<1x1x16xf32> to vector<16xf32>
      %add3A_333 = arith.addf %add3A_326, %get3A_332 : vector<16xf32>
      %get3A_334 = arith.constant 38 : i32
      %get3A_335 = arith.index_cast %rem3A_53 : i32 to index
      %get3A_336 = arith.index_cast %get3A_334 : i32 to index
      %get3A_337 = arith.constant 0 : index
      %get3A_338 = tpu.vector_load %arg6[%get3A_335, %get3A_336, %get3A_337] {strides = array<i32>} : memref<4x50x128xf32, #tpu.memory_space<vmem>>, vector<1x1x16xf32>,
      %get3A_339 = vector.shape_cast %get3A_338 : vector<1x1x16xf32> to vector<16xf32>
      %add3A_340 = arith.addf %add3A_333, %get3A_339 : vector<16xf32>
      %get3A_341 = arith.constant 39 : i32
      %get3A_342 = arith.index_cast %rem3A_53 : i32 to index
      %get3A_343 = arith.index_cast %get3A_341 : i32 to index
      %get3A_344 = arith.constant 0 : index
      %get3A_345 = tpu.vector_load %arg6[%get3A_342, %get3A_343, %get3A_344] {strides = array<i32>} : memref<4x50x128xf32, #tpu.memory_space<vmem>>, vector<1x1x16xf32>,
      %get3A_346 = vector.shape_cast %get3A_345 : vector<1x1x16xf32> to vector<16xf32>
      %add3A_347 = arith.addf %add3A_340, %get3A_346 : vector<16xf32>
      %get3A_348 = arith.constant 40 : i32
      %get3A_349 = arith.index_cast %rem3A_53 : i32 to index
      %get3A_350 = arith.index_cast %get3A_348 : i32 to index
      %get3A_351 = arith.constant 0 : index
      %get3A_352 = tpu.vector_load %arg6[%get3A_349, %get3A_350, %get3A_351] {strides = array<i32>} : memref<4x50x128xf32, #tpu.memory_space<vmem>>, vector<1x1x16xf32>,
      %get3A_353 = vector.shape_cast %get3A_352 : vector<1x1x16xf32> to vector<16xf32>
      %add3A_354 = arith.addf %add3A_347, %get3A_353 : vector<16xf32>
      %get3A_355 = arith.constant 41 : i32
      %get3A_356 = arith.index_cast %rem3A_53 : i32 to index
      %get3A_357 = arith.index_cast %get3A_355 : i32 to index
      %get3A_358 = arith.constant 0 : index
      %get3A_359 = tpu.vector_load %arg6[%get3A_356, %get3A_357, %get3A_358] {strides = array<i32>} : memref<4x50x128xf32, #tpu.memory_space<vmem>>, vector<1x1x16xf32>,
      %get3A_360 = vector.shape_cast %get3A_359 : vector<1x1x16xf32> to vector<16xf32>
      %add3A_361 = arith.addf %add3A_354, %get3A_360 : vector<16xf32>
      %get3A_362 = arith.constant 42 : i32
      %get3A_363 = arith.index_cast %rem3A_53 : i32 to index
      %get3A_364 = arith.index_cast %get3A_362 : i32 to index
      %get3A_365 = arith.constant 0 : index
      %get3A_366 = tpu.vector_load %arg6[%get3A_363, %get3A_364, %get3A_365] {strides = array<i32>} : memref<4x50x128xf32, #tpu.memory_space<vmem>>, vector<1x1x16xf32>,
      %get3A_367 = vector.shape_cast %get3A_366 : vector<1x1x16xf32> to vector<16xf32>
      %add3A_368 = arith.addf %add3A_361, %get3A_367 : vector<16xf32>
      %get3A_369 = arith.constant 43 : i32
      %get3A_370 = arith.index_cast %rem3A_53 : i32 to index
      %get3A_371 = arith.index_cast %get3A_369 : i32 to index
      %get3A_372 = arith.constant 0 : index
      %get3A_373 = tpu.vector_load %arg6[%get3A_370, %get3A_371, %get3A_372] {strides = array<i32>} : memref<4x50x128xf32, #tpu.memory_space<vmem>>, vector<1x1x16xf32>,
      %get3A_374 = vector.shape_cast %get3A_373 : vector<1x1x16xf32> to vector<16xf32>
      %add3A_375 = arith.addf %add3A_368, %get3A_374 : vector<16xf32>
      %get3A_376 = arith.constant 44 : i32
      %get3A_377 = arith.index_cast %rem3A_53 : i32 to index
      %get3A_378 = arith.index_cast %get3A_376 : i32 to index
      %get3A_379 = arith.constant 0 : index
      %get3A_380 = tpu.vector_load %arg6[%get3A_377, %get3A_378, %get3A_379] {strides = array<i32>} : memref<4x50x128xf32, #tpu.memory_space<vmem>>, vector<1x1x16xf32>,
      %get3A_381 = vector.shape_cast %get3A_380 : vector<1x1x16xf32> to vector<16xf32>
      %add3A_382 = arith.addf %add3A_375, %get3A_381 : vector<16xf32>
      %get3A_383 = arith.constant 45 : i32
      %get3A_384 = arith.index_cast %rem3A_53 : i32 to index
      %get3A_385 = arith.index_cast %get3A_383 : i32 to index
      %get3A_386 = arith.constant 0 : index
      %get3A_387 = tpu.vector_load %arg6[%get3A_384, %get3A_385, %get3A_386] {strides = array<i32>} : memref<4x50x128xf32, #tpu.memory_space<vmem>>, vector<1x1x16xf32>,
      %get3A_388 = vector.shape_cast %get3A_387 : vector<1x1x16xf32> to vector<16xf32>
      %add3A_389 = arith.addf %add3A_382, %get3A_388 : vector<16xf32>
      %get3A_390 = arith.constant 46 : i32
      %get3A_391 = arith.index_cast %rem3A_53 : i32 to index
      %get3A_392 = arith.index_cast %get3A_390 : i32 to index
      %get3A_393 = arith.constant 0 : index
      %get3A_394 = tpu.vector_load %arg6[%get3A_391, %get3A_392, %get3A_393] {strides = array<i32>} : memref<4x50x128xf32, #tpu.memory_space<vmem>>, vector<1x1x16xf32>,
      %get3A_395 = vector.shape_cast %get3A_394 : vector<1x1x16xf32> to vector<16xf32>
      %add3A_396 = arith.addf %add3A_389, %get3A_395 : vector<16xf32>
      %get3A_397 = arith.constant 47 : i32
      %get3A_398 = arith.index_cast %rem3A_53 : i32 to index
      %get3A_399 = arith.index_cast %get3A_397 : i32 to index
      %get3A_400 = arith.constant 0 : index
      %get3A_401 = tpu.vector_load %arg6[%get3A_398, %get3A_399, %get3A_400] {strides = array<i32>} : memref<4x50x128xf32, #tpu.memory_space<vmem>>, vector<1x1x16xf32>,
      %get3A_402 = vector.shape_cast %get3A_401 : vector<1x1x16xf32> to vector<16xf32>
      %add3A_403 = arith.addf %add3A_396, %get3A_402 : vector<16xf32>
      %get3A_404 = arith.constant 48 : i32
      %get3A_405 = arith.index_cast %rem3A_53 : i32 to index
      %get3A_406 = arith.index_cast %get3A_404 : i32 to index
      %get3A_407 = arith.constant 0 : index
      %get3A_408 = tpu.vector_load %arg6[%get3A_405, %get3A_406, %get3A_407] {strides = array<i32>} : memref<4x50x128xf32, #tpu.memory_space<vmem>>, vector<1x1x16xf32>,
      %get3A_409 = vector.shape_cast %get3A_408 : vector<1x1x16xf32> to vector<16xf32>
      %add3A_410 = arith.addf %add3A_403, %get3A_409 : vector<16xf32>
      %get3A_411 = arith.constant 49 : i32
      %get3A_412 = arith.index_cast %rem3A_53 : i32 to index
      %get3A_413 = arith.index_cast %get3A_411 : i32 to index
      %get3A_414 = arith.constant 0 : index
      %get3A_415 = tpu.vector_load %arg6[%get3A_412, %get3A_413, %get3A_414] {strides = array<i32>} : memref<4x50x128xf32, #tpu.memory_space<vmem>>, vector<1x1x16xf32>,
      %get3A_416 = vector.shape_cast %get3A_415 : vector<1x1x16xf32> to vector<16xf32>
      %add3A_417 = arith.addf %add3A_410, %get3A_416 : vector<16xf32>
      %mul3A_418 = arith.constant 2.000000e-02 : f32
      %mul3A_419 = vector.broadcast %mul3A_418 : f32 to vector<16xf32>
      %mul3A_420 = arith.mulf %add3A_417, %mul3A_419 : vector<16xf32>
      %swap3A = arith.index_cast %scan3A_52 : i32 to index
      %swap3A_421 = arith.constant 0 : index
      %swap3A_422 = tpu.vector_load %arg7[%swap3A, %swap3A_421] {strides = array<i32>} : memref<32x128xf32, #tpu.memory_space<vmem>>, vector<1x16xf32>,
      %swap3A_423 = vector.shape_cast %swap3A_422 : vector<1x16xf32> to vector<16xf32>
      %swap3A_424 = vector.shape_cast %mul3A_420 : vector<16xf32> to vector<1x16xf32>
      tpu.vector_store %arg7[%swap3A, %swap3A_421], %swap3A_424 {strides = array<i32>} : memref<32x128xf32, #tpu.memory_space<vmem>>, vector<1x16xf32>,
      %get3A_425 = arith.constant 0 : i32
      %get3A_426 = arith.index_cast %rem3A_53 : i32 to index
      %get3A_427 = arith.index_cast %get3A_425 : i32 to index
      %get3A_428 = arith.constant 16 : index
      %get3A_429 = tpu.vector_load %arg6[%get3A_426, %get3A_427, %get3A_428] {strides = array<i32>} : memref<4x50x128xf32, #tpu.memory_space<vmem>>, vector<1x1x16xf32>,
      %get3A_430 = vector.shape_cast %get3A_429 : vector<1x1x16xf32> to vector<16xf32>
      %get3A_431 = arith.constant 1 : i32
      %get3A_432 = arith.index_cast %rem3A_53 : i32 to index
      %get3A_433 = arith.index_cast %get3A_431 : i32 to index
      %get3A_434 = arith.constant 16 : index
      %get3A_435 = tpu.vector_load %arg6[%get3A_432, %get3A_433, %get3A_434] {strides = array<i32>} : memref<4x50x128xf32, #tpu.memory_space<vmem>>, vector<1x1x16xf32>,
      %get3A_436 = vector.shape_cast %get3A_435 : vector<1x1x16xf32> to vector<16xf32>
      %add3A_437 = arith.addf %get3A_430, %get3A_436 : vector<16xf32>
      %get3A_438 = arith.constant 2 : i32
      %get3A_439 = arith.index_cast %rem3A_53 : i32 to index
      %get3A_440 = arith.index_cast %get3A_438 : i32 to index
      %get3A_441 = arith.constant 16 : index
      %get3A_442 = tpu.vector_load %arg6[%get3A_439, %get3A_440, %get3A_441] {strides = array<i32>} : memref<4x50x128xf32, #tpu.memory_space<vmem>>, vector<1x1x16xf32>,
      %get3A_443 = vector.shape_cast %get3A_442 : vector<1x1x16xf32> to vector<16xf32>
      %add3A_444 = arith.addf %add3A_437, %get3A_443 : vector<16xf32>
      %get3A_445 = arith.constant 3 : i32
      %get3A_446 = arith.index_cast %rem3A_53 : i32 to index
      %get3A_447 = arith.index_cast %get3A_445 : i32 to index
      %get3A_448 = arith.constant 16 : index
      %get3A_449 = tpu.vector_load %arg6[%get3A_446, %get3A_447, %get3A_448] {strides = array<i32>} : memref<4x50x128xf32, #tpu.memory_space<vmem>>, vector<1x1x16xf32>,
      %get3A_450 = vector.shape_cast %get3A_449 : vector<1x1x16xf32> to vector<16xf32>
      %add3A_451 = arith.addf %add3A_444, %get3A_450 : vector<16xf32>
      %get3A_452 = arith.constant 4 : i32
      %get3A_453 = arith.index_cast %rem3A_53 : i32 to index
      %get3A_454 = arith.index_cast %get3A_452 : i32 to index
      %get3A_455 = arith.constant 16 : index
      %get3A_456 = tpu.vector_load %arg6[%get3A_453, %get3A_454, %get3A_455] {strides = array<i32>} : memref<4x50x128xf32, #tpu.memory_space<vmem>>, vector<1x1x16xf32>,
      %get3A_457 = vector.shape_cast %get3A_456 : vector<1x1x16xf32> to vector<16xf32>
      %add3A_458 = arith.addf %add3A_451, %get3A_457 : vector<16xf32>
      %get3A_459 = arith.constant 5 : i32
      %get3A_460 = arith.index_cast %rem3A_53 : i32 to index
      %get3A_461 = arith.index_cast %get3A_459 : i32 to index
      %get3A_462 = arith.constant 16 : index
      %get3A_463 = tpu.vector_load %arg6[%get3A_460, %get3A_461, %get3A_462] {strides = array<i32>} : memref<4x50x128xf32, #tpu.memory_space<vmem>>, vector<1x1x16xf32>,
      %get3A_464 = vector.shape_cast %get3A_463 : vector<1x1x16xf32> to vector<16xf32>
      %add3A_465 = arith.addf %add3A_458, %get3A_464 : vector<16xf32>
      %get3A_466 = arith.constant 6 : i32
      %get3A_467 = arith.index_cast %rem3A_53 : i32 to index
      %get3A_468 = arith.index_cast %get3A_466 : i32 to index
      %get3A_469 = arith.constant 16 : index
      %get3A_470 = tpu.vector_load %arg6[%get3A_467, %get3A_468, %get3A_469] {strides = array<i32>} : memref<4x50x128xf32, #tpu.memory_space<vmem>>, vector<1x1x16xf32>,
      %get3A_471 = vector.shape_cast %get3A_470 : vector<1x1x16xf32> to vector<16xf32>
      %add3A_472 = arith.addf %add3A_465, %get3A_471 : vector<16xf32>
      %get3A_473 = arith.constant 7 : i32
      %get3A_474 = arith.index_cast %rem3A_53 : i32 to index
      %get3A_475 = arith.index_cast %get3A_473 : i32 to index
      %get3A_476 = arith.constant 16 : index
      %get3A_477 = tpu.vector_load %arg6[%get3A_474, %get3A_475, %get3A_476] {strides = array<i32>} : memref<4x50x128xf32, #tpu.memory_space<vmem>>, vector<1x1x16xf32>,
      %get3A_478 = vector.shape_cast %get3A_477 : vector<1x1x16xf32> to vector<16xf32>
      %add3A_479 = arith.addf %add3A_472, %get3A_478 : vector<16xf32>
      %get3A_480 = arith.constant 8 : i32
      %get3A_481 = arith.index_cast %rem3A_53 : i32 to index
      %get3A_482 = arith.index_cast %get3A_480 : i32 to index
      %get3A_483 = arith.constant 16 : index
      %get3A_484 = tpu.vector_load %arg6[%get3A_481, %get3A_482, %get3A_483] {strides = array<i32>} : memref<4x50x128xf32, #tpu.memory_space<vmem>>, vector<1x1x16xf32>,
      %get3A_485 = vector.shape_cast %get3A_484 : vector<1x1x16xf32> to vector<16xf32>
      %add3A_486 = arith.addf %add3A_479, %get3A_485 : vector<16xf32>
      %get3A_487 = arith.constant 9 : i32
      %get3A_488 = arith.index_cast %rem3A_53 : i32 to index
      %get3A_489 = arith.index_cast %get3A_487 : i32 to index
      %get3A_490 = arith.constant 16 : index
      %get3A_491 = tpu.vector_load %arg6[%get3A_488, %get3A_489, %get3A_490] {strides = array<i32>} : memref<4x50x128xf32, #tpu.memory_space<vmem>>, vector<1x1x16xf32>,
      %get3A_492 = vector.shape_cast %get3A_491 : vector<1x1x16xf32> to vector<16xf32>
      %add3A_493 = arith.addf %add3A_486, %get3A_492 : vector<16xf32>
      %get3A_494 = arith.constant 10 : i32
      %get3A_495 = arith.index_cast %rem3A_53 : i32 to index
      %get3A_496 = arith.index_cast %get3A_494 : i32 to index
      %get3A_497 = arith.constant 16 : index
      %get3A_498 = tpu.vector_load %arg6[%get3A_495, %get3A_496, %get3A_497] {strides = array<i32>} : memref<4x50x128xf32, #tpu.memory_space<vmem>>, vector<1x1x16xf32>,
      %get3A_499 = vector.shape_cast %get3A_498 : vector<1x1x16xf32> to vector<16xf32>
      %add3A_500 = arith.addf %add3A_493, %get3A_499 : vector<16xf32>
      %get3A_501 = arith.constant 11 : i32
      %get3A_502 = arith.index_cast %rem3A_53 : i32 to index
      %get3A_503 = arith.index_cast %get3A_501 : i32 to index
      %get3A_504 = arith.constant 16 : index
      %get3A_505 = tpu.vector_load %arg6[%get3A_502, %get3A_503, %get3A_504] {strides = array<i32>} : memref<4x50x128xf32, #tpu.memory_space<vmem>>, vector<1x1x16xf32>,
      %get3A_506 = vector.shape_cast %get3A_505 : vector<1x1x16xf32> to vector<16xf32>
      %add3A_507 = arith.addf %add3A_500, %get3A_506 : vector<16xf32>
      %get3A_508 = arith.constant 12 : i32
      %get3A_509 = arith.index_cast %rem3A_53 : i32 to index
      %get3A_510 = arith.index_cast %get3A_508 : i32 to index
      %get3A_511 = arith.constant 16 : index
      %get3A_512 = tpu.vector_load %arg6[%get3A_509, %get3A_510, %get3A_511] {strides = array<i32>} : memref<4x50x128xf32, #tpu.memory_space<vmem>>, vector<1x1x16xf32>,
      %get3A_513 = vector.shape_cast %get3A_512 : vector<1x1x16xf32> to vector<16xf32>
      %add3A_514 = arith.addf %add3A_507, %get3A_513 : vector<16xf32>
      %get3A_515 = arith.constant 13 : i32
      %get3A_516 = arith.index_cast %rem3A_53 : i32 to index
      %get3A_517 = arith.index_cast %get3A_515 : i32 to index
      %get3A_518 = arith.constant 16 : index
      %get3A_519 = tpu.vector_load %arg6[%get3A_516, %get3A_517, %get3A_518] {strides = array<i32>} : memref<4x50x128xf32, #tpu.memory_space<vmem>>, vector<1x1x16xf32>,
      %get3A_520 = vector.shape_cast %get3A_519 : vector<1x1x16xf32> to vector<16xf32>
      %add3A_521 = arith.addf %add3A_514, %get3A_520 : vector<16xf32>
      %get3A_522 = arith.constant 14 : i32
      %get3A_523 = arith.index_cast %rem3A_53 : i32 to index
      %get3A_524 = arith.index_cast %get3A_522 : i32 to index
      %get3A_525 = arith.constant 16 : index
      %get3A_526 = tpu.vector_load %arg6[%get3A_523, %get3A_524, %get3A_525] {strides = array<i32>} : memref<4x50x128xf32, #tpu.memory_space<vmem>>, vector<1x1x16xf32>,
      %get3A_527 = vector.shape_cast %get3A_526 : vector<1x1x16xf32> to vector<16xf32>
      %add3A_528 = arith.addf %add3A_521, %get3A_527 : vector<16xf32>
      %get3A_529 = arith.constant 15 : i32
      %get3A_530 = arith.index_cast %rem3A_53 : i32 to index
      %get3A_531 = arith.index_cast %get3A_529 : i32 to index
      %get3A_532 = arith.constant 16 : index
      %get3A_533 = tpu.vector_load %arg6[%get3A_530, %get3A_531, %get3A_532] {strides = array<i32>} : memref<4x50x128xf32, #tpu.memory_space<vmem>>, vector<1x1x16xf32>,
      %get3A_534 = vector.shape_cast %get3A_533 : vector<1x1x16xf32> to vector<16xf32>
      %add3A_535 = arith.addf %add3A_528, %get3A_534 : vector<16xf32>
      %get3A_536 = arith.constant 16 : i32
      %get3A_537 = arith.index_cast %rem3A_53 : i32 to index
      %get3A_538 = arith.index_cast %get3A_536 : i32 to index
      %get3A_539 = arith.constant 16 : index
      %get3A_540 = tpu.vector_load %arg6[%get3A_537, %get3A_538, %get3A_539] {strides = array<i32>} : memref<4x50x128xf32, #tpu.memory_space<vmem>>, vector<1x1x16xf32>,
      %get3A_541 = vector.shape_cast %get3A_540 : vector<1x1x16xf32> to vector<16xf32>
      %add3A_542 = arith.addf %add3A_535, %get3A_541 : vector<16xf32>
      %get3A_543 = arith.constant 17 : i32
      %get3A_544 = arith.index_cast %rem3A_53 : i32 to index
      %get3A_545 = arith.index_cast %get3A_543 : i32 to index
      %get3A_546 = arith.constant 16 : index
      %get3A_547 = tpu.vector_load %arg6[%get3A_544, %get3A_545, %get3A_546] {strides = array<i32>} : memref<4x50x128xf32, #tpu.memory_space<vmem>>, vector<1x1x16xf32>,
      %get3A_548 = vector.shape_cast %get3A_547 : vector<1x1x16xf32> to vector<16xf32>
      %add3A_549 = arith.addf %add3A_542, %get3A_548 : vector<16xf32>
      %get3A_550 = arith.constant 18 : i32
      %get3A_551 = arith.index_cast %rem3A_53 : i32 to index
      %get3A_552 = arith.index_cast %get3A_550 : i32 to index
      %get3A_553 = arith.constant 16 : index
      %get3A_554 = tpu.vector_load %arg6[%get3A_551, %get3A_552, %get3A_553] {strides = array<i32>} : memref<4x50x128xf32, #tpu.memory_space<vmem>>, vector<1x1x16xf32>,
      %get3A_555 = vector.shape_cast %get3A_554 : vector<1x1x16xf32> to vector<16xf32>
      %add3A_556 = arith.addf %add3A_549, %get3A_555 : vector<16xf32>
      %get3A_557 = arith.constant 19 : i32
      %get3A_558 = arith.index_cast %rem3A_53 : i32 to index
      %get3A_559 = arith.index_cast %get3A_557 : i32 to index
      %get3A_560 = arith.constant 16 : index
      %get3A_561 = tpu.vector_load %arg6[%get3A_558, %get3A_559, %get3A_560] {strides = array<i32>} : memref<4x50x128xf32, #tpu.memory_space<vmem>>, vector<1x1x16xf32>,
      %get3A_562 = vector.shape_cast %get3A_561 : vector<1x1x16xf32> to vector<16xf32>
      %add3A_563 = arith.addf %add3A_556, %get3A_562 : vector<16xf32>
      %get3A_564 = arith.constant 20 : i32
      %get3A_565 = arith.index_cast %rem3A_53 : i32 to index
      %get3A_566 = arith.index_cast %get3A_564 : i32 to index
      %get3A_567 = arith.constant 16 : index
      %get3A_568 = tpu.vector_load %arg6[%get3A_565, %get3A_566, %get3A_567] {strides = array<i32>} : memref<4x50x128xf32, #tpu.memory_space<vmem>>, vector<1x1x16xf32>,
      %get3A_569 = vector.shape_cast %get3A_568 : vector<1x1x16xf32> to vector<16xf32>
      %add3A_570 = arith.addf %add3A_563, %get3A_569 : vector<16xf32>
      %get3A_571 = arith.constant 21 : i32
      %get3A_572 = arith.index_cast %rem3A_53 : i32 to index
      %get3A_573 = arith.index_cast %get3A_571 : i32 to index
      %get3A_574 = arith.constant 16 : index
      %get3A_575 = tpu.vector_load %arg6[%get3A_572, %get3A_573, %get3A_574] {strides = array<i32>} : memref<4x50x128xf32, #tpu.memory_space<vmem>>, vector<1x1x16xf32>,
      %get3A_576 = vector.shape_cast %get3A_575 : vector<1x1x16xf32> to vector<16xf32>
      %add3A_577 = arith.addf %add3A_570, %get3A_576 : vector<16xf32>
      %get3A_578 = arith.constant 22 : i32
      %get3A_579 = arith.index_cast %rem3A_53 : i32 to index
      %get3A_580 = arith.index_cast %get3A_578 : i32 to index
      %get3A_581 = arith.constant 16 : index
      %get3A_582 = tpu.vector_load %arg6[%get3A_579, %get3A_580, %get3A_581] {strides = array<i32>} : memref<4x50x128xf32, #tpu.memory_space<vmem>>, vector<1x1x16xf32>,
      %get3A_583 = vector.shape_cast %get3A_582 : vector<1x1x16xf32> to vector<16xf32>
      %add3A_584 = arith.addf %add3A_577, %get3A_583 : vector<16xf32>
      %get3A_585 = arith.constant 23 : i32
      %get3A_586 = arith.index_cast %rem3A_53 : i32 to index
      %get3A_587 = arith.index_cast %get3A_585 : i32 to index
      %get3A_588 = arith.constant 16 : index
      %get3A_589 = tpu.vector_load %arg6[%get3A_586, %get3A_587, %get3A_588] {strides = array<i32>} : memref<4x50x128xf32, #tpu.memory_space<vmem>>, vector<1x1x16xf32>,
      %get3A_590 = vector.shape_cast %get3A_589 : vector<1x1x16xf32> to vector<16xf32>
      %add3A_591 = arith.addf %add3A_584, %get3A_590 : vector<16xf32>
      %get3A_592 = arith.constant 24 : i32
      %get3A_593 = arith.index_cast %rem3A_53 : i32 to index
      %get3A_594 = arith.index_cast %get3A_592 : i32 to index
      %get3A_595 = arith.constant 16 : index
      %get3A_596 = tpu.vector_load %arg6[%get3A_593, %get3A_594, %get3A_595] {strides = array<i32>} : memref<4x50x128xf32, #tpu.memory_space<vmem>>, vector<1x1x16xf32>,
      %get3A_597 = vector.shape_cast %get3A_596 : vector<1x1x16xf32> to vector<16xf32>
      %add3A_598 = arith.addf %add3A_591, %get3A_597 : vector<16xf32>
      %get3A_599 = arith.constant 25 : i32
      %get3A_600 = arith.index_cast %rem3A_53 : i32 to index
      %get3A_601 = arith.index_cast %get3A_599 : i32 to index
      %get3A_602 = arith.constant 16 : index
      %get3A_603 = tpu.vector_load %arg6[%get3A_600, %get3A_601, %get3A_602] {strides = array<i32>} : memref<4x50x128xf32, #tpu.memory_space<vmem>>, vector<1x1x16xf32>,
      %get3A_604 = vector.shape_cast %get3A_603 : vector<1x1x16xf32> to vector<16xf32>
      %add3A_605 = arith.addf %add3A_598, %get3A_604 : vector<16xf32>
      %get3A_606 = arith.constant 26 : i32
      %get3A_607 = arith.index_cast %rem3A_53 : i32 to index
      %get3A_608 = arith.index_cast %get3A_606 : i32 to index
      %get3A_609 = arith.constant 16 : index
      %get3A_610 = tpu.vector_load %arg6[%get3A_607, %get3A_608, %get3A_609] {strides = array<i32>} : memref<4x50x128xf32, #tpu.memory_space<vmem>>, vector<1x1x16xf32>,
      %get3A_611 = vector.shape_cast %get3A_610 : vector<1x1x16xf32> to vector<16xf32>
      %add3A_612 = arith.addf %add3A_605, %get3A_611 : vector<16xf32>
      %get3A_613 = arith.constant 27 : i32
      %get3A_614 = arith.index_cast %rem3A_53 : i32 to index
      %get3A_615 = arith.index_cast %get3A_613 : i32 to index
      %get3A_616 = arith.constant 16 : index
      %get3A_617 = tpu.vector_load %arg6[%get3A_614, %get3A_615, %get3A_616] {strides = array<i32>} : memref<4x50x128xf32, #tpu.memory_space<vmem>>, vector<1x1x16xf32>,
      %get3A_618 = vector.shape_cast %get3A_617 : vector<1x1x16xf32> to vector<16xf32>
      %add3A_619 = arith.addf %add3A_612, %get3A_618 : vector<16xf32>
      %get3A_620 = arith.constant 28 : i32
      %get3A_621 = arith.index_cast %rem3A_53 : i32 to index
      %get3A_622 = arith.index_cast %get3A_620 : i32 to index
      %get3A_623 = arith.constant 16 : index
      %get3A_624 = tpu.vector_load %arg6[%get3A_621, %get3A_622, %get3A_623] {strides = array<i32>} : memref<4x50x128xf32, #tpu.memory_space<vmem>>, vector<1x1x16xf32>,
      %get3A_625 = vector.shape_cast %get3A_624 : vector<1x1x16xf32> to vector<16xf32>
      %add3A_626 = arith.addf %add3A_619, %get3A_625 : vector<16xf32>
      %get3A_627 = arith.constant 29 : i32
      %get3A_628 = arith.index_cast %rem3A_53 : i32 to index
      %get3A_629 = arith.index_cast %get3A_627 : i32 to index
      %get3A_630 = arith.constant 16 : index
      %get3A_631 = tpu.vector_load %arg6[%get3A_628, %get3A_629, %get3A_630] {strides = array<i32>} : memref<4x50x128xf32, #tpu.memory_space<vmem>>, vector<1x1x16xf32>,
      %get3A_632 = vector.shape_cast %get3A_631 : vector<1x1x16xf32> to vector<16xf32>
      %add3A_633 = arith.addf %add3A_626, %get3A_632 : vector<16xf32>
      %get3A_634 = arith.constant 30 : i32
      %get3A_635 = arith.index_cast %rem3A_53 : i32 to index
      %get3A_636 = arith.index_cast %get3A_634 : i32 to index
      %get3A_637 = arith.constant 16 : index
      %get3A_638 = tpu.vector_load %arg6[%get3A_635, %get3A_636, %get3A_637] {strides = array<i32>} : memref<4x50x128xf32, #tpu.memory_space<vmem>>, vector<1x1x16xf32>,
      %get3A_639 = vector.shape_cast %get3A_638 : vector<1x1x16xf32> to vector<16xf32>
      %add3A_640 = arith.addf %add3A_633, %get3A_639 : vector<16xf32>
      %get3A_641 = arith.constant 31 : i32
      %get3A_642 = arith.index_cast %rem3A_53 : i32 to index
      %get3A_643 = arith.index_cast %get3A_641 : i32 to index
      %get3A_644 = arith.constant 16 : index
      %get3A_645 = tpu.vector_load %arg6[%get3A_642, %get3A_643, %get3A_644] {strides = array<i32>} : memref<4x50x128xf32, #tpu.memory_space<vmem>>, vector<1x1x16xf32>,
      %get3A_646 = vector.shape_cast %get3A_645 : vector<1x1x16xf32> to vector<16xf32>
      %add3A_647 = arith.addf %add3A_640, %get3A_646 : vector<16xf32>
      %get3A_648 = arith.constant 32 : i32
      %get3A_649 = arith.index_cast %rem3A_53 : i32 to index
      %get3A_650 = arith.index_cast %get3A_648 : i32 to index
      %get3A_651 = arith.constant 16 : index
      %get3A_652 = tpu.vector_load %arg6[%get3A_649, %get3A_650, %get3A_651] {strides = array<i32>} : memref<4x50x128xf32, #tpu.memory_space<vmem>>, vector<1x1x16xf32>,
      %get3A_653 = vector.shape_cast %get3A_652 : vector<1x1x16xf32> to vector<16xf32>
      %add3A_654 = arith.addf %add3A_647, %get3A_653 : vector<16xf32>
      %get3A_655 = arith.constant 33 : i32
      %get3A_656 = arith.index_cast %rem3A_53 : i32 to index
      %get3A_657 = arith.index_cast %get3A_655 : i32 to index
      %get3A_658 = arith.constant 16 : index
      %get3A_659 = tpu.vector_load %arg6[%get3A_656, %get3A_657, %get3A_658] {strides = array<i32>} : memref<4x50x128xf32, #tpu.memory_space<vmem>>, vector<1x1x16xf32>,
      %get3A_660 = vector.shape_cast %get3A_659 : vector<1x1x16xf32> to vector<16xf32>
      %add3A_661 = arith.addf %add3A_654, %get3A_660 : vector<16xf32>
      %get3A_662 = arith.constant 34 : i32
      %get3A_663 = arith.index_cast %rem3A_53 : i32 to index
      %get3A_664 = arith.index_cast %get3A_662 : i32 to index
      %get3A_665 = arith.constant 16 : index
      %get3A_666 = tpu.vector_load %arg6[%get3A_663, %get3A_664, %get3A_665] {strides = array<i32>} : memref<4x50x128xf32, #tpu.memory_space<vmem>>, vector<1x1x16xf32>,
      %get3A_667 = vector.shape_cast %get3A_666 : vector<1x1x16xf32> to vector<16xf32>
      %add3A_668 = arith.addf %add3A_661, %get3A_667 : vector<16xf32>
      %get3A_669 = arith.constant 35 : i32
      %get3A_670 = arith.index_cast %rem3A_53 : i32 to index
      %get3A_671 = arith.index_cast %get3A_669 : i32 to index
      %get3A_672 = arith.constant 16 : index
      %get3A_673 = tpu.vector_load %arg6[%get3A_670, %get3A_671, %get3A_672] {strides = array<i32>} : memref<4x50x128xf32, #tpu.memory_space<vmem>>, vector<1x1x16xf32>,
      %get3A_674 = vector.shape_cast %get3A_673 : vector<1x1x16xf32> to vector<16xf32>
      %add3A_675 = arith.addf %add3A_668, %get3A_674 : vector<16xf32>
      %get3A_676 = arith.constant 36 : i32
      %get3A_677 = arith.index_cast %rem3A_53 : i32 to index
      %get3A_678 = arith.index_cast %get3A_676 : i32 to index
      %get3A_679 = arith.constant 16 : index
      %get3A_680 = tpu.vector_load %arg6[%get3A_677, %get3A_678, %get3A_679] {strides = array<i32>} : memref<4x50x128xf32, #tpu.memory_space<vmem>>, vector<1x1x16xf32>,
      %get3A_681 = vector.shape_cast %get3A_680 : vector<1x1x16xf32> to vector<16xf32>
      %add3A_682 = arith.addf %add3A_675, %get3A_681 : vector<16xf32>
      %get3A_683 = arith.constant 37 : i32
      %get3A_684 = arith.index_cast %rem3A_53 : i32 to index
      %get3A_685 = arith.index_cast %get3A_683 : i32 to index
      %get3A_686 = arith.constant 16 : index
      %get3A_687 = tpu.vector_load %arg6[%get3A_684, %get3A_685, %get3A_686] {strides = array<i32>} : memref<4x50x128xf32, #tpu.memory_space<vmem>>, vector<1x1x16xf32>,
      %get3A_688 = vector.shape_cast %get3A_687 : vector<1x1x16xf32> to vector<16xf32>
      %add3A_689 = arith.addf %add3A_682, %get3A_688 : vector<16xf32>
      %get3A_690 = arith.constant 38 : i32
      %get3A_691 = arith.index_cast %rem3A_53 : i32 to index
      %get3A_692 = arith.index_cast %get3A_690 : i32 to index
      %get3A_693 = arith.constant 16 : index
      %get3A_694 = tpu.vector_load %arg6[%get3A_691, %get3A_692, %get3A_693] {strides = array<i32>} : memref<4x50x128xf32, #tpu.memory_space<vmem>>, vector<1x1x16xf32>,
      %get3A_695 = vector.shape_cast %get3A_694 : vector<1x1x16xf32> to vector<16xf32>
      %add3A_696 = arith.addf %add3A_689, %get3A_695 : vector<16xf32>
      %get3A_697 = arith.constant 39 : i32
      %get3A_698 = arith.index_cast %rem3A_53 : i32 to index
      %get3A_699 = arith.index_cast %get3A_697 : i32 to index
      %get3A_700 = arith.constant 16 : index
      %get3A_701 = tpu.vector_load %arg6[%get3A_698, %get3A_699, %get3A_700] {strides = array<i32>} : memref<4x50x128xf32, #tpu.memory_space<vmem>>, vector<1x1x16xf32>,
      %get3A_702 = vector.shape_cast %get3A_701 : vector<1x1x16xf32> to vector<16xf32>
      %add3A_703 = arith.addf %add3A_696, %get3A_702 : vector<16xf32>
      %get3A_704 = arith.constant 40 : i32
      %get3A_705 = arith.index_cast %rem3A_53 : i32 to index
      %get3A_706 = arith.index_cast %get3A_704 : i32 to index
      %get3A_707 = arith.constant 16 : index
      %get3A_708 = tpu.vector_load %arg6[%get3A_705, %get3A_706, %get3A_707] {strides = array<i32>} : memref<4x50x128xf32, #tpu.memory_space<vmem>>, vector<1x1x16xf32>,
      %get3A_709 = vector.shape_cast %get3A_708 : vector<1x1x16xf32> to vector<16xf32>
      %add3A_710 = arith.addf %add3A_703, %get3A_709 : vector<16xf32>
      %get3A_711 = arith.constant 41 : i32
      %get3A_712 = arith.index_cast %rem3A_53 : i32 to index
      %get3A_713 = arith.index_cast %get3A_711 : i32 to index
      %get3A_714 = arith.constant 16 : index
      %get3A_715 = tpu.vector_load %arg6[%get3A_712, %get3A_713, %get3A_714] {strides = array<i32>} : memref<4x50x128xf32, #tpu.memory_space<vmem>>, vector<1x1x16xf32>,
      %get3A_716 = vector.shape_cast %get3A_715 : vector<1x1x16xf32> to vector<16xf32>
      %add3A_717 = arith.addf %add3A_710, %get3A_716 : vector<16xf32>
      %get3A_718 = arith.constant 42 : i32
      %get3A_719 = arith.index_cast %rem3A_53 : i32 to index
      %get3A_720 = arith.index_cast %get3A_718 : i32 to index
      %get3A_721 = arith.constant 16 : index
      %get3A_722 = tpu.vector_load %arg6[%get3A_719, %get3A_720, %get3A_721] {strides = array<i32>} : memref<4x50x128xf32, #tpu.memory_space<vmem>>, vector<1x1x16xf32>,
      %get3A_723 = vector.shape_cast %get3A_722 : vector<1x1x16xf32> to vector<16xf32>
      %add3A_724 = arith.addf %add3A_717, %get3A_723 : vector<16xf32>
      %get3A_725 = arith.constant 43 : i32
      %get3A_726 = arith.index_cast %rem3A_53 : i32 to index
      %get3A_727 = arith.index_cast %get3A_725 : i32 to index
      %get3A_728 = arith.constant 16 : index
      %get3A_729 = tpu.vector_load %arg6[%get3A_726, %get3A_727, %get3A_728] {strides = array<i32>} : memref<4x50x128xf32, #tpu.memory_space<vmem>>, vector<1x1x16xf32>,
      %get3A_730 = vector.shape_cast %get3A_729 : vector<1x1x16xf32> to vector<16xf32>
      %add3A_731 = arith.addf %add3A_724, %get3A_730 : vector<16xf32>
      %get3A_732 = arith.constant 44 : i32
      %get3A_733 = arith.index_cast %rem3A_53 : i32 to index
      %get3A_734 = arith.index_cast %get3A_732 : i32 to index
      %get3A_735 = arith.constant 16 : index
      %get3A_736 = tpu.vector_load %arg6[%get3A_733, %get3A_734, %get3A_735] {strides = array<i32>} : memref<4x50x128xf32, #tpu.memory_space<vmem>>, vector<1x1x16xf32>,
      %get3A_737 = vector.shape_cast %get3A_736 : vector<1x1x16xf32> to vector<16xf32>
      %add3A_738 = arith.addf %add3A_731, %get3A_737 : vector<16xf32>
      %get3A_739 = arith.constant 45 : i32
      %get3A_740 = arith.index_cast %rem3A_53 : i32 to index
      %get3A_741 = arith.index_cast %get3A_739 : i32 to index
      %get3A_742 = arith.constant 16 : index
      %get3A_743 = tpu.vector_load %arg6[%get3A_740, %get3A_741, %get3A_742] {strides = array<i32>} : memref<4x50x128xf32, #tpu.memory_space<vmem>>, vector<1x1x16xf32>,
      %get3A_744 = vector.shape_cast %get3A_743 : vector<1x1x16xf32> to vector<16xf32>
      %add3A_745 = arith.addf %add3A_738, %get3A_744 : vector<16xf32>
      %get3A_746 = arith.constant 46 : i32
      %get3A_747 = arith.index_cast %rem3A_53 : i32 to index
      %get3A_748 = arith.index_cast %get3A_746 : i32 to index
      %get3A_749 = arith.constant 16 : index
      %get3A_750 = tpu.vector_load %arg6[%get3A_747, %get3A_748, %get3A_749] {strides = array<i32>} : memref<4x50x128xf32, #tpu.memory_space<vmem>>, vector<1x1x16xf32>,
      %get3A_751 = vector.shape_cast %get3A_750 : vector<1x1x16xf32> to vector<16xf32>
      %add3A_752 = arith.addf %add3A_745, %get3A_751 : vector<16xf32>
      %get3A_753 = arith.constant 47 : i32
      %get3A_754 = arith.index_cast %rem3A_53 : i32 to index
      %get3A_755 = arith.index_cast %get3A_753 : i32 to index
      %get3A_756 = arith.constant 16 : index
      %get3A_757 = tpu.vector_load %arg6[%get3A_754, %get3A_755, %get3A_756] {strides = array<i32>} : memref<4x50x128xf32, #tpu.memory_space<vmem>>, vector<1x1x16xf32>,
      %get3A_758 = vector.shape_cast %get3A_757 : vector<1x1x16xf32> to vector<16xf32>
      %add3A_759 = arith.addf %add3A_752, %get3A_758 : vector<16xf32>
      %get3A_760 = arith.constant 48 : i32
      %get3A_761 = arith.index_cast %rem3A_53 : i32 to index
      %get3A_762 = arith.index_cast %get3A_760 : i32 to index
      %get3A_763 = arith.constant 16 : index
      %get3A_764 = tpu.vector_load %arg6[%get3A_761, %get3A_762, %get3A_763] {strides = array<i32>} : memref<4x50x128xf32, #tpu.memory_space<vmem>>, vector<1x1x16xf32>,
      %get3A_765 = vector.shape_cast %get3A_764 : vector<1x1x16xf32> to vector<16xf32>
      %add3A_766 = arith.addf %add3A_759, %get3A_765 : vector<16xf32>
      %get3A_767 = arith.constant 49 : i32
      %get3A_768 = arith.index_cast %rem3A_53 : i32 to index
      %get3A_769 = arith.index_cast %get3A_767 : i32 to index
      %get3A_770 = arith.constant 16 : index
      %get3A_771 = tpu.vector_load %arg6[%get3A_768, %get3A_769, %get3A_770] {strides = array<i32>} : memref<4x50x128xf32, #tpu.memory_space<vmem>>, vector<1x1x16xf32>,
      %get3A_772 = vector.shape_cast %get3A_771 : vector<1x1x16xf32> to vector<16xf32>
      %add3A_773 = arith.addf %add3A_766, %get3A_772 : vector<16xf32>
      %mul3A_774 = arith.constant 2.000000e-02 : f32
      %mul3A_775 = vector.broadcast %mul3A_774 : f32 to vector<16xf32>
      %mul3A_776 = arith.mulf %add3A_773, %mul3A_775 : vector<16xf32>
      %swap3A_777 = arith.index_cast %scan3A_52 : i32 to index
      %swap3A_778 = arith.constant 16 : index
      %swap3A_779 = tpu.vector_load %arg7[%swap3A_777, %swap3A_778] {strides = array<i32>} : memref<32x128xf32, #tpu.memory_space<vmem>>, vector<1x16xf32>,
      %swap3A_780 = vector.shape_cast %swap3A_779 : vector<1x16xf32> to vector<16xf32>
      %swap3A_781 = vector.shape_cast %mul3A_776 : vector<16xf32> to vector<1x16xf32>
      tpu.vector_store %arg7[%swap3A_777, %swap3A_778], %swap3A_781 {strides = array<i32>} : memref<32x128xf32, #tpu.memory_space<vmem>>, vector<1x16xf32>,
      %get3A_782 = arith.constant 0 : i32
      %get3A_783 = arith.index_cast %rem3A_53 : i32 to index
      %get3A_784 = arith.index_cast %get3A_782 : i32 to index
      %get3A_785 = arith.constant 32 : index
      %get3A_786 = tpu.vector_load %arg6[%get3A_783, %get3A_784, %get3A_785] {strides = array<i32>} : memref<4x50x128xf32, #tpu.memory_space<vmem>>, vector<1x1x16xf32>,
      %get3A_787 = vector.shape_cast %get3A_786 : vector<1x1x16xf32> to vector<16xf32>
      %get3A_788 = arith.constant 1 : i32
      %get3A_789 = arith.index_cast %rem3A_53 : i32 to index
      %get3A_790 = arith.index_cast %get3A_788 : i32 to index
      %get3A_791 = arith.constant 32 : index
      %get3A_792 = tpu.vector_load %arg6[%get3A_789, %get3A_790, %get3A_791] {strides = array<i32>} : memref<4x50x128xf32, #tpu.memory_space<vmem>>, vector<1x1x16xf32>,
      %get3A_793 = vector.shape_cast %get3A_792 : vector<1x1x16xf32> to vector<16xf32>
      %add3A_794 = arith.addf %get3A_787, %get3A_793 : vector<16xf32>
      %get3A_795 = arith.constant 2 : i32
      %get3A_796 = arith.index_cast %rem3A_53 : i32 to index
      %get3A_797 = arith.index_cast %get3A_795 : i32 to index
      %get3A_798 = arith.constant 32 : index
      %get3A_799 = tpu.vector_load %arg6[%get3A_796, %get3A_797, %get3A_798] {strides = array<i32>} : memref<4x50x128xf32, #tpu.memory_space<vmem>>, vector<1x1x16xf32>,
      %get3A_800 = vector.shape_cast %get3A_799 : vector<1x1x16xf32> to vector<16xf32>
      %add3A_801 = arith.addf %add3A_794, %get3A_800 : vector<16xf32>
      %get3A_802 = arith.constant 3 : i32
      %get3A_803 = arith.index_cast %rem3A_53 : i32 to index
      %get3A_804 = arith.index_cast %get3A_802 : i32 to index
      %get3A_805 = arith.constant 32 : index
      %get3A_806 = tpu.vector_load %arg6[%get3A_803, %get3A_804, %get3A_805] {strides = array<i32>} : memref<4x50x128xf32, #tpu.memory_space<vmem>>, vector<1x1x16xf32>,
      %get3A_807 = vector.shape_cast %get3A_806 : vector<1x1x16xf32> to vector<16xf32>
      %add3A_808 = arith.addf %add3A_801, %get3A_807 : vector<16xf32>
      %get3A_809 = arith.constant 4 : i32
      %get3A_810 = arith.index_cast %rem3A_53 : i32 to index
      %get3A_811 = arith.index_cast %get3A_809 : i32 to index
      %get3A_812 = arith.constant 32 : index
      %get3A_813 = tpu.vector_load %arg6[%get3A_810, %get3A_811, %get3A_812] {strides = array<i32>} : memref<4x50x128xf32, #tpu.memory_space<vmem>>, vector<1x1x16xf32>,
      %get3A_814 = vector.shape_cast %get3A_813 : vector<1x1x16xf32> to vector<16xf32>
      %add3A_815 = arith.addf %add3A_808, %get3A_814 : vector<16xf32>
      %get3A_816 = arith.constant 5 : i32
      %get3A_817 = arith.index_cast %rem3A_53 : i32 to index
      %get3A_818 = arith.index_cast %get3A_816 : i32 to index
      %get3A_819 = arith.constant 32 : index
      %get3A_820 = tpu.vector_load %arg6[%get3A_817, %get3A_818, %get3A_819] {strides = array<i32>} : memref<4x50x128xf32, #tpu.memory_space<vmem>>, vector<1x1x16xf32>,
      %get3A_821 = vector.shape_cast %get3A_820 : vector<1x1x16xf32> to vector<16xf32>
      %add3A_822 = arith.addf %add3A_815, %get3A_821 : vector<16xf32>
      %get3A_823 = arith.constant 6 : i32
      %get3A_824 = arith.index_cast %rem3A_53 : i32 to index
      %get3A_825 = arith.index_cast %get3A_823 : i32 to index
      %get3A_826 = arith.constant 32 : index
      %get3A_827 = tpu.vector_load %arg6[%get3A_824, %get3A_825, %get3A_826] {strides = array<i32>} : memref<4x50x128xf32, #tpu.memory_space<vmem>>, vector<1x1x16xf32>,
      %get3A_828 = vector.shape_cast %get3A_827 : vector<1x1x16xf32> to vector<16xf32>
      %add3A_829 = arith.addf %add3A_822, %get3A_828 : vector<16xf32>
      %get3A_830 = arith.constant 7 : i32
      %get3A_831 = arith.index_cast %rem3A_53 : i32 to index
      %get3A_832 = arith.index_cast %get3A_830 : i32 to index
      %get3A_833 = arith.constant 32 : index
      %get3A_834 = tpu.vector_load %arg6[%get3A_831, %get3A_832, %get3A_833] {strides = array<i32>} : memref<4x50x128xf32, #tpu.memory_space<vmem>>, vector<1x1x16xf32>,
      %get3A_835 = vector.shape_cast %get3A_834 : vector<1x1x16xf32> to vector<16xf32>
      %add3A_836 = arith.addf %add3A_829, %get3A_835 : vector<16xf32>
      %get3A_837 = arith.constant 8 : i32
      %get3A_838 = arith.index_cast %rem3A_53 : i32 to index
      %get3A_839 = arith.index_cast %get3A_837 : i32 to index
      %get3A_840 = arith.constant 32 : index
      %get3A_841 = tpu.vector_load %arg6[%get3A_838, %get3A_839, %get3A_840] {strides = array<i32>} : memref<4x50x128xf32, #tpu.memory_space<vmem>>, vector<1x1x16xf32>,
      %get3A_842 = vector.shape_cast %get3A_841 : vector<1x1x16xf32> to vector<16xf32>
      %add3A_843 = arith.addf %add3A_836, %get3A_842 : vector<16xf32>
      %get3A_844 = arith.constant 9 : i32
      %get3A_845 = arith.index_cast %rem3A_53 : i32 to index
      %get3A_846 = arith.index_cast %get3A_844 : i32 to index
      %get3A_847 = arith.constant 32 : index
      %get3A_848 = tpu.vector_load %arg6[%get3A_845, %get3A_846, %get3A_847] {strides = array<i32>} : memref<4x50x128xf32, #tpu.memory_space<vmem>>, vector<1x1x16xf32>,
      %get3A_849 = vector.shape_cast %get3A_848 : vector<1x1x16xf32> to vector<16xf32>
      %add3A_850 = arith.addf %add3A_843, %get3A_849 : vector<16xf32>
      %get3A_851 = arith.constant 10 : i32
      %get3A_852 = arith.index_cast %rem3A_53 : i32 to index
      %get3A_853 = arith.index_cast %get3A_851 : i32 to index
      %get3A_854 = arith.constant 32 : index
      %get3A_855 = tpu.vector_load %arg6[%get3A_852, %get3A_853, %get3A_854] {strides = array<i32>} : memref<4x50x128xf32, #tpu.memory_space<vmem>>, vector<1x1x16xf32>,
      %get3A_856 = vector.shape_cast %get3A_855 : vector<1x1x16xf32> to vector<16xf32>
      %add3A_857 = arith.addf %add3A_850, %get3A_856 : vector<16xf32>
      %get3A_858 = arith.constant 11 : i32
      %get3A_859 = arith.index_cast %rem3A_53 : i32 to index
      %get3A_860 = arith.index_cast %get3A_858 : i32 to index
      %get3A_861 = arith.constant 32 : index
      %get3A_862 = tpu.vector_load %arg6[%get3A_859, %get3A_860, %get3A_861] {strides = array<i32>} : memref<4x50x128xf32, #tpu.memory_space<vmem>>, vector<1x1x16xf32>,
      %get3A_863 = vector.shape_cast %get3A_862 : vector<1x1x16xf32> to vector<16xf32>
      %add3A_864 = arith.addf %add3A_857, %get3A_863 : vector<16xf32>
      %get3A_865 = arith.constant 12 : i32
      %get3A_866 = arith.index_cast %rem3A_53 : i32 to index
      %get3A_867 = arith.index_cast %get3A_865 : i32 to index
      %get3A_868 = arith.constant 32 : index
      %get3A_869 = tpu.vector_load %arg6[%get3A_866, %get3A_867, %get3A_868] {strides = array<i32>} : memref<4x50x128xf32, #tpu.memory_space<vmem>>, vector<1x1x16xf32>,
      %get3A_870 = vector.shape_cast %get3A_869 : vector<1x1x16xf32> to vector<16xf32>
      %add3A_871 = arith.addf %add3A_864, %get3A_870 : vector<16xf32>
      %get3A_872 = arith.constant 13 : i32
      %get3A_873 = arith.index_cast %rem3A_53 : i32 to index
      %get3A_874 = arith.index_cast %get3A_872 : i32 to index
      %get3A_875 = arith.constant 32 : index
      %get3A_876 = tpu.vector_load %arg6[%get3A_873, %get3A_874, %get3A_875] {strides = array<i32>} : memref<4x50x128xf32, #tpu.memory_space<vmem>>, vector<1x1x16xf32>,
      %get3A_877 = vector.shape_cast %get3A_876 : vector<1x1x16xf32> to vector<16xf32>
      %add3A_878 = arith.addf %add3A_871, %get3A_877 : vector<16xf32>
      %get3A_879 = arith.constant 14 : i32
      %get3A_880 = arith.index_cast %rem3A_53 : i32 to index
      %get3A_881 = arith.index_cast %get3A_879 : i32 to index
      %get3A_882 = arith.constant 32 : index
      %get3A_883 = tpu.vector_load %arg6[%get3A_880, %get3A_881, %get3A_882] {strides = array<i32>} : memref<4x50x128xf32, #tpu.memory_space<vmem>>, vector<1x1x16xf32>,
      %get3A_884 = vector.shape_cast %get3A_883 : vector<1x1x16xf32> to vector<16xf32>
      %add3A_885 = arith.addf %add3A_878, %get3A_884 : vector<16xf32>
      %get3A_886 = arith.constant 15 : i32
      %get3A_887 = arith.index_cast %rem3A_53 : i32 to index
      %get3A_888 = arith.index_cast %get3A_886 : i32 to index
      %get3A_889 = arith.constant 32 : index
      %get3A_890 = tpu.vector_load %arg6[%get3A_887, %get3A_888, %get3A_889] {strides = array<i32>} : memref<4x50x128xf32, #tpu.memory_space<vmem>>, vector<1x1x16xf32>,
      %get3A_891 = vector.shape_cast %get3A_890 : vector<1x1x16xf32> to vector<16xf32>
      %add3A_892 = arith.addf %add3A_885, %get3A_891 : vector<16xf32>
      %get3A_893 = arith.constant 16 : i32
      %get3A_894 = arith.index_cast %rem3A_53 : i32 to index
      %get3A_895 = arith.index_cast %get3A_893 : i32 to index
      %get3A_896 = arith.constant 32 : index
      %get3A_897 = tpu.vector_load %arg6[%get3A_894, %get3A_895, %get3A_896] {strides = array<i32>} : memref<4x50x128xf32, #tpu.memory_space<vmem>>, vector<1x1x16xf32>,
      %get3A_898 = vector.shape_cast %get3A_897 : vector<1x1x16xf32> to vector<16xf32>
      %add3A_899 = arith.addf %add3A_892, %get3A_898 : vector<16xf32>
      %get3A_900 = arith.constant 17 : i32
      %get3A_901 = arith.index_cast %rem3A_53 : i32 to index
      %get3A_902 = arith.index_cast %get3A_900 : i32 to index
      %get3A_903 = arith.constant 32 : index
      %get3A_904 = tpu.vector_load %arg6[%get3A_901, %get3A_902, %get3A_903] {strides = array<i32>} : memref<4x50x128xf32, #tpu.memory_space<vmem>>, vector<1x1x16xf32>,
      %get3A_905 = vector.shape_cast %get3A_904 : vector<1x1x16xf32> to vector<16xf32>
      %add3A_906 = arith.addf %add3A_899, %get3A_905 : vector<16xf32>
      %get3A_907 = arith.constant 18 : i32
      %get3A_908 = arith.index_cast %rem3A_53 : i32 to index
      %get3A_909 = arith.index_cast %get3A_907 : i32 to index
      %get3A_910 = arith.constant 32 : index
      %get3A_911 = tpu.vector_load %arg6[%get3A_908, %get3A_909, %get3A_910] {strides = array<i32>} : memref<4x50x128xf32, #tpu.memory_space<vmem>>, vector<1x1x16xf32>,
      %get3A_912 = vector.shape_cast %get3A_911 : vector<1x1x16xf32> to vector<16xf32>
      %add3A_913 = arith.addf %add3A_906, %get3A_912 : vector<16xf32>
      %get3A_914 = arith.constant 19 : i32
      %get3A_915 = arith.index_cast %rem3A_53 : i32 to index
      %get3A_916 = arith.index_cast %get3A_914 : i32 to index
      %get3A_917 = arith.constant 32 : index
      %get3A_918 = tpu.vector_load %arg6[%get3A_915, %get3A_916, %get3A_917] {strides = array<i32>} : memref<4x50x128xf32, #tpu.memory_space<vmem>>, vector<1x1x16xf32>,
      %get3A_919 = vector.shape_cast %get3A_918 : vector<1x1x16xf32> to vector<16xf32>
      %add3A_920 = arith.addf %add3A_913, %get3A_919 : vector<16xf32>
      %get3A_921 = arith.constant 20 : i32
      %get3A_922 = arith.index_cast %rem3A_53 : i32 to index
      %get3A_923 = arith.index_cast %get3A_921 : i32 to index
      %get3A_924 = arith.constant 32 : index
      %get3A_925 = tpu.vector_load %arg6[%get3A_922, %get3A_923, %get3A_924] {strides = array<i32>} : memref<4x50x128xf32, #tpu.memory_space<vmem>>, vector<1x1x16xf32>,
      %get3A_926 = vector.shape_cast %get3A_925 : vector<1x1x16xf32> to vector<16xf32>
      %add3A_927 = arith.addf %add3A_920, %get3A_926 : vector<16xf32>
      %get3A_928 = arith.constant 21 : i32
      %get3A_929 = arith.index_cast %rem3A_53 : i32 to index
      %get3A_930 = arith.index_cast %get3A_928 : i32 to index
      %get3A_931 = arith.constant 32 : index
      %get3A_932 = tpu.vector_load %arg6[%get3A_929, %get3A_930, %get3A_931] {strides = array<i32>} : memref<4x50x128xf32, #tpu.memory_space<vmem>>, vector<1x1x16xf32>,
      %get3A_933 = vector.shape_cast %get3A_932 : vector<1x1x16xf32> to vector<16xf32>
      %add3A_934 = arith.addf %add3A_927, %get3A_933 : vector<16xf32>
      %get3A_935 = arith.constant 22 : i32
      %get3A_936 = arith.index_cast %rem3A_53 : i32 to index
      %get3A_937 = arith.index_cast %get3A_935 : i32 to index
      %get3A_938 = arith.constant 32 : index
      %get3A_939 = tpu.vector_load %arg6[%get3A_936, %get3A_937, %get3A_938] {strides = array<i32>} : memref<4x50x128xf32, #tpu.memory_space<vmem>>, vector<1x1x16xf32>,
      %get3A_940 = vector.shape_cast %get3A_939 : vector<1x1x16xf32> to vector<16xf32>
      %add3A_941 = arith.addf %add3A_934, %get3A_940 : vector<16xf32>
      %get3A_942 = arith.constant 23 : i32
      %get3A_943 = arith.index_cast %rem3A_53 : i32 to index
      %get3A_944 = arith.index_cast %get3A_942 : i32 to index
      %get3A_945 = arith.constant 32 : index
      %get3A_946 = tpu.vector_load %arg6[%get3A_943, %get3A_944, %get3A_945] {strides = array<i32>} : memref<4x50x128xf32, #tpu.memory_space<vmem>>, vector<1x1x16xf32>,
      %get3A_947 = vector.shape_cast %get3A_946 : vector<1x1x16xf32> to vector<16xf32>
      %add3A_948 = arith.addf %add3A_941, %get3A_947 : vector<16xf32>
      %get3A_949 = arith.constant 24 : i32
      %get3A_950 = arith.index_cast %rem3A_53 : i32 to index
      %get3A_951 = arith.index_cast %get3A_949 : i32 to index
      %get3A_952 = arith.constant 32 : index
      %get3A_953 = tpu.vector_load %arg6[%get3A_950, %get3A_951, %get3A_952] {strides = array<i32>} : memref<4x50x128xf32, #tpu.memory_space<vmem>>, vector<1x1x16xf32>,
      %get3A_954 = vector.shape_cast %get3A_953 : vector<1x1x16xf32> to vector<16xf32>
      %add3A_955 = arith.addf %add3A_948, %get3A_954 : vector<16xf32>
      %get3A_956 = arith.constant 25 : i32
      %get3A_957 = arith.index_cast %rem3A_53 : i32 to index
      %get3A_958 = arith.index_cast %get3A_956 : i32 to index
      %get3A_959 = arith.constant 32 : index
      %get3A_960 = tpu.vector_load %arg6[%get3A_957, %get3A_958, %get3A_959] {strides = array<i32>} : memref<4x50x128xf32, #tpu.memory_space<vmem>>, vector<1x1x16xf32>,
      %get3A_961 = vector.shape_cast %get3A_960 : vector<1x1x16xf32> to vector<16xf32>
      %add3A_962 = arith.addf %add3A_955, %get3A_961 : vector<16xf32>
      %get3A_963 = arith.constant 26 : i32
      %get3A_964 = arith.index_cast %rem3A_53 : i32 to index
      %get3A_965 = arith.index_cast %get3A_963 : i32 to index
      %get3A_966 = arith.constant 32 : index
      %get3A_967 = tpu.vector_load %arg6[%get3A_964, %get3A_965, %get3A_966] {strides = array<i32>} : memref<4x50x128xf32, #tpu.memory_space<vmem>>, vector<1x1x16xf32>,
      %get3A_968 = vector.shape_cast %get3A_967 : vector<1x1x16xf32> to vector<16xf32>
      %add3A_969 = arith.addf %add3A_962, %get3A_968 : vector<16xf32>
      %get3A_970 = arith.constant 27 : i32
      %get3A_971 = arith.index_cast %rem3A_53 : i32 to index
      %get3A_972 = arith.index_cast %get3A_970 : i32 to index
      %get3A_973 = arith.constant 32 : index
      %get3A_974 = tpu.vector_load %arg6[%get3A_971, %get3A_972, %get3A_973] {strides = array<i32>} : memref<4x50x128xf32, #tpu.memory_space<vmem>>, vector<1x1x16xf32>,
      %get3A_975 = vector.shape_cast %get3A_974 : vector<1x1x16xf32> to vector<16xf32>
      %add3A_976 = arith.addf %add3A_969, %get3A_975 : vector<16xf32>
      %get3A_977 = arith.constant 28 : i32
      %get3A_978 = arith.index_cast %rem3A_53 : i32 to index
      %get3A_979 = arith.index_cast %get3A_977 : i32 to index
      %get3A_980 = arith.constant 32 : index
      %get3A_981 = tpu.vector_load %arg6[%get3A_978, %get3A_979, %get3A_980] {strides = array<i32>} : memref<4x50x128xf32, #tpu.memory_space<vmem>>, vector<1x1x16xf32>,
      %get3A_982 = vector.shape_cast %get3A_981 : vector<1x1x16xf32> to vector<16xf32>
      %add3A_983 = arith.addf %add3A_976, %get3A_982 : vector<16xf32>
      %get3A_984 = arith.constant 29 : i32
      %get3A_985 = arith.index_cast %rem3A_53 : i32 to index
      %get3A_986 = arith.index_cast %get3A_984 : i32 to index
      %get3A_987 = arith.constant 32 : index
      %get3A_988 = tpu.vector_load %arg6[%get3A_985, %get3A_986, %get3A_987] {strides = array<i32>} : memref<4x50x128xf32, #tpu.memory_space<vmem>>, vector<1x1x16xf32>,
      %get3A_989 = vector.shape_cast %get3A_988 : vector<1x1x16xf32> to vector<16xf32>
      %add3A_990 = arith.addf %add3A_983, %get3A_989 : vector<16xf32>
      %get3A_991 = arith.constant 30 : i32
      %get3A_992 = arith.index_cast %rem3A_53 : i32 to index
      %get3A_993 = arith.index_cast %get3A_991 : i32 to index
      %get3A_994 = arith.constant 32 : index
      %get3A_995 = tpu.vector_load %arg6[%get3A_992, %get3A_993, %get3A_994] {strides = array<i32>} : memref<4x50x128xf32, #tpu.memory_space<vmem>>, vector<1x1x16xf32>,
      %get3A_996 = vector.shape_cast %get3A_995 : vector<1x1x16xf32> to vector<16xf32>
      %add3A_997 = arith.addf %add3A_990, %get3A_996 : vector<16xf32>
      %get3A_998 = arith.constant 31 : i32
      %get3A_999 = arith.index_cast %rem3A_53 : i32 to index
      %get3A_1000 = arith.index_cast %get3A_998 : i32 to index
      %get3A_1001 = arith.constant 32 : index
      %get3A_1002 = tpu.vector_load %arg6[%get3A_999, %get3A_1000, %get3A_1001] {strides = array<i32>} : memref<4x50x128xf32, #tpu.memory_space<vmem>>, vector<1x1x16xf32>,
      %get3A_1003 = vector.shape_cast %get3A_1002 : vector<1x1x16xf32> to vector<16xf32>
      %add3A_1004 = arith.addf %add3A_997, %get3A_1003 : vector<16xf32>
      %get3A_1005 = arith.constant 32 : i32
      %get3A_1006 = arith.index_cast %rem3A_53 : i32 to index
      %get3A_1007 = arith.index_cast %get3A_1005 : i32 to index
      %get3A_1008 = arith.constant 32 : index
      %get3A_1009 = tpu.vector_load %arg6[%get3A_1006, %get3A_1007, %get3A_1008] {strides = array<i32>} : memref<4x50x128xf32, #tpu.memory_space<vmem>>, vector<1x1x16xf32>,
      %get3A_1010 = vector.shape_cast %get3A_1009 : vector<1x1x16xf32> to vector<16xf32>
      %add3A_1011 = arith.addf %add3A_1004, %get3A_1010 : vector<16xf32>
      %get3A_1012 = arith.constant 33 : i32
      %get3A_1013 = arith.index_cast %rem3A_53 : i32 to index
      %get3A_1014 = arith.index_cast %get3A_1012 : i32 to index
      %get3A_1015 = arith.constant 32 : index
      %get3A_1016 = tpu.vector_load %arg6[%get3A_1013, %get3A_1014, %get3A_1015] {strides = array<i32>} : memref<4x50x128xf32, #tpu.memory_space<vmem>>, vector<1x1x16xf32>,
      %get3A_1017 = vector.shape_cast %get3A_1016 : vector<1x1x16xf32> to vector<16xf32>
      %add3A_1018 = arith.addf %add3A_1011, %get3A_1017 : vector<16xf32>
      %get3A_1019 = arith.constant 34 : i32
      %get3A_1020 = arith.index_cast %rem3A_53 : i32 to index
      %get3A_1021 = arith.index_cast %get3A_1019 : i32 to index
      %get3A_1022 = arith.constant 32 : index
      %get3A_1023 = tpu.vector_load %arg6[%get3A_1020, %get3A_1021, %get3A_1022] {strides = array<i32>} : memref<4x50x128xf32, #tpu.memory_space<vmem>>, vector<1x1x16xf32>,
      %get3A_1024 = vector.shape_cast %get3A_1023 : vector<1x1x16xf32> to vector<16xf32>
      %add3A_1025 = arith.addf %add3A_1018, %get3A_1024 : vector<16xf32>
      %get3A_1026 = arith.constant 35 : i32
      %get3A_1027 = arith.index_cast %rem3A_53 : i32 to index
      %get3A_1028 = arith.index_cast %get3A_1026 : i32 to index
      %get3A_1029 = arith.constant 32 : index
      %get3A_1030 = tpu.vector_load %arg6[%get3A_1027, %get3A_1028, %get3A_1029] {strides = array<i32>} : memref<4x50x128xf32, #tpu.memory_space<vmem>>, vector<1x1x16xf32>,
      %get3A_1031 = vector.shape_cast %get3A_1030 : vector<1x1x16xf32> to vector<16xf32>
      %add3A_1032 = arith.addf %add3A_1025, %get3A_1031 : vector<16xf32>
      %get3A_1033 = arith.constant 36 : i32
      %get3A_1034 = arith.index_cast %rem3A_53 : i32 to index
      %get3A_1035 = arith.index_cast %get3A_1033 : i32 to index
      %get3A_1036 = arith.constant 32 : index
      %get3A_1037 = tpu.vector_load %arg6[%get3A_1034, %get3A_1035, %get3A_1036] {strides = array<i32>} : memref<4x50x128xf32, #tpu.memory_space<vmem>>, vector<1x1x16xf32>,
      %get3A_1038 = vector.shape_cast %get3A_1037 : vector<1x1x16xf32> to vector<16xf32>
      %add3A_1039 = arith.addf %add3A_1032, %get3A_1038 : vector<16xf32>
      %get3A_1040 = arith.constant 37 : i32
      %get3A_1041 = arith.index_cast %rem3A_53 : i32 to index
      %get3A_1042 = arith.index_cast %get3A_1040 : i32 to index
      %get3A_1043 = arith.constant 32 : index
      %get3A_1044 = tpu.vector_load %arg6[%get3A_1041, %get3A_1042, %get3A_1043] {strides = array<i32>} : memref<4x50x128xf32, #tpu.memory_space<vmem>>, vector<1x1x16xf32>,
      %get3A_1045 = vector.shape_cast %get3A_1044 : vector<1x1x16xf32> to vector<16xf32>
      %add3A_1046 = arith.addf %add3A_1039, %get3A_1045 : vector<16xf32>
      %get3A_1047 = arith.constant 38 : i32
      %get3A_1048 = arith.index_cast %rem3A_53 : i32 to index
      %get3A_1049 = arith.index_cast %get3A_1047 : i32 to index
      %get3A_1050 = arith.constant 32 : index
      %get3A_1051 = tpu.vector_load %arg6[%get3A_1048, %get3A_1049, %get3A_1050] {strides = array<i32>} : memref<4x50x128xf32, #tpu.memory_space<vmem>>, vector<1x1x16xf32>,
      %get3A_1052 = vector.shape_cast %get3A_1051 : vector<1x1x16xf32> to vector<16xf32>
      %add3A_1053 = arith.addf %add3A_1046, %get3A_1052 : vector<16xf32>
      %get3A_1054 = arith.constant 39 : i32
      %get3A_1055 = arith.index_cast %rem3A_53 : i32 to index
      %get3A_1056 = arith.index_cast %get3A_1054 : i32 to index
      %get3A_1057 = arith.constant 32 : index
      %get3A_1058 = tpu.vector_load %arg6[%get3A_1055, %get3A_1056, %get3A_1057] {strides = array<i32>} : memref<4x50x128xf32, #tpu.memory_space<vmem>>, vector<1x1x16xf32>,
      %get3A_1059 = vector.shape_cast %get3A_1058 : vector<1x1x16xf32> to vector<16xf32>
      %add3A_1060 = arith.addf %add3A_1053, %get3A_1059 : vector<16xf32>
      %get3A_1061 = arith.constant 40 : i32
      %get3A_1062 = arith.index_cast %rem3A_53 : i32 to index
      %get3A_1063 = arith.index_cast %get3A_1061 : i32 to index
      %get3A_1064 = arith.constant 32 : index
      %get3A_1065 = tpu.vector_load %arg6[%get3A_1062, %get3A_1063, %get3A_1064] {strides = array<i32>} : memref<4x50x128xf32, #tpu.memory_space<vmem>>, vector<1x1x16xf32>,
      %get3A_1066 = vector.shape_cast %get3A_1065 : vector<1x1x16xf32> to vector<16xf32>
      %add3A_1067 = arith.addf %add3A_1060, %get3A_1066 : vector<16xf32>
      %get3A_1068 = arith.constant 41 : i32
      %get3A_1069 = arith.index_cast %rem3A_53 : i32 to index
      %get3A_1070 = arith.index_cast %get3A_1068 : i32 to index
      %get3A_1071 = arith.constant 32 : index
      %get3A_1072 = tpu.vector_load %arg6[%get3A_1069, %get3A_1070, %get3A_1071] {strides = array<i32>} : memref<4x50x128xf32, #tpu.memory_space<vmem>>, vector<1x1x16xf32>,
      %get3A_1073 = vector.shape_cast %get3A_1072 : vector<1x1x16xf32> to vector<16xf32>
      %add3A_1074 = arith.addf %add3A_1067, %get3A_1073 : vector<16xf32>
      %get3A_1075 = arith.constant 42 : i32
      %get3A_1076 = arith.index_cast %rem3A_53 : i32 to index
      %get3A_1077 = arith.index_cast %get3A_1075 : i32 to index
      %get3A_1078 = arith.constant 32 : index
      %get3A_1079 = tpu.vector_load %arg6[%get3A_1076, %get3A_1077, %get3A_1078] {strides = array<i32>} : memref<4x50x128xf32, #tpu.memory_space<vmem>>, vector<1x1x16xf32>,
      %get3A_1080 = vector.shape_cast %get3A_1079 : vector<1x1x16xf32> to vector<16xf32>
      %add3A_1081 = arith.addf %add3A_1074, %get3A_1080 : vector<16xf32>
      %get3A_1082 = arith.constant 43 : i32
      %get3A_1083 = arith.index_cast %rem3A_53 : i32 to index
      %get3A_1084 = arith.index_cast %get3A_1082 : i32 to index
      %get3A_1085 = arith.constant 32 : index
      %get3A_1086 = tpu.vector_load %arg6[%get3A_1083, %get3A_1084, %get3A_1085] {strides = array<i32>} : memref<4x50x128xf32, #tpu.memory_space<vmem>>, vector<1x1x16xf32>,
      %get3A_1087 = vector.shape_cast %get3A_1086 : vector<1x1x16xf32> to vector<16xf32>
      %add3A_1088 = arith.addf %add3A_1081, %get3A_1087 : vector<16xf32>
      %get3A_1089 = arith.constant 44 : i32
      %get3A_1090 = arith.index_cast %rem3A_53 : i32 to index
      %get3A_1091 = arith.index_cast %get3A_1089 : i32 to index
      %get3A_1092 = arith.constant 32 : index
      %get3A_1093 = tpu.vector_load %arg6[%get3A_1090, %get3A_1091, %get3A_1092] {strides = array<i32>} : memref<4x50x128xf32, #tpu.memory_space<vmem>>, vector<1x1x16xf32>,
      %get3A_1094 = vector.shape_cast %get3A_1093 : vector<1x1x16xf32> to vector<16xf32>
      %add3A_1095 = arith.addf %add3A_1088, %get3A_1094 : vector<16xf32>
      %get3A_1096 = arith.constant 45 : i32
      %get3A_1097 = arith.index_cast %rem3A_53 : i32 to index
      %get3A_1098 = arith.index_cast %get3A_1096 : i32 to index
      %get3A_1099 = arith.constant 32 : index
      %get3A_1100 = tpu.vector_load %arg6[%get3A_1097, %get3A_1098, %get3A_1099] {strides = array<i32>} : memref<4x50x128xf32, #tpu.memory_space<vmem>>, vector<1x1x16xf32>,
      %get3A_1101 = vector.shape_cast %get3A_1100 : vector<1x1x16xf32> to vector<16xf32>
      %add3A_1102 = arith.addf %add3A_1095, %get3A_1101 : vector<16xf32>
      %get3A_1103 = arith.constant 46 : i32
      %get3A_1104 = arith.index_cast %rem3A_53 : i32 to index
      %get3A_1105 = arith.index_cast %get3A_1103 : i32 to index
      %get3A_1106 = arith.constant 32 : index
      %get3A_1107 = tpu.vector_load %arg6[%get3A_1104, %get3A_1105, %get3A_1106] {strides = array<i32>} : memref<4x50x128xf32, #tpu.memory_space<vmem>>, vector<1x1x16xf32>,
      %get3A_1108 = vector.shape_cast %get3A_1107 : vector<1x1x16xf32> to vector<16xf32>
      %add3A_1109 = arith.addf %add3A_1102, %get3A_1108 : vector<16xf32>
      %get3A_1110 = arith.constant 47 : i32
      %get3A_1111 = arith.index_cast %rem3A_53 : i32 to index
      %get3A_1112 = arith.index_cast %get3A_1110 : i32 to index
      %get3A_1113 = arith.constant 32 : index
      %get3A_1114 = tpu.vector_load %arg6[%get3A_1111, %get3A_1112, %get3A_1113] {strides = array<i32>} : memref<4x50x128xf32, #tpu.memory_space<vmem>>, vector<1x1x16xf32>,
      %get3A_1115 = vector.shape_cast %get3A_1114 : vector<1x1x16xf32> to vector<16xf32>
      %add3A_1116 = arith.addf %add3A_1109, %get3A_1115 : vector<16xf32>
      %get3A_1117 = arith.constant 48 : i32
      %get3A_1118 = arith.index_cast %rem3A_53 : i32 to index
      %get3A_1119 = arith.index_cast %get3A_1117 : i32 to index
      %get3A_1120 = arith.constant 32 : index
      %get3A_1121 = tpu.vector_load %arg6[%get3A_1118, %get3A_1119, %get3A_1120] {strides = array<i32>} : memref<4x50x128xf32, #tpu.memory_space<vmem>>, vector<1x1x16xf32>,
      %get3A_1122 = vector.shape_cast %get3A_1121 : vector<1x1x16xf32> to vector<16xf32>
      %add3A_1123 = arith.addf %add3A_1116, %get3A_1122 : vector<16xf32>
      %get3A_1124 = arith.constant 49 : i32
      %get3A_1125 = arith.index_cast %rem3A_53 : i32 to index
      %get3A_1126 = arith.index_cast %get3A_1124 : i32 to index
      %get3A_1127 = arith.constant 32 : index
      %get3A_1128 = tpu.vector_load %arg6[%get3A_1125, %get3A_1126, %get3A_1127] {strides = array<i32>} : memref<4x50x128xf32, #tpu.memory_space<vmem>>, vector<1x1x16xf32>,
      %get3A_1129 = vector.shape_cast %get3A_1128 : vector<1x1x16xf32> to vector<16xf32>
      %add3A_1130 = arith.addf %add3A_1123, %get3A_1129 : vector<16xf32>
      %mul3A_1131 = arith.constant 2.000000e-02 : f32
      %mul3A_1132 = vector.broadcast %mul3A_1131 : f32 to vector<16xf32>
      %mul3A_1133 = arith.mulf %add3A_1130, %mul3A_1132 : vector<16xf32>
      %swap3A_1134 = arith.index_cast %scan3A_52 : i32 to index
      %swap3A_1135 = arith.constant 32 : index
      %swap3A_1136 = tpu.vector_load %arg7[%swap3A_1134, %swap3A_1135] {strides = array<i32>} : memref<32x128xf32, #tpu.memory_space<vmem>>, vector<1x16xf32>,
      %swap3A_1137 = vector.shape_cast %swap3A_1136 : vector<1x16xf32> to vector<16xf32>
      %swap3A_1138 = vector.shape_cast %mul3A_1133 : vector<16xf32> to vector<1x16xf32>
      tpu.vector_store %arg7[%swap3A_1134, %swap3A_1135], %swap3A_1138 {strides = array<i32>} : memref<32x128xf32, #tpu.memory_space<vmem>>, vector<1x16xf32>,
      %get3A_1139 = arith.constant 0 : i32
      %get3A_1140 = arith.index_cast %rem3A_53 : i32 to index
      %get3A_1141 = arith.index_cast %get3A_1139 : i32 to index
      %get3A_1142 = arith.constant 48 : index
      %get3A_1143 = tpu.vector_load %arg6[%get3A_1140, %get3A_1141, %get3A_1142] {strides = array<i32>} : memref<4x50x128xf32, #tpu.memory_space<vmem>>, vector<1x1x16xf32>,
      %get3A_1144 = vector.shape_cast %get3A_1143 : vector<1x1x16xf32> to vector<16xf32>
      %get3A_1145 = arith.constant 1 : i32
      %get3A_1146 = arith.index_cast %rem3A_53 : i32 to index
      %get3A_1147 = arith.index_cast %get3A_1145 : i32 to index
      %get3A_1148 = arith.constant 48 : index
      %get3A_1149 = tpu.vector_load %arg6[%get3A_1146, %get3A_1147, %get3A_1148] {strides = array<i32>} : memref<4x50x128xf32, #tpu.memory_space<vmem>>, vector<1x1x16xf32>,
      %get3A_1150 = vector.shape_cast %get3A_1149 : vector<1x1x16xf32> to vector<16xf32>
      %add3A_1151 = arith.addf %get3A_1144, %get3A_1150 : vector<16xf32>
      %get3A_1152 = arith.constant 2 : i32
      %get3A_1153 = arith.index_cast %rem3A_53 : i32 to index
      %get3A_1154 = arith.index_cast %get3A_1152 : i32 to index
      %get3A_1155 = arith.constant 48 : index
      %get3A_1156 = tpu.vector_load %arg6[%get3A_1153, %get3A_1154, %get3A_1155] {strides = array<i32>} : memref<4x50x128xf32, #tpu.memory_space<vmem>>, vector<1x1x16xf32>,
      %get3A_1157 = vector.shape_cast %get3A_1156 : vector<1x1x16xf32> to vector<16xf32>
      %add3A_1158 = arith.addf %add3A_1151, %get3A_1157 : vector<16xf32>
      %get3A_1159 = arith.constant 3 : i32
      %get3A_1160 = arith.index_cast %rem3A_53 : i32 to index
      %get3A_1161 = arith.index_cast %get3A_1159 : i32 to index
      %get3A_1162 = arith.constant 48 : index
      %get3A_1163 = tpu.vector_load %arg6[%get3A_1160, %get3A_1161, %get3A_1162] {strides = array<i32>} : memref<4x50x128xf32, #tpu.memory_space<vmem>>, vector<1x1x16xf32>,
      %get3A_1164 = vector.shape_cast %get3A_1163 : vector<1x1x16xf32> to vector<16xf32>
      %add3A_1165 = arith.addf %add3A_1158, %get3A_1164 : vector<16xf32>
      %get3A_1166 = arith.constant 4 : i32
      %get3A_1167 = arith.index_cast %rem3A_53 : i32 to index
      %get3A_1168 = arith.index_cast %get3A_1166 : i32 to index
      %get3A_1169 = arith.constant 48 : index
      %get3A_1170 = tpu.vector_load %arg6[%get3A_1167, %get3A_1168, %get3A_1169] {strides = array<i32>} : memref<4x50x128xf32, #tpu.memory_space<vmem>>, vector<1x1x16xf32>,
      %get3A_1171 = vector.shape_cast %get3A_1170 : vector<1x1x16xf32> to vector<16xf32>
      %add3A_1172 = arith.addf %add3A_1165, %get3A_1171 : vector<16xf32>
      %get3A_1173 = arith.constant 5 : i32
      %get3A_1174 = arith.index_cast %rem3A_53 : i32 to index
      %get3A_1175 = arith.index_cast %get3A_1173 : i32 to index
      %get3A_1176 = arith.constant 48 : index
      %get3A_1177 = tpu.vector_load %arg6[%get3A_1174, %get3A_1175, %get3A_1176] {strides = array<i32>} : memref<4x50x128xf32, #tpu.memory_space<vmem>>, vector<1x1x16xf32>,
      %get3A_1178 = vector.shape_cast %get3A_1177 : vector<1x1x16xf32> to vector<16xf32>
      %add3A_1179 = arith.addf %add3A_1172, %get3A_1178 : vector<16xf32>
      %get3A_1180 = arith.constant 6 : i32
      %get3A_1181 = arith.index_cast %rem3A_53 : i32 to index
      %get3A_1182 = arith.index_cast %get3A_1180 : i32 to index
      %get3A_1183 = arith.constant 48 : index
      %get3A_1184 = tpu.vector_load %arg6[%get3A_1181, %get3A_1182, %get3A_1183] {strides = array<i32>} : memref<4x50x128xf32, #tpu.memory_space<vmem>>, vector<1x1x16xf32>,
      %get3A_1185 = vector.shape_cast %get3A_1184 : vector<1x1x16xf32> to vector<16xf32>
      %add3A_1186 = arith.addf %add3A_1179, %get3A_1185 : vector<16xf32>
      %get3A_1187 = arith.constant 7 : i32
      %get3A_1188 = arith.index_cast %rem3A_53 : i32 to index
      %get3A_1189 = arith.index_cast %get3A_1187 : i32 to index
      %get3A_1190 = arith.constant 48 : index
      %get3A_1191 = tpu.vector_load %arg6[%get3A_1188, %get3A_1189, %get3A_1190] {strides = array<i32>} : memref<4x50x128xf32, #tpu.memory_space<vmem>>, vector<1x1x16xf32>,
      %get3A_1192 = vector.shape_cast %get3A_1191 : vector<1x1x16xf32> to vector<16xf32>
      %add3A_1193 = arith.addf %add3A_1186, %get3A_1192 : vector<16xf32>
      %get3A_1194 = arith.constant 8 : i32
      %get3A_1195 = arith.index_cast %rem3A_53 : i32 to index
      %get3A_1196 = arith.index_cast %get3A_1194 : i32 to index
      %get3A_1197 = arith.constant 48 : index
      %get3A_1198 = tpu.vector_load %arg6[%get3A_1195, %get3A_1196, %get3A_1197] {strides = array<i32>} : memref<4x50x128xf32, #tpu.memory_space<vmem>>, vector<1x1x16xf32>,
      %get3A_1199 = vector.shape_cast %get3A_1198 : vector<1x1x16xf32> to vector<16xf32>
      %add3A_1200 = arith.addf %add3A_1193, %get3A_1199 : vector<16xf32>
      %get3A_1201 = arith.constant 9 : i32
      %get3A_1202 = arith.index_cast %rem3A_53 : i32 to index
      %get3A_1203 = arith.index_cast %get3A_1201 : i32 to index
      %get3A_1204 = arith.constant 48 : index
      %get3A_1205 = tpu.vector_load %arg6[%get3A_1202, %get3A_1203, %get3A_1204] {strides = array<i32>} : memref<4x50x128xf32, #tpu.memory_space<vmem>>, vector<1x1x16xf32>,
      %get3A_1206 = vector.shape_cast %get3A_1205 : vector<1x1x16xf32> to vector<16xf32>
      %add3A_1207 = arith.addf %add3A_1200, %get3A_1206 : vector<16xf32>
      %get3A_1208 = arith.constant 10 : i32
      %get3A_1209 = arith.index_cast %rem3A_53 : i32 to index
      %get3A_1210 = arith.index_cast %get3A_1208 : i32 to index
      %get3A_1211 = arith.constant 48 : index
      %get3A_1212 = tpu.vector_load %arg6[%get3A_1209, %get3A_1210, %get3A_1211] {strides = array<i32>} : memref<4x50x128xf32, #tpu.memory_space<vmem>>, vector<1x1x16xf32>,
      %get3A_1213 = vector.shape_cast %get3A_1212 : vector<1x1x16xf32> to vector<16xf32>
      %add3A_1214 = arith.addf %add3A_1207, %get3A_1213 : vector<16xf32>
      %get3A_1215 = arith.constant 11 : i32
      %get3A_1216 = arith.index_cast %rem3A_53 : i32 to index
      %get3A_1217 = arith.index_cast %get3A_1215 : i32 to index
      %get3A_1218 = arith.constant 48 : index
      %get3A_1219 = tpu.vector_load %arg6[%get3A_1216, %get3A_1217, %get3A_1218] {strides = array<i32>} : memref<4x50x128xf32, #tpu.memory_space<vmem>>, vector<1x1x16xf32>,
      %get3A_1220 = vector.shape_cast %get3A_1219 : vector<1x1x16xf32> to vector<16xf32>
      %add3A_1221 = arith.addf %add3A_1214, %get3A_1220 : vector<16xf32>
      %get3A_1222 = arith.constant 12 : i32
      %get3A_1223 = arith.index_cast %rem3A_53 : i32 to index
      %get3A_1224 = arith.index_cast %get3A_1222 : i32 to index
      %get3A_1225 = arith.constant 48 : index
      %get3A_1226 = tpu.vector_load %arg6[%get3A_1223, %get3A_1224, %get3A_1225] {strides = array<i32>} : memref<4x50x128xf32, #tpu.memory_space<vmem>>, vector<1x1x16xf32>,
      %get3A_1227 = vector.shape_cast %get3A_1226 : vector<1x1x16xf32> to vector<16xf32>
      %add3A_1228 = arith.addf %add3A_1221, %get3A_1227 : vector<16xf32>
      %get3A_1229 = arith.constant 13 : i32
      %get3A_1230 = arith.index_cast %rem3A_53 : i32 to index
      %get3A_1231 = arith.index_cast %get3A_1229 : i32 to index
      %get3A_1232 = arith.constant 48 : index
      %get3A_1233 = tpu.vector_load %arg6[%get3A_1230, %get3A_1231, %get3A_1232] {strides = array<i32>} : memref<4x50x128xf32, #tpu.memory_space<vmem>>, vector<1x1x16xf32>,
      %get3A_1234 = vector.shape_cast %get3A_1233 : vector<1x1x16xf32> to vector<16xf32>
      %add3A_1235 = arith.addf %add3A_1228, %get3A_1234 : vector<16xf32>
      %get3A_1236 = arith.constant 14 : i32
      %get3A_1237 = arith.index_cast %rem3A_53 : i32 to index
      %get3A_1238 = arith.index_cast %get3A_1236 : i32 to index
      %get3A_1239 = arith.constant 48 : index
      %get3A_1240 = tpu.vector_load %arg6[%get3A_1237, %get3A_1238, %get3A_1239] {strides = array<i32>} : memref<4x50x128xf32, #tpu.memory_space<vmem>>, vector<1x1x16xf32>,
      %get3A_1241 = vector.shape_cast %get3A_1240 : vector<1x1x16xf32> to vector<16xf32>
      %add3A_1242 = arith.addf %add3A_1235, %get3A_1241 : vector<16xf32>
      %get3A_1243 = arith.constant 15 : i32
      %get3A_1244 = arith.index_cast %rem3A_53 : i32 to index
      %get3A_1245 = arith.index_cast %get3A_1243 : i32 to index
      %get3A_1246 = arith.constant 48 : index
      %get3A_1247 = tpu.vector_load %arg6[%get3A_1244, %get3A_1245, %get3A_1246] {strides = array<i32>} : memref<4x50x128xf32, #tpu.memory_space<vmem>>, vector<1x1x16xf32>,
      %get3A_1248 = vector.shape_cast %get3A_1247 : vector<1x1x16xf32> to vector<16xf32>
      %add3A_1249 = arith.addf %add3A_1242, %get3A_1248 : vector<16xf32>
      %get3A_1250 = arith.constant 16 : i32
      %get3A_1251 = arith.index_cast %rem3A_53 : i32 to index
      %get3A_1252 = arith.index_cast %get3A_1250 : i32 to index
      %get3A_1253 = arith.constant 48 : index
      %get3A_1254 = tpu.vector_load %arg6[%get3A_1251, %get3A_1252, %get3A_1253] {strides = array<i32>} : memref<4x50x128xf32, #tpu.memory_space<vmem>>, vector<1x1x16xf32>,
      %get3A_1255 = vector.shape_cast %get3A_1254 : vector<1x1x16xf32> to vector<16xf32>
      %add3A_1256 = arith.addf %add3A_1249, %get3A_1255 : vector<16xf32>
      %get3A_1257 = arith.constant 17 : i32
      %get3A_1258 = arith.index_cast %rem3A_53 : i32 to index
      %get3A_1259 = arith.index_cast %get3A_1257 : i32 to index
      %get3A_1260 = arith.constant 48 : index
      %get3A_1261 = tpu.vector_load %arg6[%get3A_1258, %get3A_1259, %get3A_1260] {strides = array<i32>} : memref<4x50x128xf32, #tpu.memory_space<vmem>>, vector<1x1x16xf32>,
      %get3A_1262 = vector.shape_cast %get3A_1261 : vector<1x1x16xf32> to vector<16xf32>
      %add3A_1263 = arith.addf %add3A_1256, %get3A_1262 : vector<16xf32>
      %get3A_1264 = arith.constant 18 : i32
      %get3A_1265 = arith.index_cast %rem3A_53 : i32 to index
      %get3A_1266 = arith.index_cast %get3A_1264 : i32 to index
      %get3A_1267 = arith.constant 48 : index
      %get3A_1268 = tpu.vector_load %arg6[%get3A_1265, %get3A_1266, %get3A_1267] {strides = array<i32>} : memref<4x50x128xf32, #tpu.memory_space<vmem>>, vector<1x1x16xf32>,
      %get3A_1269 = vector.shape_cast %get3A_1268 : vector<1x1x16xf32> to vector<16xf32>
      %add3A_1270 = arith.addf %add3A_1263, %get3A_1269 : vector<16xf32>
      %get3A_1271 = arith.constant 19 : i32
      %get3A_1272 = arith.index_cast %rem3A_53 : i32 to index
      %get3A_1273 = arith.index_cast %get3A_1271 : i32 to index
      %get3A_1274 = arith.constant 48 : index
      %get3A_1275 = tpu.vector_load %arg6[%get3A_1272, %get3A_1273, %get3A_1274] {strides = array<i32>} : memref<4x50x128xf32, #tpu.memory_space<vmem>>, vector<1x1x16xf32>,
      %get3A_1276 = vector.shape_cast %get3A_1275 : vector<1x1x16xf32> to vector<16xf32>
      %add3A_1277 = arith.addf %add3A_1270, %get3A_1276 : vector<16xf32>
      %get3A_1278 = arith.constant 20 : i32
      %get3A_1279 = arith.index_cast %rem3A_53 : i32 to index
      %get3A_1280 = arith.index_cast %get3A_1278 : i32 to index
      %get3A_1281 = arith.constant 48 : index
      %get3A_1282 = tpu.vector_load %arg6[%get3A_1279, %get3A_1280, %get3A_1281] {strides = array<i32>} : memref<4x50x128xf32, #tpu.memory_space<vmem>>, vector<1x1x16xf32>,
      %get3A_1283 = vector.shape_cast %get3A_1282 : vector<1x1x16xf32> to vector<16xf32>
      %add3A_1284 = arith.addf %add3A_1277, %get3A_1283 : vector<16xf32>
      %get3A_1285 = arith.constant 21 : i32
      %get3A_1286 = arith.index_cast %rem3A_53 : i32 to index
      %get3A_1287 = arith.index_cast %get3A_1285 : i32 to index
      %get3A_1288 = arith.constant 48 : index
      %get3A_1289 = tpu.vector_load %arg6[%get3A_1286, %get3A_1287, %get3A_1288] {strides = array<i32>} : memref<4x50x128xf32, #tpu.memory_space<vmem>>, vector<1x1x16xf32>,
      %get3A_1290 = vector.shape_cast %get3A_1289 : vector<1x1x16xf32> to vector<16xf32>
      %add3A_1291 = arith.addf %add3A_1284, %get3A_1290 : vector<16xf32>
      %get3A_1292 = arith.constant 22 : i32
      %get3A_1293 = arith.index_cast %rem3A_53 : i32 to index
      %get3A_1294 = arith.index_cast %get3A_1292 : i32 to index
      %get3A_1295 = arith.constant 48 : index
      %get3A_1296 = tpu.vector_load %arg6[%get3A_1293, %get3A_1294, %get3A_1295] {strides = array<i32>} : memref<4x50x128xf32, #tpu.memory_space<vmem>>, vector<1x1x16xf32>,
      %get3A_1297 = vector.shape_cast %get3A_1296 : vector<1x1x16xf32> to vector<16xf32>
      %add3A_1298 = arith.addf %add3A_1291, %get3A_1297 : vector<16xf32>
      %get3A_1299 = arith.constant 23 : i32
      %get3A_1300 = arith.index_cast %rem3A_53 : i32 to index
      %get3A_1301 = arith.index_cast %get3A_1299 : i32 to index
      %get3A_1302 = arith.constant 48 : index
      %get3A_1303 = tpu.vector_load %arg6[%get3A_1300, %get3A_1301, %get3A_1302] {strides = array<i32>} : memref<4x50x128xf32, #tpu.memory_space<vmem>>, vector<1x1x16xf32>,
      %get3A_1304 = vector.shape_cast %get3A_1303 : vector<1x1x16xf32> to vector<16xf32>
      %add3A_1305 = arith.addf %add3A_1298, %get3A_1304 : vector<16xf32>
      %get3A_1306 = arith.constant 24 : i32
      %get3A_1307 = arith.index_cast %rem3A_53 : i32 to index
      %get3A_1308 = arith.index_cast %get3A_1306 : i32 to index
      %get3A_1309 = arith.constant 48 : index
      %get3A_1310 = tpu.vector_load %arg6[%get3A_1307, %get3A_1308, %get3A_1309] {strides = array<i32>} : memref<4x50x128xf32, #tpu.memory_space<vmem>>, vector<1x1x16xf32>,
      %get3A_1311 = vector.shape_cast %get3A_1310 : vector<1x1x16xf32> to vector<16xf32>
      %add3A_1312 = arith.addf %add3A_1305, %get3A_1311 : vector<16xf32>
      %get3A_1313 = arith.constant 25 : i32
      %get3A_1314 = arith.index_cast %rem3A_53 : i32 to index
      %get3A_1315 = arith.index_cast %get3A_1313 : i32 to index
      %get3A_1316 = arith.constant 48 : index
      %get3A_1317 = tpu.vector_load %arg6[%get3A_1314, %get3A_1315, %get3A_1316] {strides = array<i32>} : memref<4x50x128xf32, #tpu.memory_space<vmem>>, vector<1x1x16xf32>,
      %get3A_1318 = vector.shape_cast %get3A_1317 : vector<1x1x16xf32> to vector<16xf32>
      %add3A_1319 = arith.addf %add3A_1312, %get3A_1318 : vector<16xf32>
      %get3A_1320 = arith.constant 26 : i32
      %get3A_1321 = arith.index_cast %rem3A_53 : i32 to index
      %get3A_1322 = arith.index_cast %get3A_1320 : i32 to index
      %get3A_1323 = arith.constant 48 : index
      %get3A_1324 = tpu.vector_load %arg6[%get3A_1321, %get3A_1322, %get3A_1323] {strides = array<i32>} : memref<4x50x128xf32, #tpu.memory_space<vmem>>, vector<1x1x16xf32>,
      %get3A_1325 = vector.shape_cast %get3A_1324 : vector<1x1x16xf32> to vector<16xf32>
      %add3A_1326 = arith.addf %add3A_1319, %get3A_1325 : vector<16xf32>
      %get3A_1327 = arith.constant 27 : i32
      %get3A_1328 = arith.index_cast %rem3A_53 : i32 to index
      %get3A_1329 = arith.index_cast %get3A_1327 : i32 to index
      %get3A_1330 = arith.constant 48 : index
      %get3A_1331 = tpu.vector_load %arg6[%get3A_1328, %get3A_1329, %get3A_1330] {strides = array<i32>} : memref<4x50x128xf32, #tpu.memory_space<vmem>>, vector<1x1x16xf32>,
      %get3A_1332 = vector.shape_cast %get3A_1331 : vector<1x1x16xf32> to vector<16xf32>
      %add3A_1333 = arith.addf %add3A_1326, %get3A_1332 : vector<16xf32>
      %get3A_1334 = arith.constant 28 : i32
      %get3A_1335 = arith.index_cast %rem3A_53 : i32 to index
      %get3A_1336 = arith.index_cast %get3A_1334 : i32 to index
      %get3A_1337 = arith.constant 48 : index
      %get3A_1338 = tpu.vector_load %arg6[%get3A_1335, %get3A_1336, %get3A_1337] {strides = array<i32>} : memref<4x50x128xf32, #tpu.memory_space<vmem>>, vector<1x1x16xf32>,
      %get3A_1339 = vector.shape_cast %get3A_1338 : vector<1x1x16xf32> to vector<16xf32>
      %add3A_1340 = arith.addf %add3A_1333, %get3A_1339 : vector<16xf32>
      %get3A_1341 = arith.constant 29 : i32
      %get3A_1342 = arith.index_cast %rem3A_53 : i32 to index
      %get3A_1343 = arith.index_cast %get3A_1341 : i32 to index
      %get3A_1344 = arith.constant 48 : index
      %get3A_1345 = tpu.vector_load %arg6[%get3A_1342, %get3A_1343, %get3A_1344] {strides = array<i32>} : memref<4x50x128xf32, #tpu.memory_space<vmem>>, vector<1x1x16xf32>,
      %get3A_1346 = vector.shape_cast %get3A_1345 : vector<1x1x16xf32> to vector<16xf32>
      %add3A_1347 = arith.addf %add3A_1340, %get3A_1346 : vector<16xf32>
      %get3A_1348 = arith.constant 30 : i32
      %get3A_1349 = arith.index_cast %rem3A_53 : i32 to index
      %get3A_1350 = arith.index_cast %get3A_1348 : i32 to index
      %get3A_1351 = arith.constant 48 : index
      %get3A_1352 = tpu.vector_load %arg6[%get3A_1349, %get3A_1350, %get3A_1351] {strides = array<i32>} : memref<4x50x128xf32, #tpu.memory_space<vmem>>, vector<1x1x16xf32>,
      %get3A_1353 = vector.shape_cast %get3A_1352 : vector<1x1x16xf32> to vector<16xf32>
      %add3A_1354 = arith.addf %add3A_1347, %get3A_1353 : vector<16xf32>
      %get3A_1355 = arith.constant 31 : i32
      %get3A_1356 = arith.index_cast %rem3A_53 : i32 to index
      %get3A_1357 = arith.index_cast %get3A_1355 : i32 to index
      %get3A_1358 = arith.constant 48 : index
      %get3A_1359 = tpu.vector_load %arg6[%get3A_1356, %get3A_1357, %get3A_1358] {strides = array<i32>} : memref<4x50x128xf32, #tpu.memory_space<vmem>>, vector<1x1x16xf32>,
      %get3A_1360 = vector.shape_cast %get3A_1359 : vector<1x1x16xf32> to vector<16xf32>
      %add3A_1361 = arith.addf %add3A_1354, %get3A_1360 : vector<16xf32>
      %get3A_1362 = arith.constant 32 : i32
      %get3A_1363 = arith.index_cast %rem3A_53 : i32 to index
      %get3A_1364 = arith.index_cast %get3A_1362 : i32 to index
      %get3A_1365 = arith.constant 48 : index
      %get3A_1366 = tpu.vector_load %arg6[%get3A_1363, %get3A_1364, %get3A_1365] {strides = array<i32>} : memref<4x50x128xf32, #tpu.memory_space<vmem>>, vector<1x1x16xf32>,
      %get3A_1367 = vector.shape_cast %get3A_1366 : vector<1x1x16xf32> to vector<16xf32>
      %add3A_1368 = arith.addf %add3A_1361, %get3A_1367 : vector<16xf32>
      %get3A_1369 = arith.constant 33 : i32
      %get3A_1370 = arith.index_cast %rem3A_53 : i32 to index
      %get3A_1371 = arith.index_cast %get3A_1369 : i32 to index
      %get3A_1372 = arith.constant 48 : index
      %get3A_1373 = tpu.vector_load %arg6[%get3A_1370, %get3A_1371, %get3A_1372] {strides = array<i32>} : memref<4x50x128xf32, #tpu.memory_space<vmem>>, vector<1x1x16xf32>,
      %get3A_1374 = vector.shape_cast %get3A_1373 : vector<1x1x16xf32> to vector<16xf32>
      %add3A_1375 = arith.addf %add3A_1368, %get3A_1374 : vector<16xf32>
      %get3A_1376 = arith.constant 34 : i32
      %get3A_1377 = arith.index_cast %rem3A_53 : i32 to index
      %get3A_1378 = arith.index_cast %get3A_1376 : i32 to index
      %get3A_1379 = arith.constant 48 : index
      %get3A_1380 = tpu.vector_load %arg6[%get3A_1377, %get3A_1378, %get3A_1379] {strides = array<i32>} : memref<4x50x128xf32, #tpu.memory_space<vmem>>, vector<1x1x16xf32>,
      %get3A_1381 = vector.shape_cast %get3A_1380 : vector<1x1x16xf32> to vector<16xf32>
      %add3A_1382 = arith.addf %add3A_1375, %get3A_1381 : vector<16xf32>
      %get3A_1383 = arith.constant 35 : i32
      %get3A_1384 = arith.index_cast %rem3A_53 : i32 to index
      %get3A_1385 = arith.index_cast %get3A_1383 : i32 to index
      %get3A_1386 = arith.constant 48 : index
      %get3A_1387 = tpu.vector_load %arg6[%get3A_1384, %get3A_1385, %get3A_1386] {strides = array<i32>} : memref<4x50x128xf32, #tpu.memory_space<vmem>>, vector<1x1x16xf32>,
      %get3A_1388 = vector.shape_cast %get3A_1387 : vector<1x1x16xf32> to vector<16xf32>
      %add3A_1389 = arith.addf %add3A_1382, %get3A_1388 : vector<16xf32>
      %get3A_1390 = arith.constant 36 : i32
      %get3A_1391 = arith.index_cast %rem3A_53 : i32 to index
      %get3A_1392 = arith.index_cast %get3A_1390 : i32 to index
      %get3A_1393 = arith.constant 48 : index
      %get3A_1394 = tpu.vector_load %arg6[%get3A_1391, %get3A_1392, %get3A_1393] {strides = array<i32>} : memref<4x50x128xf32, #tpu.memory_space<vmem>>, vector<1x1x16xf32>,
      %get3A_1395 = vector.shape_cast %get3A_1394 : vector<1x1x16xf32> to vector<16xf32>
      %add3A_1396 = arith.addf %add3A_1389, %get3A_1395 : vector<16xf32>
      %get3A_1397 = arith.constant 37 : i32
      %get3A_1398 = arith.index_cast %rem3A_53 : i32 to index
      %get3A_1399 = arith.index_cast %get3A_1397 : i32 to index
      %get3A_1400 = arith.constant 48 : index
      %get3A_1401 = tpu.vector_load %arg6[%get3A_1398, %get3A_1399, %get3A_1400] {strides = array<i32>} : memref<4x50x128xf32, #tpu.memory_space<vmem>>, vector<1x1x16xf32>,
      %get3A_1402 = vector.shape_cast %get3A_1401 : vector<1x1x16xf32> to vector<16xf32>
      %add3A_1403 = arith.addf %add3A_1396, %get3A_1402 : vector<16xf32>
      %get3A_1404 = arith.constant 38 : i32
      %get3A_1405 = arith.index_cast %rem3A_53 : i32 to index
      %get3A_1406 = arith.index_cast %get3A_1404 : i32 to index
      %get3A_1407 = arith.constant 48 : index
      %get3A_1408 = tpu.vector_load %arg6[%get3A_1405, %get3A_1406, %get3A_1407] {strides = array<i32>} : memref<4x50x128xf32, #tpu.memory_space<vmem>>, vector<1x1x16xf32>,
      %get3A_1409 = vector.shape_cast %get3A_1408 : vector<1x1x16xf32> to vector<16xf32>
      %add3A_1410 = arith.addf %add3A_1403, %get3A_1409 : vector<16xf32>
      %get3A_1411 = arith.constant 39 : i32
      %get3A_1412 = arith.index_cast %rem3A_53 : i32 to index
      %get3A_1413 = arith.index_cast %get3A_1411 : i32 to index
      %get3A_1414 = arith.constant 48 : index
      %get3A_1415 = tpu.vector_load %arg6[%get3A_1412, %get3A_1413, %get3A_1414] {strides = array<i32>} : memref<4x50x128xf32, #tpu.memory_space<vmem>>, vector<1x1x16xf32>,
      %get3A_1416 = vector.shape_cast %get3A_1415 : vector<1x1x16xf32> to vector<16xf32>
      %add3A_1417 = arith.addf %add3A_1410, %get3A_1416 : vector<16xf32>
      %get3A_1418 = arith.constant 40 : i32
      %get3A_1419 = arith.index_cast %rem3A_53 : i32 to index
      %get3A_1420 = arith.index_cast %get3A_1418 : i32 to index
      %get3A_1421 = arith.constant 48 : index
      %get3A_1422 = tpu.vector_load %arg6[%get3A_1419, %get3A_1420, %get3A_1421] {strides = array<i32>} : memref<4x50x128xf32, #tpu.memory_space<vmem>>, vector<1x1x16xf32>,
      %get3A_1423 = vector.shape_cast %get3A_1422 : vector<1x1x16xf32> to vector<16xf32>
      %add3A_1424 = arith.addf %add3A_1417, %get3A_1423 : vector<16xf32>
      %get3A_1425 = arith.constant 41 : i32
      %get3A_1426 = arith.index_cast %rem3A_53 : i32 to index
      %get3A_1427 = arith.index_cast %get3A_1425 : i32 to index
      %get3A_1428 = arith.constant 48 : index
      %get3A_1429 = tpu.vector_load %arg6[%get3A_1426, %get3A_1427, %get3A_1428] {strides = array<i32>} : memref<4x50x128xf32, #tpu.memory_space<vmem>>, vector<1x1x16xf32>,
      %get3A_1430 = vector.shape_cast %get3A_1429 : vector<1x1x16xf32> to vector<16xf32>
      %add3A_1431 = arith.addf %add3A_1424, %get3A_1430 : vector<16xf32>
      %get3A_1432 = arith.constant 42 : i32
      %get3A_1433 = arith.index_cast %rem3A_53 : i32 to index
      %get3A_1434 = arith.index_cast %get3A_1432 : i32 to index
      %get3A_1435 = arith.constant 48 : index
      %get3A_1436 = tpu.vector_load %arg6[%get3A_1433, %get3A_1434, %get3A_1435] {strides = array<i32>} : memref<4x50x128xf32, #tpu.memory_space<vmem>>, vector<1x1x16xf32>,
      %get3A_1437 = vector.shape_cast %get3A_1436 : vector<1x1x16xf32> to vector<16xf32>
      %add3A_1438 = arith.addf %add3A_1431, %get3A_1437 : vector<16xf32>
      %get3A_1439 = arith.constant 43 : i32
      %get3A_1440 = arith.index_cast %rem3A_53 : i32 to index
      %get3A_1441 = arith.index_cast %get3A_1439 : i32 to index
      %get3A_1442 = arith.constant 48 : index
      %get3A_1443 = tpu.vector_load %arg6[%get3A_1440, %get3A_1441, %get3A_1442] {strides = array<i32>} : memref<4x50x128xf32, #tpu.memory_space<vmem>>, vector<1x1x16xf32>,
      %get3A_1444 = vector.shape_cast %get3A_1443 : vector<1x1x16xf32> to vector<16xf32>
      %add3A_1445 = arith.addf %add3A_1438, %get3A_1444 : vector<16xf32>
      %get3A_1446 = arith.constant 44 : i32
      %get3A_1447 = arith.index_cast %rem3A_53 : i32 to index
      %get3A_1448 = arith.index_cast %get3A_1446 : i32 to index
      %get3A_1449 = arith.constant 48 : index
      %get3A_1450 = tpu.vector_load %arg6[%get3A_1447, %get3A_1448, %get3A_1449] {strides = array<i32>} : memref<4x50x128xf32, #tpu.memory_space<vmem>>, vector<1x1x16xf32>,
      %get3A_1451 = vector.shape_cast %get3A_1450 : vector<1x1x16xf32> to vector<16xf32>
      %add3A_1452 = arith.addf %add3A_1445, %get3A_1451 : vector<16xf32>
      %get3A_1453 = arith.constant 45 : i32
      %get3A_1454 = arith.index_cast %rem3A_53 : i32 to index
      %get3A_1455 = arith.index_cast %get3A_1453 : i32 to index
      %get3A_1456 = arith.constant 48 : index
      %get3A_1457 = tpu.vector_load %arg6[%get3A_1454, %get3A_1455, %get3A_1456] {strides = array<i32>} : memref<4x50x128xf32, #tpu.memory_space<vmem>>, vector<1x1x16xf32>,
      %get3A_1458 = vector.shape_cast %get3A_1457 : vector<1x1x16xf32> to vector<16xf32>
      %add3A_1459 = arith.addf %add3A_1452, %get3A_1458 : vector<16xf32>
      %get3A_1460 = arith.constant 46 : i32
      %get3A_1461 = arith.index_cast %rem3A_53 : i32 to index
      %get3A_1462 = arith.index_cast %get3A_1460 : i32 to index
      %get3A_1463 = arith.constant 48 : index
      %get3A_1464 = tpu.vector_load %arg6[%get3A_1461, %get3A_1462, %get3A_1463] {strides = array<i32>} : memref<4x50x128xf32, #tpu.memory_space<vmem>>, vector<1x1x16xf32>,
      %get3A_1465 = vector.shape_cast %get3A_1464 : vector<1x1x16xf32> to vector<16xf32>
      %add3A_1466 = arith.addf %add3A_1459, %get3A_1465 : vector<16xf32>
      %get3A_1467 = arith.constant 47 : i32
      %get3A_1468 = arith.index_cast %rem3A_53 : i32 to index
      %get3A_1469 = arith.index_cast %get3A_1467 : i32 to index
      %get3A_1470 = arith.constant 48 : index
      %get3A_1471 = tpu.vector_load %arg6[%get3A_1468, %get3A_1469, %get3A_1470] {strides = array<i32>} : memref<4x50x128xf32, #tpu.memory_space<vmem>>, vector<1x1x16xf32>,
      %get3A_1472 = vector.shape_cast %get3A_1471 : vector<1x1x16xf32> to vector<16xf32>
      %add3A_1473 = arith.addf %add3A_1466, %get3A_1472 : vector<16xf32>
      %get3A_1474 = arith.constant 48 : i32
      %get3A_1475 = arith.index_cast %rem3A_53 : i32 to index
      %get3A_1476 = arith.index_cast %get3A_1474 : i32 to index
      %get3A_1477 = arith.constant 48 : index
      %get3A_1478 = tpu.vector_load %arg6[%get3A_1475, %get3A_1476, %get3A_1477] {strides = array<i32>} : memref<4x50x128xf32, #tpu.memory_space<vmem>>, vector<1x1x16xf32>,
      %get3A_1479 = vector.shape_cast %get3A_1478 : vector<1x1x16xf32> to vector<16xf32>
      %add3A_1480 = arith.addf %add3A_1473, %get3A_1479 : vector<16xf32>
      %get3A_1481 = arith.constant 49 : i32
      %get3A_1482 = arith.index_cast %rem3A_53 : i32 to index
      %get3A_1483 = arith.index_cast %get3A_1481 : i32 to index
      %get3A_1484 = arith.constant 48 : index
      %get3A_1485 = tpu.vector_load %arg6[%get3A_1482, %get3A_1483, %get3A_1484] {strides = array<i32>} : memref<4x50x128xf32, #tpu.memory_space<vmem>>, vector<1x1x16xf32>,
      %get3A_1486 = vector.shape_cast %get3A_1485 : vector<1x1x16xf32> to vector<16xf32>
      %add3A_1487 = arith.addf %add3A_1480, %get3A_1486 : vector<16xf32>
      %mul3A_1488 = arith.constant 2.000000e-02 : f32
      %mul3A_1489 = vector.broadcast %mul3A_1488 : f32 to vector<16xf32>
      %mul3A_1490 = arith.mulf %add3A_1487, %mul3A_1489 : vector<16xf32>
      %swap3A_1491 = arith.index_cast %scan3A_52 : i32 to index
      %swap3A_1492 = arith.constant 48 : index
      %swap3A_1493 = tpu.vector_load %arg7[%swap3A_1491, %swap3A_1492] {strides = array<i32>} : memref<32x128xf32, #tpu.memory_space<vmem>>, vector<1x16xf32>,
      %swap3A_1494 = vector.shape_cast %swap3A_1493 : vector<1x16xf32> to vector<16xf32>
      %swap3A_1495 = vector.shape_cast %mul3A_1490 : vector<16xf32> to vector<1x16xf32>
      tpu.vector_store %arg7[%swap3A_1491, %swap3A_1492], %swap3A_1495 {strides = array<i32>} : memref<32x128xf32, #tpu.memory_space<vmem>>, vector<1x16xf32>,
      %get3A_1496 = arith.constant 0 : i32
      %get3A_1497 = arith.index_cast %rem3A_53 : i32 to index
      %get3A_1498 = arith.index_cast %get3A_1496 : i32 to index
      %get3A_1499 = arith.constant 64 : index
      %get3A_1500 = tpu.vector_load %arg6[%get3A_1497, %get3A_1498, %get3A_1499] {strides = array<i32>} : memref<4x50x128xf32, #tpu.memory_space<vmem>>, vector<1x1x16xf32>,
      %get3A_1501 = vector.shape_cast %get3A_1500 : vector<1x1x16xf32> to vector<16xf32>
      %get3A_1502 = arith.constant 1 : i32
      %get3A_1503 = arith.index_cast %rem3A_53 : i32 to index
      %get3A_1504 = arith.index_cast %get3A_1502 : i32 to index
      %get3A_1505 = arith.constant 64 : index
      %get3A_1506 = tpu.vector_load %arg6[%get3A_1503, %get3A_1504, %get3A_1505] {strides = array<i32>} : memref<4x50x128xf32, #tpu.memory_space<vmem>>, vector<1x1x16xf32>,
      %get3A_1507 = vector.shape_cast %get3A_1506 : vector<1x1x16xf32> to vector<16xf32>
      %add3A_1508 = arith.addf %get3A_1501, %get3A_1507 : vector<16xf32>
      %get3A_1509 = arith.constant 2 : i32
      %get3A_1510 = arith.index_cast %rem3A_53 : i32 to index
      %get3A_1511 = arith.index_cast %get3A_1509 : i32 to index
      %get3A_1512 = arith.constant 64 : index
      %get3A_1513 = tpu.vector_load %arg6[%get3A_1510, %get3A_1511, %get3A_1512] {strides = array<i32>} : memref<4x50x128xf32, #tpu.memory_space<vmem>>, vector<1x1x16xf32>,
      %get3A_1514 = vector.shape_cast %get3A_1513 : vector<1x1x16xf32> to vector<16xf32>
      %add3A_1515 = arith.addf %add3A_1508, %get3A_1514 : vector<16xf32>
      %get3A_1516 = arith.constant 3 : i32
      %get3A_1517 = arith.index_cast %rem3A_53 : i32 to index
      %get3A_1518 = arith.index_cast %get3A_1516 : i32 to index
      %get3A_1519 = arith.constant 64 : index
      %get3A_1520 = tpu.vector_load %arg6[%get3A_1517, %get3A_1518, %get3A_1519] {strides = array<i32>} : memref<4x50x128xf32, #tpu.memory_space<vmem>>, vector<1x1x16xf32>,
      %get3A_1521 = vector.shape_cast %get3A_1520 : vector<1x1x16xf32> to vector<16xf32>
      %add3A_1522 = arith.addf %add3A_1515, %get3A_1521 : vector<16xf32>
      %get3A_1523 = arith.constant 4 : i32
      %get3A_1524 = arith.index_cast %rem3A_53 : i32 to index
      %get3A_1525 = arith.index_cast %get3A_1523 : i32 to index
      %get3A_1526 = arith.constant 64 : index
      %get3A_1527 = tpu.vector_load %arg6[%get3A_1524, %get3A_1525, %get3A_1526] {strides = array<i32>} : memref<4x50x128xf32, #tpu.memory_space<vmem>>, vector<1x1x16xf32>,
      %get3A_1528 = vector.shape_cast %get3A_1527 : vector<1x1x16xf32> to vector<16xf32>
      %add3A_1529 = arith.addf %add3A_1522, %get3A_1528 : vector<16xf32>
      %get3A_1530 = arith.constant 5 : i32
      %get3A_1531 = arith.index_cast %rem3A_53 : i32 to index
      %get3A_1532 = arith.index_cast %get3A_1530 : i32 to index
      %get3A_1533 = arith.constant 64 : index
      %get3A_1534 = tpu.vector_load %arg6[%get3A_1531, %get3A_1532, %get3A_1533] {strides = array<i32>} : memref<4x50x128xf32, #tpu.memory_space<vmem>>, vector<1x1x16xf32>,
      %get3A_1535 = vector.shape_cast %get3A_1534 : vector<1x1x16xf32> to vector<16xf32>
      %add3A_1536 = arith.addf %add3A_1529, %get3A_1535 : vector<16xf32>
      %get3A_1537 = arith.constant 6 : i32
      %get3A_1538 = arith.index_cast %rem3A_53 : i32 to index
      %get3A_1539 = arith.index_cast %get3A_1537 : i32 to index
      %get3A_1540 = arith.constant 64 : index
      %get3A_1541 = tpu.vector_load %arg6[%get3A_1538, %get3A_1539, %get3A_1540] {strides = array<i32>} : memref<4x50x128xf32, #tpu.memory_space<vmem>>, vector<1x1x16xf32>,
      %get3A_1542 = vector.shape_cast %get3A_1541 : vector<1x1x16xf32> to vector<16xf32>
      %add3A_1543 = arith.addf %add3A_1536, %get3A_1542 : vector<16xf32>
      %get3A_1544 = arith.constant 7 : i32
      %get3A_1545 = arith.index_cast %rem3A_53 : i32 to index
      %get3A_1546 = arith.index_cast %get3A_1544 : i32 to index
      %get3A_1547 = arith.constant 64 : index
      %get3A_1548 = tpu.vector_load %arg6[%get3A_1545, %get3A_1546, %get3A_1547] {strides = array<i32>} : memref<4x50x128xf32, #tpu.memory_space<vmem>>, vector<1x1x16xf32>,
      %get3A_1549 = vector.shape_cast %get3A_1548 : vector<1x1x16xf32> to vector<16xf32>
      %add3A_1550 = arith.addf %add3A_1543, %get3A_1549 : vector<16xf32>
      %get3A_1551 = arith.constant 8 : i32
      %get3A_1552 = arith.index_cast %rem3A_53 : i32 to index
      %get3A_1553 = arith.index_cast %get3A_1551 : i32 to index
      %get3A_1554 = arith.constant 64 : index
      %get3A_1555 = tpu.vector_load %arg6[%get3A_1552, %get3A_1553, %get3A_1554] {strides = array<i32>} : memref<4x50x128xf32, #tpu.memory_space<vmem>>, vector<1x1x16xf32>,
      %get3A_1556 = vector.shape_cast %get3A_1555 : vector<1x1x16xf32> to vector<16xf32>
      %add3A_1557 = arith.addf %add3A_1550, %get3A_1556 : vector<16xf32>
      %get3A_1558 = arith.constant 9 : i32
      %get3A_1559 = arith.index_cast %rem3A_53 : i32 to index
      %get3A_1560 = arith.index_cast %get3A_1558 : i32 to index
      %get3A_1561 = arith.constant 64 : index
      %get3A_1562 = tpu.vector_load %arg6[%get3A_1559, %get3A_1560, %get3A_1561] {strides = array<i32>} : memref<4x50x128xf32, #tpu.memory_space<vmem>>, vector<1x1x16xf32>,
      %get3A_1563 = vector.shape_cast %get3A_1562 : vector<1x1x16xf32> to vector<16xf32>
      %add3A_1564 = arith.addf %add3A_1557, %get3A_1563 : vector<16xf32>
      %get3A_1565 = arith.constant 10 : i32
      %get3A_1566 = arith.index_cast %rem3A_53 : i32 to index
      %get3A_1567 = arith.index_cast %get3A_1565 : i32 to index
      %get3A_1568 = arith.constant 64 : index
      %get3A_1569 = tpu.vector_load %arg6[%get3A_1566, %get3A_1567, %get3A_1568] {strides = array<i32>} : memref<4x50x128xf32, #tpu.memory_space<vmem>>, vector<1x1x16xf32>,
      %get3A_1570 = vector.shape_cast %get3A_1569 : vector<1x1x16xf32> to vector<16xf32>
      %add3A_1571 = arith.addf %add3A_1564, %get3A_1570 : vector<16xf32>
      %get3A_1572 = arith.constant 11 : i32
      %get3A_1573 = arith.index_cast %rem3A_53 : i32 to index
      %get3A_1574 = arith.index_cast %get3A_1572 : i32 to index
      %get3A_1575 = arith.constant 64 : index
      %get3A_1576 = tpu.vector_load %arg6[%get3A_1573, %get3A_1574, %get3A_1575] {strides = array<i32>} : memref<4x50x128xf32, #tpu.memory_space<vmem>>, vector<1x1x16xf32>,
      %get3A_1577 = vector.shape_cast %get3A_1576 : vector<1x1x16xf32> to vector<16xf32>
      %add3A_1578 = arith.addf %add3A_1571, %get3A_1577 : vector<16xf32>
      %get3A_1579 = arith.constant 12 : i32
      %get3A_1580 = arith.index_cast %rem3A_53 : i32 to index
      %get3A_1581 = arith.index_cast %get3A_1579 : i32 to index
      %get3A_1582 = arith.constant 64 : index
      %get3A_1583 = tpu.vector_load %arg6[%get3A_1580, %get3A_1581, %get3A_1582] {strides = array<i32>} : memref<4x50x128xf32, #tpu.memory_space<vmem>>, vector<1x1x16xf32>,
      %get3A_1584 = vector.shape_cast %get3A_1583 : vector<1x1x16xf32> to vector<16xf32>
      %add3A_1585 = arith.addf %add3A_1578, %get3A_1584 : vector<16xf32>
      %get3A_1586 = arith.constant 13 : i32
      %get3A_1587 = arith.index_cast %rem3A_53 : i32 to index
      %get3A_1588 = arith.index_cast %get3A_1586 : i32 to index
      %get3A_1589 = arith.constant 64 : index
      %get3A_1590 = tpu.vector_load %arg6[%get3A_1587, %get3A_1588, %get3A_1589] {strides = array<i32>} : memref<4x50x128xf32, #tpu.memory_space<vmem>>, vector<1x1x16xf32>,
      %get3A_1591 = vector.shape_cast %get3A_1590 : vector<1x1x16xf32> to vector<16xf32>
      %add3A_1592 = arith.addf %add3A_1585, %get3A_1591 : vector<16xf32>
      %get3A_1593 = arith.constant 14 : i32
      %get3A_1594 = arith.index_cast %rem3A_53 : i32 to index
      %get3A_1595 = arith.index_cast %get3A_1593 : i32 to index
      %get3A_1596 = arith.constant 64 : index
      %get3A_1597 = tpu.vector_load %arg6[%get3A_1594, %get3A_1595, %get3A_1596] {strides = array<i32>} : memref<4x50x128xf32, #tpu.memory_space<vmem>>, vector<1x1x16xf32>,
      %get3A_1598 = vector.shape_cast %get3A_1597 : vector<1x1x16xf32> to vector<16xf32>
      %add3A_1599 = arith.addf %add3A_1592, %get3A_1598 : vector<16xf32>
      %get3A_1600 = arith.constant 15 : i32
      %get3A_1601 = arith.index_cast %rem3A_53 : i32 to index
      %get3A_1602 = arith.index_cast %get3A_1600 : i32 to index
      %get3A_1603 = arith.constant 64 : index
      %get3A_1604 = tpu.vector_load %arg6[%get3A_1601, %get3A_1602, %get3A_1603] {strides = array<i32>} : memref<4x50x128xf32, #tpu.memory_space<vmem>>, vector<1x1x16xf32>,
      %get3A_1605 = vector.shape_cast %get3A_1604 : vector<1x1x16xf32> to vector<16xf32>
      %add3A_1606 = arith.addf %add3A_1599, %get3A_1605 : vector<16xf32>
      %get3A_1607 = arith.constant 16 : i32
      %get3A_1608 = arith.index_cast %rem3A_53 : i32 to index
      %get3A_1609 = arith.index_cast %get3A_1607 : i32 to index
      %get3A_1610 = arith.constant 64 : index
      %get3A_1611 = tpu.vector_load %arg6[%get3A_1608, %get3A_1609, %get3A_1610] {strides = array<i32>} : memref<4x50x128xf32, #tpu.memory_space<vmem>>, vector<1x1x16xf32>,
      %get3A_1612 = vector.shape_cast %get3A_1611 : vector<1x1x16xf32> to vector<16xf32>
      %add3A_1613 = arith.addf %add3A_1606, %get3A_1612 : vector<16xf32>
      %get3A_1614 = arith.constant 17 : i32
      %get3A_1615 = arith.index_cast %rem3A_53 : i32 to index
      %get3A_1616 = arith.index_cast %get3A_1614 : i32 to index
      %get3A_1617 = arith.constant 64 : index
      %get3A_1618 = tpu.vector_load %arg6[%get3A_1615, %get3A_1616, %get3A_1617] {strides = array<i32>} : memref<4x50x128xf32, #tpu.memory_space<vmem>>, vector<1x1x16xf32>,
      %get3A_1619 = vector.shape_cast %get3A_1618 : vector<1x1x16xf32> to vector<16xf32>
      %add3A_1620 = arith.addf %add3A_1613, %get3A_1619 : vector<16xf32>
      %get3A_1621 = arith.constant 18 : i32
      %get3A_1622 = arith.index_cast %rem3A_53 : i32 to index
      %get3A_1623 = arith.index_cast %get3A_1621 : i32 to index
      %get3A_1624 = arith.constant 64 : index
      %get3A_1625 = tpu.vector_load %arg6[%get3A_1622, %get3A_1623, %get3A_1624] {strides = array<i32>} : memref<4x50x128xf32, #tpu.memory_space<vmem>>, vector<1x1x16xf32>,
      %get3A_1626 = vector.shape_cast %get3A_1625 : vector<1x1x16xf32> to vector<16xf32>
      %add3A_1627 = arith.addf %add3A_1620, %get3A_1626 : vector<16xf32>
      %get3A_1628 = arith.constant 19 : i32
      %get3A_1629 = arith.index_cast %rem3A_53 : i32 to index
      %get3A_1630 = arith.index_cast %get3A_1628 : i32 to index
      %get3A_1631 = arith.constant 64 : index
      %get3A_1632 = tpu.vector_load %arg6[%get3A_1629, %get3A_1630, %get3A_1631] {strides = array<i32>} : memref<4x50x128xf32, #tpu.memory_space<vmem>>, vector<1x1x16xf32>,
      %get3A_1633 = vector.shape_cast %get3A_1632 : vector<1x1x16xf32> to vector<16xf32>
      %add3A_1634 = arith.addf %add3A_1627, %get3A_1633 : vector<16xf32>
      %get3A_1635 = arith.constant 20 : i32
      %get3A_1636 = arith.index_cast %rem3A_53 : i32 to index
      %get3A_1637 = arith.index_cast %get3A_1635 : i32 to index
      %get3A_1638 = arith.constant 64 : index
      %get3A_1639 = tpu.vector_load %arg6[%get3A_1636, %get3A_1637, %get3A_1638] {strides = array<i32>} : memref<4x50x128xf32, #tpu.memory_space<vmem>>, vector<1x1x16xf32>,
      %get3A_1640 = vector.shape_cast %get3A_1639 : vector<1x1x16xf32> to vector<16xf32>
      %add3A_1641 = arith.addf %add3A_1634, %get3A_1640 : vector<16xf32>
      %get3A_1642 = arith.constant 21 : i32
      %get3A_1643 = arith.index_cast %rem3A_53 : i32 to index
      %get3A_1644 = arith.index_cast %get3A_1642 : i32 to index
      %get3A_1645 = arith.constant 64 : index
      %get3A_1646 = tpu.vector_load %arg6[%get3A_1643, %get3A_1644, %get3A_1645] {strides = array<i32>} : memref<4x50x128xf32, #tpu.memory_space<vmem>>, vector<1x1x16xf32>,
      %get3A_1647 = vector.shape_cast %get3A_1646 : vector<1x1x16xf32> to vector<16xf32>
      %add3A_1648 = arith.addf %add3A_1641, %get3A_1647 : vector<16xf32>
      %get3A_1649 = arith.constant 22 : i32
      %get3A_1650 = arith.index_cast %rem3A_53 : i32 to index
      %get3A_1651 = arith.index_cast %get3A_1649 : i32 to index
      %get3A_1652 = arith.constant 64 : index
      %get3A_1653 = tpu.vector_load %arg6[%get3A_1650, %get3A_1651, %get3A_1652] {strides = array<i32>} : memref<4x50x128xf32, #tpu.memory_space<vmem>>, vector<1x1x16xf32>,
      %get3A_1654 = vector.shape_cast %get3A_1653 : vector<1x1x16xf32> to vector<16xf32>
      %add3A_1655 = arith.addf %add3A_1648, %get3A_1654 : vector<16xf32>
      %get3A_1656 = arith.constant 23 : i32
      %get3A_1657 = arith.index_cast %rem3A_53 : i32 to index
      %get3A_1658 = arith.index_cast %get3A_1656 : i32 to index
      %get3A_1659 = arith.constant 64 : index
      %get3A_1660 = tpu.vector_load %arg6[%get3A_1657, %get3A_1658, %get3A_1659] {strides = array<i32>} : memref<4x50x128xf32, #tpu.memory_space<vmem>>, vector<1x1x16xf32>,
      %get3A_1661 = vector.shape_cast %get3A_1660 : vector<1x1x16xf32> to vector<16xf32>
      %add3A_1662 = arith.addf %add3A_1655, %get3A_1661 : vector<16xf32>
      %get3A_1663 = arith.constant 24 : i32
      %get3A_1664 = arith.index_cast %rem3A_53 : i32 to index
      %get3A_1665 = arith.index_cast %get3A_1663 : i32 to index
      %get3A_1666 = arith.constant 64 : index
      %get3A_1667 = tpu.vector_load %arg6[%get3A_1664, %get3A_1665, %get3A_1666] {strides = array<i32>} : memref<4x50x128xf32, #tpu.memory_space<vmem>>, vector<1x1x16xf32>,
      %get3A_1668 = vector.shape_cast %get3A_1667 : vector<1x1x16xf32> to vector<16xf32>
      %add3A_1669 = arith.addf %add3A_1662, %get3A_1668 : vector<16xf32>
      %get3A_1670 = arith.constant 25 : i32
      %get3A_1671 = arith.index_cast %rem3A_53 : i32 to index
      %get3A_1672 = arith.index_cast %get3A_1670 : i32 to index
      %get3A_1673 = arith.constant 64 : index
      %get3A_1674 = tpu.vector_load %arg6[%get3A_1671, %get3A_1672, %get3A_1673] {strides = array<i32>} : memref<4x50x128xf32, #tpu.memory_space<vmem>>, vector<1x1x16xf32>,
      %get3A_1675 = vector.shape_cast %get3A_1674 : vector<1x1x16xf32> to vector<16xf32>
      %add3A_1676 = arith.addf %add3A_1669, %get3A_1675 : vector<16xf32>
      %get3A_1677 = arith.constant 26 : i32
      %get3A_1678 = arith.index_cast %rem3A_53 : i32 to index
      %get3A_1679 = arith.index_cast %get3A_1677 : i32 to index
      %get3A_1680 = arith.constant 64 : index
      %get3A_1681 = tpu.vector_load %arg6[%get3A_1678, %get3A_1679, %get3A_1680] {strides = array<i32>} : memref<4x50x128xf32, #tpu.memory_space<vmem>>, vector<1x1x16xf32>,
      %get3A_1682 = vector.shape_cast %get3A_1681 : vector<1x1x16xf32> to vector<16xf32>
      %add3A_1683 = arith.addf %add3A_1676, %get3A_1682 : vector<16xf32>
      %get3A_1684 = arith.constant 27 : i32
      %get3A_1685 = arith.index_cast %rem3A_53 : i32 to index
      %get3A_1686 = arith.index_cast %get3A_1684 : i32 to index
      %get3A_1687 = arith.constant 64 : index
      %get3A_1688 = tpu.vector_load %arg6[%get3A_1685, %get3A_1686, %get3A_1687] {strides = array<i32>} : memref<4x50x128xf32, #tpu.memory_space<vmem>>, vector<1x1x16xf32>,
      %get3A_1689 = vector.shape_cast %get3A_1688 : vector<1x1x16xf32> to vector<16xf32>
      %add3A_1690 = arith.addf %add3A_1683, %get3A_1689 : vector<16xf32>
      %get3A_1691 = arith.constant 28 : i32
      %get3A_1692 = arith.index_cast %rem3A_53 : i32 to index
      %get3A_1693 = arith.index_cast %get3A_1691 : i32 to index
      %get3A_1694 = arith.constant 64 : index
      %get3A_1695 = tpu.vector_load %arg6[%get3A_1692, %get3A_1693, %get3A_1694] {strides = array<i32>} : memref<4x50x128xf32, #tpu.memory_space<vmem>>, vector<1x1x16xf32>,
      %get3A_1696 = vector.shape_cast %get3A_1695 : vector<1x1x16xf32> to vector<16xf32>
      %add3A_1697 = arith.addf %add3A_1690, %get3A_1696 : vector<16xf32>
      %get3A_1698 = arith.constant 29 : i32
      %get3A_1699 = arith.index_cast %rem3A_53 : i32 to index
      %get3A_1700 = arith.index_cast %get3A_1698 : i32 to index
      %get3A_1701 = arith.constant 64 : index
      %get3A_1702 = tpu.vector_load %arg6[%get3A_1699, %get3A_1700, %get3A_1701] {strides = array<i32>} : memref<4x50x128xf32, #tpu.memory_space<vmem>>, vector<1x1x16xf32>,
      %get3A_1703 = vector.shape_cast %get3A_1702 : vector<1x1x16xf32> to vector<16xf32>
      %add3A_1704 = arith.addf %add3A_1697, %get3A_1703 : vector<16xf32>
      %get3A_1705 = arith.constant 30 : i32
      %get3A_1706 = arith.index_cast %rem3A_53 : i32 to index
      %get3A_1707 = arith.index_cast %get3A_1705 : i32 to index
      %get3A_1708 = arith.constant 64 : index
      %get3A_1709 = tpu.vector_load %arg6[%get3A_1706, %get3A_1707, %get3A_1708] {strides = array<i32>} : memref<4x50x128xf32, #tpu.memory_space<vmem>>, vector<1x1x16xf32>,
      %get3A_1710 = vector.shape_cast %get3A_1709 : vector<1x1x16xf32> to vector<16xf32>
      %add3A_1711 = arith.addf %add3A_1704, %get3A_1710 : vector<16xf32>
      %get3A_1712 = arith.constant 31 : i32
      %get3A_1713 = arith.index_cast %rem3A_53 : i32 to index
      %get3A_1714 = arith.index_cast %get3A_1712 : i32 to index
      %get3A_1715 = arith.constant 64 : index
      %get3A_1716 = tpu.vector_load %arg6[%get3A_1713, %get3A_1714, %get3A_1715] {strides = array<i32>} : memref<4x50x128xf32, #tpu.memory_space<vmem>>, vector<1x1x16xf32>,
      %get3A_1717 = vector.shape_cast %get3A_1716 : vector<1x1x16xf32> to vector<16xf32>
      %add3A_1718 = arith.addf %add3A_1711, %get3A_1717 : vector<16xf32>
      %get3A_1719 = arith.constant 32 : i32
      %get3A_1720 = arith.index_cast %rem3A_53 : i32 to index
      %get3A_1721 = arith.index_cast %get3A_1719 : i32 to index
      %get3A_1722 = arith.constant 64 : index
      %get3A_1723 = tpu.vector_load %arg6[%get3A_1720, %get3A_1721, %get3A_1722] {strides = array<i32>} : memref<4x50x128xf32, #tpu.memory_space<vmem>>, vector<1x1x16xf32>,
      %get3A_1724 = vector.shape_cast %get3A_1723 : vector<1x1x16xf32> to vector<16xf32>
      %add3A_1725 = arith.addf %add3A_1718, %get3A_1724 : vector<16xf32>
      %get3A_1726 = arith.constant 33 : i32
      %get3A_1727 = arith.index_cast %rem3A_53 : i32 to index
      %get3A_1728 = arith.index_cast %get3A_1726 : i32 to index
      %get3A_1729 = arith.constant 64 : index
      %get3A_1730 = tpu.vector_load %arg6[%get3A_1727, %get3A_1728, %get3A_1729] {strides = array<i32>} : memref<4x50x128xf32, #tpu.memory_space<vmem>>, vector<1x1x16xf32>,
      %get3A_1731 = vector.shape_cast %get3A_1730 : vector<1x1x16xf32> to vector<16xf32>
      %add3A_1732 = arith.addf %add3A_1725, %get3A_1731 : vector<16xf32>
      %get3A_1733 = arith.constant 34 : i32
      %get3A_1734 = arith.index_cast %rem3A_53 : i32 to index
      %get3A_1735 = arith.index_cast %get3A_1733 : i32 to index
      %get3A_1736 = arith.constant 64 : index
      %get3A_1737 = tpu.vector_load %arg6[%get3A_1734, %get3A_1735, %get3A_1736] {strides = array<i32>} : memref<4x50x128xf32, #tpu.memory_space<vmem>>, vector<1x1x16xf32>,
      %get3A_1738 = vector.shape_cast %get3A_1737 : vector<1x1x16xf32> to vector<16xf32>
      %add3A_1739 = arith.addf %add3A_1732, %get3A_1738 : vector<16xf32>
      %get3A_1740 = arith.constant 35 : i32
      %get3A_1741 = arith.index_cast %rem3A_53 : i32 to index
      %get3A_1742 = arith.index_cast %get3A_1740 : i32 to index
      %get3A_1743 = arith.constant 64 : index
      %get3A_1744 = tpu.vector_load %arg6[%get3A_1741, %get3A_1742, %get3A_1743] {strides = array<i32>} : memref<4x50x128xf32, #tpu.memory_space<vmem>>, vector<1x1x16xf32>,
      %get3A_1745 = vector.shape_cast %get3A_1744 : vector<1x1x16xf32> to vector<16xf32>
      %add3A_1746 = arith.addf %add3A_1739, %get3A_1745 : vector<16xf32>
      %get3A_1747 = arith.constant 36 : i32
      %get3A_1748 = arith.index_cast %rem3A_53 : i32 to index
      %get3A_1749 = arith.index_cast %get3A_1747 : i32 to index
      %get3A_1750 = arith.constant 64 : index
      %get3A_1751 = tpu.vector_load %arg6[%get3A_1748, %get3A_1749, %get3A_1750] {strides = array<i32>} : memref<4x50x128xf32, #tpu.memory_space<vmem>>, vector<1x1x16xf32>,
      %get3A_1752 = vector.shape_cast %get3A_1751 : vector<1x1x16xf32> to vector<16xf32>
      %add3A_1753 = arith.addf %add3A_1746, %get3A_1752 : vector<16xf32>
      %get3A_1754 = arith.constant 37 : i32
      %get3A_1755 = arith.index_cast %rem3A_53 : i32 to index
      %get3A_1756 = arith.index_cast %get3A_1754 : i32 to index
      %get3A_1757 = arith.constant 64 : index
      %get3A_1758 = tpu.vector_load %arg6[%get3A_1755, %get3A_1756, %get3A_1757] {strides = array<i32>} : memref<4x50x128xf32, #tpu.memory_space<vmem>>, vector<1x1x16xf32>,
      %get3A_1759 = vector.shape_cast %get3A_1758 : vector<1x1x16xf32> to vector<16xf32>
      %add3A_1760 = arith.addf %add3A_1753, %get3A_1759 : vector<16xf32>
      %get3A_1761 = arith.constant 38 : i32
      %get3A_1762 = arith.index_cast %rem3A_53 : i32 to index
      %get3A_1763 = arith.index_cast %get3A_1761 : i32 to index
      %get3A_1764 = arith.constant 64 : index
      %get3A_1765 = tpu.vector_load %arg6[%get3A_1762, %get3A_1763, %get3A_1764] {strides = array<i32>} : memref<4x50x128xf32, #tpu.memory_space<vmem>>, vector<1x1x16xf32>,
      %get3A_1766 = vector.shape_cast %get3A_1765 : vector<1x1x16xf32> to vector<16xf32>
      %add3A_1767 = arith.addf %add3A_1760, %get3A_1766 : vector<16xf32>
      %get3A_1768 = arith.constant 39 : i32
      %get3A_1769 = arith.index_cast %rem3A_53 : i32 to index
      %get3A_1770 = arith.index_cast %get3A_1768 : i32 to index
      %get3A_1771 = arith.constant 64 : index
      %get3A_1772 = tpu.vector_load %arg6[%get3A_1769, %get3A_1770, %get3A_1771] {strides = array<i32>} : memref<4x50x128xf32, #tpu.memory_space<vmem>>, vector<1x1x16xf32>,
      %get3A_1773 = vector.shape_cast %get3A_1772 : vector<1x1x16xf32> to vector<16xf32>
      %add3A_1774 = arith.addf %add3A_1767, %get3A_1773 : vector<16xf32>
      %get3A_1775 = arith.constant 40 : i32
      %get3A_1776 = arith.index_cast %rem3A_53 : i32 to index
      %get3A_1777 = arith.index_cast %get3A_1775 : i32 to index
      %get3A_1778 = arith.constant 64 : index
      %get3A_1779 = tpu.vector_load %arg6[%get3A_1776, %get3A_1777, %get3A_1778] {strides = array<i32>} : memref<4x50x128xf32, #tpu.memory_space<vmem>>, vector<1x1x16xf32>,
      %get3A_1780 = vector.shape_cast %get3A_1779 : vector<1x1x16xf32> to vector<16xf32>
      %add3A_1781 = arith.addf %add3A_1774, %get3A_1780 : vector<16xf32>
      %get3A_1782 = arith.constant 41 : i32
      %get3A_1783 = arith.index_cast %rem3A_53 : i32 to index
      %get3A_1784 = arith.index_cast %get3A_1782 : i32 to index
      %get3A_1785 = arith.constant 64 : index
      %get3A_1786 = tpu.vector_load %arg6[%get3A_1783, %get3A_1784, %get3A_1785] {strides = array<i32>} : memref<4x50x128xf32, #tpu.memory_space<vmem>>, vector<1x1x16xf32>,
      %get3A_1787 = vector.shape_cast %get3A_1786 : vector<1x1x16xf32> to vector<16xf32>
      %add3A_1788 = arith.addf %add3A_1781, %get3A_1787 : vector<16xf32>
      %get3A_1789 = arith.constant 42 : i32
      %get3A_1790 = arith.index_cast %rem3A_53 : i32 to index
      %get3A_1791 = arith.index_cast %get3A_1789 : i32 to index
      %get3A_1792 = arith.constant 64 : index
      %get3A_1793 = tpu.vector_load %arg6[%get3A_1790, %get3A_1791, %get3A_1792] {strides = array<i32>} : memref<4x50x128xf32, #tpu.memory_space<vmem>>, vector<1x1x16xf32>,
      %get3A_1794 = vector.shape_cast %get3A_1793 : vector<1x1x16xf32> to vector<16xf32>
      %add3A_1795 = arith.addf %add3A_1788, %get3A_1794 : vector<16xf32>
      %get3A_1796 = arith.constant 43 : i32
      %get3A_1797 = arith.index_cast %rem3A_53 : i32 to index
      %get3A_1798 = arith.index_cast %get3A_1796 : i32 to index
      %get3A_1799 = arith.constant 64 : index
      %get3A_1800 = tpu.vector_load %arg6[%get3A_1797, %get3A_1798, %get3A_1799] {strides = array<i32>} : memref<4x50x128xf32, #tpu.memory_space<vmem>>, vector<1x1x16xf32>,
      %get3A_1801 = vector.shape_cast %get3A_1800 : vector<1x1x16xf32> to vector<16xf32>
      %add3A_1802 = arith.addf %add3A_1795, %get3A_1801 : vector<16xf32>
      %get3A_1803 = arith.constant 44 : i32
      %get3A_1804 = arith.index_cast %rem3A_53 : i32 to index
      %get3A_1805 = arith.index_cast %get3A_1803 : i32 to index
      %get3A_1806 = arith.constant 64 : index
      %get3A_1807 = tpu.vector_load %arg6[%get3A_1804, %get3A_1805, %get3A_1806] {strides = array<i32>} : memref<4x50x128xf32, #tpu.memory_space<vmem>>, vector<1x1x16xf32>,
      %get3A_1808 = vector.shape_cast %get3A_1807 : vector<1x1x16xf32> to vector<16xf32>
      %add3A_1809 = arith.addf %add3A_1802, %get3A_1808 : vector<16xf32>
      %get3A_1810 = arith.constant 45 : i32
      %get3A_1811 = arith.index_cast %rem3A_53 : i32 to index
      %get3A_1812 = arith.index_cast %get3A_1810 : i32 to index
      %get3A_1813 = arith.constant 64 : index
      %get3A_1814 = tpu.vector_load %arg6[%get3A_1811, %get3A_1812, %get3A_1813] {strides = array<i32>} : memref<4x50x128xf32, #tpu.memory_space<vmem>>, vector<1x1x16xf32>,
      %get3A_1815 = vector.shape_cast %get3A_1814 : vector<1x1x16xf32> to vector<16xf32>
      %add3A_1816 = arith.addf %add3A_1809, %get3A_1815 : vector<16xf32>
      %get3A_1817 = arith.constant 46 : i32
      %get3A_1818 = arith.index_cast %rem3A_53 : i32 to index
      %get3A_1819 = arith.index_cast %get3A_1817 : i32 to index
      %get3A_1820 = arith.constant 64 : index
      %get3A_1821 = tpu.vector_load %arg6[%get3A_1818, %get3A_1819, %get3A_1820] {strides = array<i32>} : memref<4x50x128xf32, #tpu.memory_space<vmem>>, vector<1x1x16xf32>,
      %get3A_1822 = vector.shape_cast %get3A_1821 : vector<1x1x16xf32> to vector<16xf32>
      %add3A_1823 = arith.addf %add3A_1816, %get3A_1822 : vector<16xf32>
      %get3A_1824 = arith.constant 47 : i32
      %get3A_1825 = arith.index_cast %rem3A_53 : i32 to index
      %get3A_1826 = arith.index_cast %get3A_1824 : i32 to index
      %get3A_1827 = arith.constant 64 : index
      %get3A_1828 = tpu.vector_load %arg6[%get3A_1825, %get3A_1826, %get3A_1827] {strides = array<i32>} : memref<4x50x128xf32, #tpu.memory_space<vmem>>, vector<1x1x16xf32>,
      %get3A_1829 = vector.shape_cast %get3A_1828 : vector<1x1x16xf32> to vector<16xf32>
      %add3A_1830 = arith.addf %add3A_1823, %get3A_1829 : vector<16xf32>
      %get3A_1831 = arith.constant 48 : i32
      %get3A_1832 = arith.index_cast %rem3A_53 : i32 to index
      %get3A_1833 = arith.index_cast %get3A_1831 : i32 to index
      %get3A_1834 = arith.constant 64 : index
      %get3A_1835 = tpu.vector_load %arg6[%get3A_1832, %get3A_1833, %get3A_1834] {strides = array<i32>} : memref<4x50x128xf32, #tpu.memory_space<vmem>>, vector<1x1x16xf32>,
      %get3A_1836 = vector.shape_cast %get3A_1835 : vector<1x1x16xf32> to vector<16xf32>
      %add3A_1837 = arith.addf %add3A_1830, %get3A_1836 : vector<16xf32>
      %get3A_1838 = arith.constant 49 : i32
      %get3A_1839 = arith.index_cast %rem3A_53 : i32 to index
      %get3A_1840 = arith.index_cast %get3A_1838 : i32 to index
      %get3A_1841 = arith.constant 64 : index
      %get3A_1842 = tpu.vector_load %arg6[%get3A_1839, %get3A_1840, %get3A_1841] {strides = array<i32>} : memref<4x50x128xf32, #tpu.memory_space<vmem>>, vector<1x1x16xf32>,
      %get3A_1843 = vector.shape_cast %get3A_1842 : vector<1x1x16xf32> to vector<16xf32>
      %add3A_1844 = arith.addf %add3A_1837, %get3A_1843 : vector<16xf32>
      %mul3A_1845 = arith.constant 2.000000e-02 : f32
      %mul3A_1846 = vector.broadcast %mul3A_1845 : f32 to vector<16xf32>
      %mul3A_1847 = arith.mulf %add3A_1844, %mul3A_1846 : vector<16xf32>
      %swap3A_1848 = arith.index_cast %scan3A_52 : i32 to index
      %swap3A_1849 = arith.constant 64 : index
      %swap3A_1850 = tpu.vector_load %arg7[%swap3A_1848, %swap3A_1849] {strides = array<i32>} : memref<32x128xf32, #tpu.memory_space<vmem>>, vector<1x16xf32>,
      %swap3A_1851 = vector.shape_cast %swap3A_1850 : vector<1x16xf32> to vector<16xf32>
      %swap3A_1852 = vector.shape_cast %mul3A_1847 : vector<16xf32> to vector<1x16xf32>
      tpu.vector_store %arg7[%swap3A_1848, %swap3A_1849], %swap3A_1852 {strides = array<i32>} : memref<32x128xf32, #tpu.memory_space<vmem>>, vector<1x16xf32>,
      %get3A_1853 = arith.constant 0 : i32
      %get3A_1854 = arith.index_cast %rem3A_53 : i32 to index
      %get3A_1855 = arith.index_cast %get3A_1853 : i32 to index
      %get3A_1856 = arith.constant 80 : index
      %get3A_1857 = tpu.vector_load %arg6[%get3A_1854, %get3A_1855, %get3A_1856] {strides = array<i32>} : memref<4x50x128xf32, #tpu.memory_space<vmem>>, vector<1x1x16xf32>,
      %get3A_1858 = vector.shape_cast %get3A_1857 : vector<1x1x16xf32> to vector<16xf32>
      %get3A_1859 = arith.constant 1 : i32
      %get3A_1860 = arith.index_cast %rem3A_53 : i32 to index
      %get3A_1861 = arith.index_cast %get3A_1859 : i32 to index
      %get3A_1862 = arith.constant 80 : index
      %get3A_1863 = tpu.vector_load %arg6[%get3A_1860, %get3A_1861, %get3A_1862] {strides = array<i32>} : memref<4x50x128xf32, #tpu.memory_space<vmem>>, vector<1x1x16xf32>,
      %get3A_1864 = vector.shape_cast %get3A_1863 : vector<1x1x16xf32> to vector<16xf32>
      %add3A_1865 = arith.addf %get3A_1858, %get3A_1864 : vector<16xf32>
      %get3A_1866 = arith.constant 2 : i32
      %get3A_1867 = arith.index_cast %rem3A_53 : i32 to index
      %get3A_1868 = arith.index_cast %get3A_1866 : i32 to index
      %get3A_1869 = arith.constant 80 : index
      %get3A_1870 = tpu.vector_load %arg6[%get3A_1867, %get3A_1868, %get3A_1869] {strides = array<i32>} : memref<4x50x128xf32, #tpu.memory_space<vmem>>, vector<1x1x16xf32>,
      %get3A_1871 = vector.shape_cast %get3A_1870 : vector<1x1x16xf32> to vector<16xf32>
      %add3A_1872 = arith.addf %add3A_1865, %get3A_1871 : vector<16xf32>
      %get3A_1873 = arith.constant 3 : i32
      %get3A_1874 = arith.index_cast %rem3A_53 : i32 to index
      %get3A_1875 = arith.index_cast %get3A_1873 : i32 to index
      %get3A_1876 = arith.constant 80 : index
      %get3A_1877 = tpu.vector_load %arg6[%get3A_1874, %get3A_1875, %get3A_1876] {strides = array<i32>} : memref<4x50x128xf32, #tpu.memory_space<vmem>>, vector<1x1x16xf32>,
      %get3A_1878 = vector.shape_cast %get3A_1877 : vector<1x1x16xf32> to vector<16xf32>
      %add3A_1879 = arith.addf %add3A_1872, %get3A_1878 : vector<16xf32>
      %get3A_1880 = arith.constant 4 : i32
      %get3A_1881 = arith.index_cast %rem3A_53 : i32 to index
      %get3A_1882 = arith.index_cast %get3A_1880 : i32 to index
      %get3A_1883 = arith.constant 80 : index
      %get3A_1884 = tpu.vector_load %arg6[%get3A_1881, %get3A_1882, %get3A_1883] {strides = array<i32>} : memref<4x50x128xf32, #tpu.memory_space<vmem>>, vector<1x1x16xf32>,
      %get3A_1885 = vector.shape_cast %get3A_1884 : vector<1x1x16xf32> to vector<16xf32>
      %add3A_1886 = arith.addf %add3A_1879, %get3A_1885 : vector<16xf32>
      %get3A_1887 = arith.constant 5 : i32
      %get3A_1888 = arith.index_cast %rem3A_53 : i32 to index
      %get3A_1889 = arith.index_cast %get3A_1887 : i32 to index
      %get3A_1890 = arith.constant 80 : index
      %get3A_1891 = tpu.vector_load %arg6[%get3A_1888, %get3A_1889, %get3A_1890] {strides = array<i32>} : memref<4x50x128xf32, #tpu.memory_space<vmem>>, vector<1x1x16xf32>,
      %get3A_1892 = vector.shape_cast %get3A_1891 : vector<1x1x16xf32> to vector<16xf32>
      %add3A_1893 = arith.addf %add3A_1886, %get3A_1892 : vector<16xf32>
      %get3A_1894 = arith.constant 6 : i32
      %get3A_1895 = arith.index_cast %rem3A_53 : i32 to index
      %get3A_1896 = arith.index_cast %get3A_1894 : i32 to index
      %get3A_1897 = arith.constant 80 : index
      %get3A_1898 = tpu.vector_load %arg6[%get3A_1895, %get3A_1896, %get3A_1897] {strides = array<i32>} : memref<4x50x128xf32, #tpu.memory_space<vmem>>, vector<1x1x16xf32>,
      %get3A_1899 = vector.shape_cast %get3A_1898 : vector<1x1x16xf32> to vector<16xf32>
      %add3A_1900 = arith.addf %add3A_1893, %get3A_1899 : vector<16xf32>
      %get3A_1901 = arith.constant 7 : i32
      %get3A_1902 = arith.index_cast %rem3A_53 : i32 to index
      %get3A_1903 = arith.index_cast %get3A_1901 : i32 to index
      %get3A_1904 = arith.constant 80 : index
      %get3A_1905 = tpu.vector_load %arg6[%get3A_1902, %get3A_1903, %get3A_1904] {strides = array<i32>} : memref<4x50x128xf32, #tpu.memory_space<vmem>>, vector<1x1x16xf32>,
      %get3A_1906 = vector.shape_cast %get3A_1905 : vector<1x1x16xf32> to vector<16xf32>
      %add3A_1907 = arith.addf %add3A_1900, %get3A_1906 : vector<16xf32>
      %get3A_1908 = arith.constant 8 : i32
      %get3A_1909 = arith.index_cast %rem3A_53 : i32 to index
      %get3A_1910 = arith.index_cast %get3A_1908 : i32 to index
      %get3A_1911 = arith.constant 80 : index
      %get3A_1912 = tpu.vector_load %arg6[%get3A_1909, %get3A_1910, %get3A_1911] {strides = array<i32>} : memref<4x50x128xf32, #tpu.memory_space<vmem>>, vector<1x1x16xf32>,
      %get3A_1913 = vector.shape_cast %get3A_1912 : vector<1x1x16xf32> to vector<16xf32>
      %add3A_1914 = arith.addf %add3A_1907, %get3A_1913 : vector<16xf32>
      %get3A_1915 = arith.constant 9 : i32
      %get3A_1916 = arith.index_cast %rem3A_53 : i32 to index
      %get3A_1917 = arith.index_cast %get3A_1915 : i32 to index
      %get3A_1918 = arith.constant 80 : index
      %get3A_1919 = tpu.vector_load %arg6[%get3A_1916, %get3A_1917, %get3A_1918] {strides = array<i32>} : memref<4x50x128xf32, #tpu.memory_space<vmem>>, vector<1x1x16xf32>,
      %get3A_1920 = vector.shape_cast %get3A_1919 : vector<1x1x16xf32> to vector<16xf32>
      %add3A_1921 = arith.addf %add3A_1914, %get3A_1920 : vector<16xf32>
      %get3A_1922 = arith.constant 10 : i32
      %get3A_1923 = arith.index_cast %rem3A_53 : i32 to index
      %get3A_1924 = arith.index_cast %get3A_1922 : i32 to index
      %get3A_1925 = arith.constant 80 : index
      %get3A_1926 = tpu.vector_load %arg6[%get3A_1923, %get3A_1924, %get3A_1925] {strides = array<i32>} : memref<4x50x128xf32, #tpu.memory_space<vmem>>, vector<1x1x16xf32>,
      %get3A_1927 = vector.shape_cast %get3A_1926 : vector<1x1x16xf32> to vector<16xf32>
      %add3A_1928 = arith.addf %add3A_1921, %get3A_1927 : vector<16xf32>
      %get3A_1929 = arith.constant 11 : i32
      %get3A_1930 = arith.index_cast %rem3A_53 : i32 to index
      %get3A_1931 = arith.index_cast %get3A_1929 : i32 to index
      %get3A_1932 = arith.constant 80 : index
      %get3A_1933 = tpu.vector_load %arg6[%get3A_1930, %get3A_1931, %get3A_1932] {strides = array<i32>} : memref<4x50x128xf32, #tpu.memory_space<vmem>>, vector<1x1x16xf32>,
      %get3A_1934 = vector.shape_cast %get3A_1933 : vector<1x1x16xf32> to vector<16xf32>
      %add3A_1935 = arith.addf %add3A_1928, %get3A_1934 : vector<16xf32>
      %get3A_1936 = arith.constant 12 : i32
      %get3A_1937 = arith.index_cast %rem3A_53 : i32 to index
      %get3A_1938 = arith.index_cast %get3A_1936 : i32 to index
      %get3A_1939 = arith.constant 80 : index
      %get3A_1940 = tpu.vector_load %arg6[%get3A_1937, %get3A_1938, %get3A_1939] {strides = array<i32>} : memref<4x50x128xf32, #tpu.memory_space<vmem>>, vector<1x1x16xf32>,
      %get3A_1941 = vector.shape_cast %get3A_1940 : vector<1x1x16xf32> to vector<16xf32>
      %add3A_1942 = arith.addf %add3A_1935, %get3A_1941 : vector<16xf32>
      %get3A_1943 = arith.constant 13 : i32
      %get3A_1944 = arith.index_cast %rem3A_53 : i32 to index
      %get3A_1945 = arith.index_cast %get3A_1943 : i32 to index
      %get3A_1946 = arith.constant 80 : index
      %get3A_1947 = tpu.vector_load %arg6[%get3A_1944, %get3A_1945, %get3A_1946] {strides = array<i32>} : memref<4x50x128xf32, #tpu.memory_space<vmem>>, vector<1x1x16xf32>,
      %get3A_1948 = vector.shape_cast %get3A_1947 : vector<1x1x16xf32> to vector<16xf32>
      %add3A_1949 = arith.addf %add3A_1942, %get3A_1948 : vector<16xf32>
      %get3A_1950 = arith.constant 14 : i32
      %get3A_1951 = arith.index_cast %rem3A_53 : i32 to index
      %get3A_1952 = arith.index_cast %get3A_1950 : i32 to index
      %get3A_1953 = arith.constant 80 : index
      %get3A_1954 = tpu.vector_load %arg6[%get3A_1951, %get3A_1952, %get3A_1953] {strides = array<i32>} : memref<4x50x128xf32, #tpu.memory_space<vmem>>, vector<1x1x16xf32>,
      %get3A_1955 = vector.shape_cast %get3A_1954 : vector<1x1x16xf32> to vector<16xf32>
      %add3A_1956 = arith.addf %add3A_1949, %get3A_1955 : vector<16xf32>
      %get3A_1957 = arith.constant 15 : i32
      %get3A_1958 = arith.index_cast %rem3A_53 : i32 to index
      %get3A_1959 = arith.index_cast %get3A_1957 : i32 to index
      %get3A_1960 = arith.constant 80 : index
      %get3A_1961 = tpu.vector_load %arg6[%get3A_1958, %get3A_1959, %get3A_1960] {strides = array<i32>} : memref<4x50x128xf32, #tpu.memory_space<vmem>>, vector<1x1x16xf32>,
      %get3A_1962 = vector.shape_cast %get3A_1961 : vector<1x1x16xf32> to vector<16xf32>
      %add3A_1963 = arith.addf %add3A_1956, %get3A_1962 : vector<16xf32>
      %get3A_1964 = arith.constant 16 : i32
      %get3A_1965 = arith.index_cast %rem3A_53 : i32 to index
      %get3A_1966 = arith.index_cast %get3A_1964 : i32 to index
      %get3A_1967 = arith.constant 80 : index
      %get3A_1968 = tpu.vector_load %arg6[%get3A_1965, %get3A_1966, %get3A_1967] {strides = array<i32>} : memref<4x50x128xf32, #tpu.memory_space<vmem>>, vector<1x1x16xf32>,
      %get3A_1969 = vector.shape_cast %get3A_1968 : vector<1x1x16xf32> to vector<16xf32>
      %add3A_1970 = arith.addf %add3A_1963, %get3A_1969 : vector<16xf32>
      %get3A_1971 = arith.constant 17 : i32
      %get3A_1972 = arith.index_cast %rem3A_53 : i32 to index
      %get3A_1973 = arith.index_cast %get3A_1971 : i32 to index
      %get3A_1974 = arith.constant 80 : index
      %get3A_1975 = tpu.vector_load %arg6[%get3A_1972, %get3A_1973, %get3A_1974] {strides = array<i32>} : memref<4x50x128xf32, #tpu.memory_space<vmem>>, vector<1x1x16xf32>,
      %get3A_1976 = vector.shape_cast %get3A_1975 : vector<1x1x16xf32> to vector<16xf32>
      %add3A_1977 = arith.addf %add3A_1970, %get3A_1976 : vector<16xf32>
      %get3A_1978 = arith.constant 18 : i32
      %get3A_1979 = arith.index_cast %rem3A_53 : i32 to index
      %get3A_1980 = arith.index_cast %get3A_1978 : i32 to index
      %get3A_1981 = arith.constant 80 : index
      %get3A_1982 = tpu.vector_load %arg6[%get3A_1979, %get3A_1980, %get3A_1981] {strides = array<i32>} : memref<4x50x128xf32, #tpu.memory_space<vmem>>, vector<1x1x16xf32>,
      %get3A_1983 = vector.shape_cast %get3A_1982 : vector<1x1x16xf32> to vector<16xf32>
      %add3A_1984 = arith.addf %add3A_1977, %get3A_1983 : vector<16xf32>
      %get3A_1985 = arith.constant 19 : i32
      %get3A_1986 = arith.index_cast %rem3A_53 : i32 to index
      %get3A_1987 = arith.index_cast %get3A_1985 : i32 to index
      %get3A_1988 = arith.constant 80 : index
      %get3A_1989 = tpu.vector_load %arg6[%get3A_1986, %get3A_1987, %get3A_1988] {strides = array<i32>} : memref<4x50x128xf32, #tpu.memory_space<vmem>>, vector<1x1x16xf32>,
      %get3A_1990 = vector.shape_cast %get3A_1989 : vector<1x1x16xf32> to vector<16xf32>
      %add3A_1991 = arith.addf %add3A_1984, %get3A_1990 : vector<16xf32>
      %get3A_1992 = arith.constant 20 : i32
      %get3A_1993 = arith.index_cast %rem3A_53 : i32 to index
      %get3A_1994 = arith.index_cast %get3A_1992 : i32 to index
      %get3A_1995 = arith.constant 80 : index
      %get3A_1996 = tpu.vector_load %arg6[%get3A_1993, %get3A_1994, %get3A_1995] {strides = array<i32>} : memref<4x50x128xf32, #tpu.memory_space<vmem>>, vector<1x1x16xf32>,
      %get3A_1997 = vector.shape_cast %get3A_1996 : vector<1x1x16xf32> to vector<16xf32>
      %add3A_1998 = arith.addf %add3A_1991, %get3A_1997 : vector<16xf32>
      %get3A_1999 = arith.constant 21 : i32
      %get3A_2000 = arith.index_cast %rem3A_53 : i32 to index
      %get3A_2001 = arith.index_cast %get3A_1999 : i32 to index
      %get3A_2002 = arith.constant 80 : index
      %get3A_2003 = tpu.vector_load %arg6[%get3A_2000, %get3A_2001, %get3A_2002] {strides = array<i32>} : memref<4x50x128xf32, #tpu.memory_space<vmem>>, vector<1x1x16xf32>,
      %get3A_2004 = vector.shape_cast %get3A_2003 : vector<1x1x16xf32> to vector<16xf32>
      %add3A_2005 = arith.addf %add3A_1998, %get3A_2004 : vector<16xf32>
      %get3A_2006 = arith.constant 22 : i32
      %get3A_2007 = arith.index_cast %rem3A_53 : i32 to index
      %get3A_2008 = arith.index_cast %get3A_2006 : i32 to index
      %get3A_2009 = arith.constant 80 : index
      %get3A_2010 = tpu.vector_load %arg6[%get3A_2007, %get3A_2008, %get3A_2009] {strides = array<i32>} : memref<4x50x128xf32, #tpu.memory_space<vmem>>, vector<1x1x16xf32>,
      %get3A_2011 = vector.shape_cast %get3A_2010 : vector<1x1x16xf32> to vector<16xf32>
      %add3A_2012 = arith.addf %add3A_2005, %get3A_2011 : vector<16xf32>
      %get3A_2013 = arith.constant 23 : i32
      %get3A_2014 = arith.index_cast %rem3A_53 : i32 to index
      %get3A_2015 = arith.index_cast %get3A_2013 : i32 to index
      %get3A_2016 = arith.constant 80 : index
      %get3A_2017 = tpu.vector_load %arg6[%get3A_2014, %get3A_2015, %get3A_2016] {strides = array<i32>} : memref<4x50x128xf32, #tpu.memory_space<vmem>>, vector<1x1x16xf32>,
      %get3A_2018 = vector.shape_cast %get3A_2017 : vector<1x1x16xf32> to vector<16xf32>
      %add3A_2019 = arith.addf %add3A_2012, %get3A_2018 : vector<16xf32>
      %get3A_2020 = arith.constant 24 : i32
      %get3A_2021 = arith.index_cast %rem3A_53 : i32 to index
      %get3A_2022 = arith.index_cast %get3A_2020 : i32 to index
      %get3A_2023 = arith.constant 80 : index
      %get3A_2024 = tpu.vector_load %arg6[%get3A_2021, %get3A_2022, %get3A_2023] {strides = array<i32>} : memref<4x50x128xf32, #tpu.memory_space<vmem>>, vector<1x1x16xf32>,
      %get3A_2025 = vector.shape_cast %get3A_2024 : vector<1x1x16xf32> to vector<16xf32>
      %add3A_2026 = arith.addf %add3A_2019, %get3A_2025 : vector<16xf32>
      %get3A_2027 = arith.constant 25 : i32
      %get3A_2028 = arith.index_cast %rem3A_53 : i32 to index
      %get3A_2029 = arith.index_cast %get3A_2027 : i32 to index
      %get3A_2030 = arith.constant 80 : index
      %get3A_2031 = tpu.vector_load %arg6[%get3A_2028, %get3A_2029, %get3A_2030] {strides = array<i32>} : memref<4x50x128xf32, #tpu.memory_space<vmem>>, vector<1x1x16xf32>,
      %get3A_2032 = vector.shape_cast %get3A_2031 : vector<1x1x16xf32> to vector<16xf32>
      %add3A_2033 = arith.addf %add3A_2026, %get3A_2032 : vector<16xf32>
      %get3A_2034 = arith.constant 26 : i32
      %get3A_2035 = arith.index_cast %rem3A_53 : i32 to index
      %get3A_2036 = arith.index_cast %get3A_2034 : i32 to index
      %get3A_2037 = arith.constant 80 : index
      %get3A_2038 = tpu.vector_load %arg6[%get3A_2035, %get3A_2036, %get3A_2037] {strides = array<i32>} : memref<4x50x128xf32, #tpu.memory_space<vmem>>, vector<1x1x16xf32>,
      %get3A_2039 = vector.shape_cast %get3A_2038 : vector<1x1x16xf32> to vector<16xf32>
      %add3A_2040 = arith.addf %add3A_2033, %get3A_2039 : vector<16xf32>
      %get3A_2041 = arith.constant 27 : i32
      %get3A_2042 = arith.index_cast %rem3A_53 : i32 to index
      %get3A_2043 = arith.index_cast %get3A_2041 : i32 to index
      %get3A_2044 = arith.constant 80 : index
      %get3A_2045 = tpu.vector_load %arg6[%get3A_2042, %get3A_2043, %get3A_2044] {strides = array<i32>} : memref<4x50x128xf32, #tpu.memory_space<vmem>>, vector<1x1x16xf32>,
      %get3A_2046 = vector.shape_cast %get3A_2045 : vector<1x1x16xf32> to vector<16xf32>
      %add3A_2047 = arith.addf %add3A_2040, %get3A_2046 : vector<16xf32>
      %get3A_2048 = arith.constant 28 : i32
      %get3A_2049 = arith.index_cast %rem3A_53 : i32 to index
      %get3A_2050 = arith.index_cast %get3A_2048 : i32 to index
      %get3A_2051 = arith.constant 80 : index
      %get3A_2052 = tpu.vector_load %arg6[%get3A_2049, %get3A_2050, %get3A_2051] {strides = array<i32>} : memref<4x50x128xf32, #tpu.memory_space<vmem>>, vector<1x1x16xf32>,
      %get3A_2053 = vector.shape_cast %get3A_2052 : vector<1x1x16xf32> to vector<16xf32>
      %add3A_2054 = arith.addf %add3A_2047, %get3A_2053 : vector<16xf32>
      %get3A_2055 = arith.constant 29 : i32
      %get3A_2056 = arith.index_cast %rem3A_53 : i32 to index
      %get3A_2057 = arith.index_cast %get3A_2055 : i32 to index
      %get3A_2058 = arith.constant 80 : index
      %get3A_2059 = tpu.vector_load %arg6[%get3A_2056, %get3A_2057, %get3A_2058] {strides = array<i32>} : memref<4x50x128xf32, #tpu.memory_space<vmem>>, vector<1x1x16xf32>,
      %get3A_2060 = vector.shape_cast %get3A_2059 : vector<1x1x16xf32> to vector<16xf32>
      %add3A_2061 = arith.addf %add3A_2054, %get3A_2060 : vector<16xf32>
      %get3A_2062 = arith.constant 30 : i32
      %get3A_2063 = arith.index_cast %rem3A_53 : i32 to index
      %get3A_2064 = arith.index_cast %get3A_2062 : i32 to index
      %get3A_2065 = arith.constant 80 : index
      %get3A_2066 = tpu.vector_load %arg6[%get3A_2063, %get3A_2064, %get3A_2065] {strides = array<i32>} : memref<4x50x128xf32, #tpu.memory_space<vmem>>, vector<1x1x16xf32>,
      %get3A_2067 = vector.shape_cast %get3A_2066 : vector<1x1x16xf32> to vector<16xf32>
      %add3A_2068 = arith.addf %add3A_2061, %get3A_2067 : vector<16xf32>
      %get3A_2069 = arith.constant 31 : i32
      %get3A_2070 = arith.index_cast %rem3A_53 : i32 to index
      %get3A_2071 = arith.index_cast %get3A_2069 : i32 to index
      %get3A_2072 = arith.constant 80 : index
      %get3A_2073 = tpu.vector_load %arg6[%get3A_2070, %get3A_2071, %get3A_2072] {strides = array<i32>} : memref<4x50x128xf32, #tpu.memory_space<vmem>>, vector<1x1x16xf32>,
      %get3A_2074 = vector.shape_cast %get3A_2073 : vector<1x1x16xf32> to vector<16xf32>
      %add3A_2075 = arith.addf %add3A_2068, %get3A_2074 : vector<16xf32>
      %get3A_2076 = arith.constant 32 : i32
      %get3A_2077 = arith.index_cast %rem3A_53 : i32 to index
      %get3A_2078 = arith.index_cast %get3A_2076 : i32 to index
      %get3A_2079 = arith.constant 80 : index
      %get3A_2080 = tpu.vector_load %arg6[%get3A_2077, %get3A_2078, %get3A_2079] {strides = array<i32>} : memref<4x50x128xf32, #tpu.memory_space<vmem>>, vector<1x1x16xf32>,
      %get3A_2081 = vector.shape_cast %get3A_2080 : vector<1x1x16xf32> to vector<16xf32>
      %add3A_2082 = arith.addf %add3A_2075, %get3A_2081 : vector<16xf32>
      %get3A_2083 = arith.constant 33 : i32
      %get3A_2084 = arith.index_cast %rem3A_53 : i32 to index
      %get3A_2085 = arith.index_cast %get3A_2083 : i32 to index
      %get3A_2086 = arith.constant 80 : index
      %get3A_2087 = tpu.vector_load %arg6[%get3A_2084, %get3A_2085, %get3A_2086] {strides = array<i32>} : memref<4x50x128xf32, #tpu.memory_space<vmem>>, vector<1x1x16xf32>,
      %get3A_2088 = vector.shape_cast %get3A_2087 : vector<1x1x16xf32> to vector<16xf32>
      %add3A_2089 = arith.addf %add3A_2082, %get3A_2088 : vector<16xf32>
      %get3A_2090 = arith.constant 34 : i32
      %get3A_2091 = arith.index_cast %rem3A_53 : i32 to index
      %get3A_2092 = arith.index_cast %get3A_2090 : i32 to index
      %get3A_2093 = arith.constant 80 : index
      %get3A_2094 = tpu.vector_load %arg6[%get3A_2091, %get3A_2092, %get3A_2093] {strides = array<i32>} : memref<4x50x128xf32, #tpu.memory_space<vmem>>, vector<1x1x16xf32>,
      %get3A_2095 = vector.shape_cast %get3A_2094 : vector<1x1x16xf32> to vector<16xf32>
      %add3A_2096 = arith.addf %add3A_2089, %get3A_2095 : vector<16xf32>
      %get3A_2097 = arith.constant 35 : i32
      %get3A_2098 = arith.index_cast %rem3A_53 : i32 to index
      %get3A_2099 = arith.index_cast %get3A_2097 : i32 to index
      %get3A_2100 = arith.constant 80 : index
      %get3A_2101 = tpu.vector_load %arg6[%get3A_2098, %get3A_2099, %get3A_2100] {strides = array<i32>} : memref<4x50x128xf32, #tpu.memory_space<vmem>>, vector<1x1x16xf32>,
      %get3A_2102 = vector.shape_cast %get3A_2101 : vector<1x1x16xf32> to vector<16xf32>
      %add3A_2103 = arith.addf %add3A_2096, %get3A_2102 : vector<16xf32>
      %get3A_2104 = arith.constant 36 : i32
      %get3A_2105 = arith.index_cast %rem3A_53 : i32 to index
      %get3A_2106 = arith.index_cast %get3A_2104 : i32 to index
      %get3A_2107 = arith.constant 80 : index
      %get3A_2108 = tpu.vector_load %arg6[%get3A_2105, %get3A_2106, %get3A_2107] {strides = array<i32>} : memref<4x50x128xf32, #tpu.memory_space<vmem>>, vector<1x1x16xf32>,
      %get3A_2109 = vector.shape_cast %get3A_2108 : vector<1x1x16xf32> to vector<16xf32>
      %add3A_2110 = arith.addf %add3A_2103, %get3A_2109 : vector<16xf32>
      %get3A_2111 = arith.constant 37 : i32
      %get3A_2112 = arith.index_cast %rem3A_53 : i32 to index
      %get3A_2113 = arith.index_cast %get3A_2111 : i32 to index
      %get3A_2114 = arith.constant 80 : index
      %get3A_2115 = tpu.vector_load %arg6[%get3A_2112, %get3A_2113, %get3A_2114] {strides = array<i32>} : memref<4x50x128xf32, #tpu.memory_space<vmem>>, vector<1x1x16xf32>,
      %get3A_2116 = vector.shape_cast %get3A_2115 : vector<1x1x16xf32> to vector<16xf32>
      %add3A_2117 = arith.addf %add3A_2110, %get3A_2116 : vector<16xf32>
      %get3A_2118 = arith.constant 38 : i32
      %get3A_2119 = arith.index_cast %rem3A_53 : i32 to index
      %get3A_2120 = arith.index_cast %get3A_2118 : i32 to index
      %get3A_2121 = arith.constant 80 : index
      %get3A_2122 = tpu.vector_load %arg6[%get3A_2119, %get3A_2120, %get3A_2121] {strides = array<i32>} : memref<4x50x128xf32, #tpu.memory_space<vmem>>, vector<1x1x16xf32>,
      %get3A_2123 = vector.shape_cast %get3A_2122 : vector<1x1x16xf32> to vector<16xf32>
      %add3A_2124 = arith.addf %add3A_2117, %get3A_2123 : vector<16xf32>
      %get3A_2125 = arith.constant 39 : i32
      %get3A_2126 = arith.index_cast %rem3A_53 : i32 to index
      %get3A_2127 = arith.index_cast %get3A_2125 : i32 to index
      %get3A_2128 = arith.constant 80 : index
      %get3A_2129 = tpu.vector_load %arg6[%get3A_2126, %get3A_2127, %get3A_2128] {strides = array<i32>} : memref<4x50x128xf32, #tpu.memory_space<vmem>>, vector<1x1x16xf32>,
      %get3A_2130 = vector.shape_cast %get3A_2129 : vector<1x1x16xf32> to vector<16xf32>
      %add3A_2131 = arith.addf %add3A_2124, %get3A_2130 : vector<16xf32>
      %get3A_2132 = arith.constant 40 : i32
      %get3A_2133 = arith.index_cast %rem3A_53 : i32 to index
      %get3A_2134 = arith.index_cast %get3A_2132 : i32 to index
      %get3A_2135 = arith.constant 80 : index
      %get3A_2136 = tpu.vector_load %arg6[%get3A_2133, %get3A_2134, %get3A_2135] {strides = array<i32>} : memref<4x50x128xf32, #tpu.memory_space<vmem>>, vector<1x1x16xf32>,
      %get3A_2137 = vector.shape_cast %get3A_2136 : vector<1x1x16xf32> to vector<16xf32>
      %add3A_2138 = arith.addf %add3A_2131, %get3A_2137 : vector<16xf32>
      %get3A_2139 = arith.constant 41 : i32
      %get3A_2140 = arith.index_cast %rem3A_53 : i32 to index
      %get3A_2141 = arith.index_cast %get3A_2139 : i32 to index
      %get3A_2142 = arith.constant 80 : index
      %get3A_2143 = tpu.vector_load %arg6[%get3A_2140, %get3A_2141, %get3A_2142] {strides = array<i32>} : memref<4x50x128xf32, #tpu.memory_space<vmem>>, vector<1x1x16xf32>,
      %get3A_2144 = vector.shape_cast %get3A_2143 : vector<1x1x16xf32> to vector<16xf32>
      %add3A_2145 = arith.addf %add3A_2138, %get3A_2144 : vector<16xf32>
      %get3A_2146 = arith.constant 42 : i32
      %get3A_2147 = arith.index_cast %rem3A_53 : i32 to index
      %get3A_2148 = arith.index_cast %get3A_2146 : i32 to index
      %get3A_2149 = arith.constant 80 : index
      %get3A_2150 = tpu.vector_load %arg6[%get3A_2147, %get3A_2148, %get3A_2149] {strides = array<i32>} : memref<4x50x128xf32, #tpu.memory_space<vmem>>, vector<1x1x16xf32>,
      %get3A_2151 = vector.shape_cast %get3A_2150 : vector<1x1x16xf32> to vector<16xf32>
      %add3A_2152 = arith.addf %add3A_2145, %get3A_2151 : vector<16xf32>
      %get3A_2153 = arith.constant 43 : i32
      %get3A_2154 = arith.index_cast %rem3A_53 : i32 to index
      %get3A_2155 = arith.index_cast %get3A_2153 : i32 to index
      %get3A_2156 = arith.constant 80 : index
      %get3A_2157 = tpu.vector_load %arg6[%get3A_2154, %get3A_2155, %get3A_2156] {strides = array<i32>} : memref<4x50x128xf32, #tpu.memory_space<vmem>>, vector<1x1x16xf32>,
      %get3A_2158 = vector.shape_cast %get3A_2157 : vector<1x1x16xf32> to vector<16xf32>
      %add3A_2159 = arith.addf %add3A_2152, %get3A_2158 : vector<16xf32>
      %get3A_2160 = arith.constant 44 : i32
      %get3A_2161 = arith.index_cast %rem3A_53 : i32 to index
      %get3A_2162 = arith.index_cast %get3A_2160 : i32 to index
      %get3A_2163 = arith.constant 80 : index
      %get3A_2164 = tpu.vector_load %arg6[%get3A_2161, %get3A_2162, %get3A_2163] {strides = array<i32>} : memref<4x50x128xf32, #tpu.memory_space<vmem>>, vector<1x1x16xf32>,
      %get3A_2165 = vector.shape_cast %get3A_2164 : vector<1x1x16xf32> to vector<16xf32>
      %add3A_2166 = arith.addf %add3A_2159, %get3A_2165 : vector<16xf32>
      %get3A_2167 = arith.constant 45 : i32
      %get3A_2168 = arith.index_cast %rem3A_53 : i32 to index
      %get3A_2169 = arith.index_cast %get3A_2167 : i32 to index
      %get3A_2170 = arith.constant 80 : index
      %get3A_2171 = tpu.vector_load %arg6[%get3A_2168, %get3A_2169, %get3A_2170] {strides = array<i32>} : memref<4x50x128xf32, #tpu.memory_space<vmem>>, vector<1x1x16xf32>,
      %get3A_2172 = vector.shape_cast %get3A_2171 : vector<1x1x16xf32> to vector<16xf32>
      %add3A_2173 = arith.addf %add3A_2166, %get3A_2172 : vector<16xf32>
      %get3A_2174 = arith.constant 46 : i32
      %get3A_2175 = arith.index_cast %rem3A_53 : i32 to index
      %get3A_2176 = arith.index_cast %get3A_2174 : i32 to index
      %get3A_2177 = arith.constant 80 : index
      %get3A_2178 = tpu.vector_load %arg6[%get3A_2175, %get3A_2176, %get3A_2177] {strides = array<i32>} : memref<4x50x128xf32, #tpu.memory_space<vmem>>, vector<1x1x16xf32>,
      %get3A_2179 = vector.shape_cast %get3A_2178 : vector<1x1x16xf32> to vector<16xf32>
      %add3A_2180 = arith.addf %add3A_2173, %get3A_2179 : vector<16xf32>
      %get3A_2181 = arith.constant 47 : i32
      %get3A_2182 = arith.index_cast %rem3A_53 : i32 to index
      %get3A_2183 = arith.index_cast %get3A_2181 : i32 to index
      %get3A_2184 = arith.constant 80 : index
      %get3A_2185 = tpu.vector_load %arg6[%get3A_2182, %get3A_2183, %get3A_2184] {strides = array<i32>} : memref<4x50x128xf32, #tpu.memory_space<vmem>>, vector<1x1x16xf32>,
      %get3A_2186 = vector.shape_cast %get3A_2185 : vector<1x1x16xf32> to vector<16xf32>
      %add3A_2187 = arith.addf %add3A_2180, %get3A_2186 : vector<16xf32>
      %get3A_2188 = arith.constant 48 : i32
      %get3A_2189 = arith.index_cast %rem3A_53 : i32 to index
      %get3A_2190 = arith.index_cast %get3A_2188 : i32 to index
      %get3A_2191 = arith.constant 80 : index
      %get3A_2192 = tpu.vector_load %arg6[%get3A_2189, %get3A_2190, %get3A_2191] {strides = array<i32>} : memref<4x50x128xf32, #tpu.memory_space<vmem>>, vector<1x1x16xf32>,
      %get3A_2193 = vector.shape_cast %get3A_2192 : vector<1x1x16xf32> to vector<16xf32>
      %add3A_2194 = arith.addf %add3A_2187, %get3A_2193 : vector<16xf32>
      %get3A_2195 = arith.constant 49 : i32
      %get3A_2196 = arith.index_cast %rem3A_53 : i32 to index
      %get3A_2197 = arith.index_cast %get3A_2195 : i32 to index
      %get3A_2198 = arith.constant 80 : index
      %get3A_2199 = tpu.vector_load %arg6[%get3A_2196, %get3A_2197, %get3A_2198] {strides = array<i32>} : memref<4x50x128xf32, #tpu.memory_space<vmem>>, vector<1x1x16xf32>,
      %get3A_2200 = vector.shape_cast %get3A_2199 : vector<1x1x16xf32> to vector<16xf32>
      %add3A_2201 = arith.addf %add3A_2194, %get3A_2200 : vector<16xf32>
      %mul3A_2202 = arith.constant 2.000000e-02 : f32
      %mul3A_2203 = vector.broadcast %mul3A_2202 : f32 to vector<16xf32>
      %mul3A_2204 = arith.mulf %add3A_2201, %mul3A_2203 : vector<16xf32>
      %swap3A_2205 = arith.index_cast %scan3A_52 : i32 to index
      %swap3A_2206 = arith.constant 80 : index
      %swap3A_2207 = tpu.vector_load %arg7[%swap3A_2205, %swap3A_2206] {strides = array<i32>} : memref<32x128xf32, #tpu.memory_space<vmem>>, vector<1x16xf32>,
      %swap3A_2208 = vector.shape_cast %swap3A_2207 : vector<1x16xf32> to vector<16xf32>
      %swap3A_2209 = vector.shape_cast %mul3A_2204 : vector<16xf32> to vector<1x16xf32>
      tpu.vector_store %arg7[%swap3A_2205, %swap3A_2206], %swap3A_2209 {strides = array<i32>} : memref<32x128xf32, #tpu.memory_space<vmem>>, vector<1x16xf32>,
      %get3A_2210 = arith.constant 0 : i32
      %get3A_2211 = arith.index_cast %rem3A_53 : i32 to index
      %get3A_2212 = arith.index_cast %get3A_2210 : i32 to index
      %get3A_2213 = arith.constant 96 : index
      %get3A_2214 = tpu.vector_load %arg6[%get3A_2211, %get3A_2212, %get3A_2213] {strides = array<i32>} : memref<4x50x128xf32, #tpu.memory_space<vmem>>, vector<1x1x16xf32>,
      %get3A_2215 = vector.shape_cast %get3A_2214 : vector<1x1x16xf32> to vector<16xf32>
      %get3A_2216 = arith.constant 1 : i32
      %get3A_2217 = arith.index_cast %rem3A_53 : i32 to index
      %get3A_2218 = arith.index_cast %get3A_2216 : i32 to index
      %get3A_2219 = arith.constant 96 : index
      %get3A_2220 = tpu.vector_load %arg6[%get3A_2217, %get3A_2218, %get3A_2219] {strides = array<i32>} : memref<4x50x128xf32, #tpu.memory_space<vmem>>, vector<1x1x16xf32>,
      %get3A_2221 = vector.shape_cast %get3A_2220 : vector<1x1x16xf32> to vector<16xf32>
      %add3A_2222 = arith.addf %get3A_2215, %get3A_2221 : vector<16xf32>
      %get3A_2223 = arith.constant 2 : i32
      %get3A_2224 = arith.index_cast %rem3A_53 : i32 to index
      %get3A_2225 = arith.index_cast %get3A_2223 : i32 to index
      %get3A_2226 = arith.constant 96 : index
      %get3A_2227 = tpu.vector_load %arg6[%get3A_2224, %get3A_2225, %get3A_2226] {strides = array<i32>} : memref<4x50x128xf32, #tpu.memory_space<vmem>>, vector<1x1x16xf32>,
      %get3A_2228 = vector.shape_cast %get3A_2227 : vector<1x1x16xf32> to vector<16xf32>
      %add3A_2229 = arith.addf %add3A_2222, %get3A_2228 : vector<16xf32>
      %get3A_2230 = arith.constant 3 : i32
      %get3A_2231 = arith.index_cast %rem3A_53 : i32 to index
      %get3A_2232 = arith.index_cast %get3A_2230 : i32 to index
      %get3A_2233 = arith.constant 96 : index
      %get3A_2234 = tpu.vector_load %arg6[%get3A_2231, %get3A_2232, %get3A_2233] {strides = array<i32>} : memref<4x50x128xf32, #tpu.memory_space<vmem>>, vector<1x1x16xf32>,
      %get3A_2235 = vector.shape_cast %get3A_2234 : vector<1x1x16xf32> to vector<16xf32>
      %add3A_2236 = arith.addf %add3A_2229, %get3A_2235 : vector<16xf32>
      %get3A_2237 = arith.constant 4 : i32
      %get3A_2238 = arith.index_cast %rem3A_53 : i32 to index
      %get3A_2239 = arith.index_cast %get3A_2237 : i32 to index
      %get3A_2240 = arith.constant 96 : index
      %get3A_2241 = tpu.vector_load %arg6[%get3A_2238, %get3A_2239, %get3A_2240] {strides = array<i32>} : memref<4x50x128xf32, #tpu.memory_space<vmem>>, vector<1x1x16xf32>,
      %get3A_2242 = vector.shape_cast %get3A_2241 : vector<1x1x16xf32> to vector<16xf32>
      %add3A_2243 = arith.addf %add3A_2236, %get3A_2242 : vector<16xf32>
      %get3A_2244 = arith.constant 5 : i32
      %get3A_2245 = arith.index_cast %rem3A_53 : i32 to index
      %get3A_2246 = arith.index_cast %get3A_2244 : i32 to index
      %get3A_2247 = arith.constant 96 : index
      %get3A_2248 = tpu.vector_load %arg6[%get3A_2245, %get3A_2246, %get3A_2247] {strides = array<i32>} : memref<4x50x128xf32, #tpu.memory_space<vmem>>, vector<1x1x16xf32>,
      %get3A_2249 = vector.shape_cast %get3A_2248 : vector<1x1x16xf32> to vector<16xf32>
      %add3A_2250 = arith.addf %add3A_2243, %get3A_2249 : vector<16xf32>
      %get3A_2251 = arith.constant 6 : i32
      %get3A_2252 = arith.index_cast %rem3A_53 : i32 to index
      %get3A_2253 = arith.index_cast %get3A_2251 : i32 to index
      %get3A_2254 = arith.constant 96 : index
      %get3A_2255 = tpu.vector_load %arg6[%get3A_2252, %get3A_2253, %get3A_2254] {strides = array<i32>} : memref<4x50x128xf32, #tpu.memory_space<vmem>>, vector<1x1x16xf32>,
      %get3A_2256 = vector.shape_cast %get3A_2255 : vector<1x1x16xf32> to vector<16xf32>
      %add3A_2257 = arith.addf %add3A_2250, %get3A_2256 : vector<16xf32>
      %get3A_2258 = arith.constant 7 : i32
      %get3A_2259 = arith.index_cast %rem3A_53 : i32 to index
      %get3A_2260 = arith.index_cast %get3A_2258 : i32 to index
      %get3A_2261 = arith.constant 96 : index
      %get3A_2262 = tpu.vector_load %arg6[%get3A_2259, %get3A_2260, %get3A_2261] {strides = array<i32>} : memref<4x50x128xf32, #tpu.memory_space<vmem>>, vector<1x1x16xf32>,
      %get3A_2263 = vector.shape_cast %get3A_2262 : vector<1x1x16xf32> to vector<16xf32>
      %add3A_2264 = arith.addf %add3A_2257, %get3A_2263 : vector<16xf32>
      %get3A_2265 = arith.constant 8 : i32
      %get3A_2266 = arith.index_cast %rem3A_53 : i32 to index
      %get3A_2267 = arith.index_cast %get3A_2265 : i32 to index
      %get3A_2268 = arith.constant 96 : index
      %get3A_2269 = tpu.vector_load %arg6[%get3A_2266, %get3A_2267, %get3A_2268] {strides = array<i32>} : memref<4x50x128xf32, #tpu.memory_space<vmem>>, vector<1x1x16xf32>,
      %get3A_2270 = vector.shape_cast %get3A_2269 : vector<1x1x16xf32> to vector<16xf32>
      %add3A_2271 = arith.addf %add3A_2264, %get3A_2270 : vector<16xf32>
      %get3A_2272 = arith.constant 9 : i32
      %get3A_2273 = arith.index_cast %rem3A_53 : i32 to index
      %get3A_2274 = arith.index_cast %get3A_2272 : i32 to index
      %get3A_2275 = arith.constant 96 : index
      %get3A_2276 = tpu.vector_load %arg6[%get3A_2273, %get3A_2274, %get3A_2275] {strides = array<i32>} : memref<4x50x128xf32, #tpu.memory_space<vmem>>, vector<1x1x16xf32>,
      %get3A_2277 = vector.shape_cast %get3A_2276 : vector<1x1x16xf32> to vector<16xf32>
      %add3A_2278 = arith.addf %add3A_2271, %get3A_2277 : vector<16xf32>
      %get3A_2279 = arith.constant 10 : i32
      %get3A_2280 = arith.index_cast %rem3A_53 : i32 to index
      %get3A_2281 = arith.index_cast %get3A_2279 : i32 to index
      %get3A_2282 = arith.constant 96 : index
      %get3A_2283 = tpu.vector_load %arg6[%get3A_2280, %get3A_2281, %get3A_2282] {strides = array<i32>} : memref<4x50x128xf32, #tpu.memory_space<vmem>>, vector<1x1x16xf32>,
      %get3A_2284 = vector.shape_cast %get3A_2283 : vector<1x1x16xf32> to vector<16xf32>
      %add3A_2285 = arith.addf %add3A_2278, %get3A_2284 : vector<16xf32>
      %get3A_2286 = arith.constant 11 : i32
      %get3A_2287 = arith.index_cast %rem3A_53 : i32 to index
      %get3A_2288 = arith.index_cast %get3A_2286 : i32 to index
      %get3A_2289 = arith.constant 96 : index
      %get3A_2290 = tpu.vector_load %arg6[%get3A_2287, %get3A_2288, %get3A_2289] {strides = array<i32>} : memref<4x50x128xf32, #tpu.memory_space<vmem>>, vector<1x1x16xf32>,
      %get3A_2291 = vector.shape_cast %get3A_2290 : vector<1x1x16xf32> to vector<16xf32>
      %add3A_2292 = arith.addf %add3A_2285, %get3A_2291 : vector<16xf32>
      %get3A_2293 = arith.constant 12 : i32
      %get3A_2294 = arith.index_cast %rem3A_53 : i32 to index
      %get3A_2295 = arith.index_cast %get3A_2293 : i32 to index
      %get3A_2296 = arith.constant 96 : index
      %get3A_2297 = tpu.vector_load %arg6[%get3A_2294, %get3A_2295, %get3A_2296] {strides = array<i32>} : memref<4x50x128xf32, #tpu.memory_space<vmem>>, vector<1x1x16xf32>,
      %get3A_2298 = vector.shape_cast %get3A_2297 : vector<1x1x16xf32> to vector<16xf32>
      %add3A_2299 = arith.addf %add3A_2292, %get3A_2298 : vector<16xf32>
      %get3A_2300 = arith.constant 13 : i32
      %get3A_2301 = arith.index_cast %rem3A_53 : i32 to index
      %get3A_2302 = arith.index_cast %get3A_2300 : i32 to index
      %get3A_2303 = arith.constant 96 : index
      %get3A_2304 = tpu.vector_load %arg6[%get3A_2301, %get3A_2302, %get3A_2303] {strides = array<i32>} : memref<4x50x128xf32, #tpu.memory_space<vmem>>, vector<1x1x16xf32>,
      %get3A_2305 = vector.shape_cast %get3A_2304 : vector<1x1x16xf32> to vector<16xf32>
      %add3A_2306 = arith.addf %add3A_2299, %get3A_2305 : vector<16xf32>
      %get3A_2307 = arith.constant 14 : i32
      %get3A_2308 = arith.index_cast %rem3A_53 : i32 to index
      %get3A_2309 = arith.index_cast %get3A_2307 : i32 to index
      %get3A_2310 = arith.constant 96 : index
      %get3A_2311 = tpu.vector_load %arg6[%get3A_2308, %get3A_2309, %get3A_2310] {strides = array<i32>} : memref<4x50x128xf32, #tpu.memory_space<vmem>>, vector<1x1x16xf32>,
      %get3A_2312 = vector.shape_cast %get3A_2311 : vector<1x1x16xf32> to vector<16xf32>
      %add3A_2313 = arith.addf %add3A_2306, %get3A_2312 : vector<16xf32>
      %get3A_2314 = arith.constant 15 : i32
      %get3A_2315 = arith.index_cast %rem3A_53 : i32 to index
      %get3A_2316 = arith.index_cast %get3A_2314 : i32 to index
      %get3A_2317 = arith.constant 96 : index
      %get3A_2318 = tpu.vector_load %arg6[%get3A_2315, %get3A_2316, %get3A_2317] {strides = array<i32>} : memref<4x50x128xf32, #tpu.memory_space<vmem>>, vector<1x1x16xf32>,
      %get3A_2319 = vector.shape_cast %get3A_2318 : vector<1x1x16xf32> to vector<16xf32>
      %add3A_2320 = arith.addf %add3A_2313, %get3A_2319 : vector<16xf32>
      %get3A_2321 = arith.constant 16 : i32
      %get3A_2322 = arith.index_cast %rem3A_53 : i32 to index
      %get3A_2323 = arith.index_cast %get3A_2321 : i32 to index
      %get3A_2324 = arith.constant 96 : index
      %get3A_2325 = tpu.vector_load %arg6[%get3A_2322, %get3A_2323, %get3A_2324] {strides = array<i32>} : memref<4x50x128xf32, #tpu.memory_space<vmem>>, vector<1x1x16xf32>,
      %get3A_2326 = vector.shape_cast %get3A_2325 : vector<1x1x16xf32> to vector<16xf32>
      %add3A_2327 = arith.addf %add3A_2320, %get3A_2326 : vector<16xf32>
      %get3A_2328 = arith.constant 17 : i32
      %get3A_2329 = arith.index_cast %rem3A_53 : i32 to index
      %get3A_2330 = arith.index_cast %get3A_2328 : i32 to index
      %get3A_2331 = arith.constant 96 : index
      %get3A_2332 = tpu.vector_load %arg6[%get3A_2329, %get3A_2330, %get3A_2331] {strides = array<i32>} : memref<4x50x128xf32, #tpu.memory_space<vmem>>, vector<1x1x16xf32>,
      %get3A_2333 = vector.shape_cast %get3A_2332 : vector<1x1x16xf32> to vector<16xf32>
      %add3A_2334 = arith.addf %add3A_2327, %get3A_2333 : vector<16xf32>
      %get3A_2335 = arith.constant 18 : i32
      %get3A_2336 = arith.index_cast %rem3A_53 : i32 to index
      %get3A_2337 = arith.index_cast %get3A_2335 : i32 to index
      %get3A_2338 = arith.constant 96 : index
      %get3A_2339 = tpu.vector_load %arg6[%get3A_2336, %get3A_2337, %get3A_2338] {strides = array<i32>} : memref<4x50x128xf32, #tpu.memory_space<vmem>>, vector<1x1x16xf32>,
      %get3A_2340 = vector.shape_cast %get3A_2339 : vector<1x1x16xf32> to vector<16xf32>
      %add3A_2341 = arith.addf %add3A_2334, %get3A_2340 : vector<16xf32>
      %get3A_2342 = arith.constant 19 : i32
      %get3A_2343 = arith.index_cast %rem3A_53 : i32 to index
      %get3A_2344 = arith.index_cast %get3A_2342 : i32 to index
      %get3A_2345 = arith.constant 96 : index
      %get3A_2346 = tpu.vector_load %arg6[%get3A_2343, %get3A_2344, %get3A_2345] {strides = array<i32>} : memref<4x50x128xf32, #tpu.memory_space<vmem>>, vector<1x1x16xf32>,
      %get3A_2347 = vector.shape_cast %get3A_2346 : vector<1x1x16xf32> to vector<16xf32>
      %add3A_2348 = arith.addf %add3A_2341, %get3A_2347 : vector<16xf32>
      %get3A_2349 = arith.constant 20 : i32
      %get3A_2350 = arith.index_cast %rem3A_53 : i32 to index
      %get3A_2351 = arith.index_cast %get3A_2349 : i32 to index
      %get3A_2352 = arith.constant 96 : index
      %get3A_2353 = tpu.vector_load %arg6[%get3A_2350, %get3A_2351, %get3A_2352] {strides = array<i32>} : memref<4x50x128xf32, #tpu.memory_space<vmem>>, vector<1x1x16xf32>,
      %get3A_2354 = vector.shape_cast %get3A_2353 : vector<1x1x16xf32> to vector<16xf32>
      %add3A_2355 = arith.addf %add3A_2348, %get3A_2354 : vector<16xf32>
      %get3A_2356 = arith.constant 21 : i32
      %get3A_2357 = arith.index_cast %rem3A_53 : i32 to index
      %get3A_2358 = arith.index_cast %get3A_2356 : i32 to index
      %get3A_2359 = arith.constant 96 : index
      %get3A_2360 = tpu.vector_load %arg6[%get3A_2357, %get3A_2358, %get3A_2359] {strides = array<i32>} : memref<4x50x128xf32, #tpu.memory_space<vmem>>, vector<1x1x16xf32>,
      %get3A_2361 = vector.shape_cast %get3A_2360 : vector<1x1x16xf32> to vector<16xf32>
      %add3A_2362 = arith.addf %add3A_2355, %get3A_2361 : vector<16xf32>
      %get3A_2363 = arith.constant 22 : i32
      %get3A_2364 = arith.index_cast %rem3A_53 : i32 to index
      %get3A_2365 = arith.index_cast %get3A_2363 : i32 to index
      %get3A_2366 = arith.constant 96 : index
      %get3A_2367 = tpu.vector_load %arg6[%get3A_2364, %get3A_2365, %get3A_2366] {strides = array<i32>} : memref<4x50x128xf32, #tpu.memory_space<vmem>>, vector<1x1x16xf32>,
      %get3A_2368 = vector.shape_cast %get3A_2367 : vector<1x1x16xf32> to vector<16xf32>
      %add3A_2369 = arith.addf %add3A_2362, %get3A_2368 : vector<16xf32>
      %get3A_2370 = arith.constant 23 : i32
      %get3A_2371 = arith.index_cast %rem3A_53 : i32 to index
      %get3A_2372 = arith.index_cast %get3A_2370 : i32 to index
      %get3A_2373 = arith.constant 96 : index
      %get3A_2374 = tpu.vector_load %arg6[%get3A_2371, %get3A_2372, %get3A_2373] {strides = array<i32>} : memref<4x50x128xf32, #tpu.memory_space<vmem>>, vector<1x1x16xf32>,
      %get3A_2375 = vector.shape_cast %get3A_2374 : vector<1x1x16xf32> to vector<16xf32>
      %add3A_2376 = arith.addf %add3A_2369, %get3A_2375 : vector<16xf32>
      %get3A_2377 = arith.constant 24 : i32
      %get3A_2378 = arith.index_cast %rem3A_53 : i32 to index
      %get3A_2379 = arith.index_cast %get3A_2377 : i32 to index
      %get3A_2380 = arith.constant 96 : index
      %get3A_2381 = tpu.vector_load %arg6[%get3A_2378, %get3A_2379, %get3A_2380] {strides = array<i32>} : memref<4x50x128xf32, #tpu.memory_space<vmem>>, vector<1x1x16xf32>,
      %get3A_2382 = vector.shape_cast %get3A_2381 : vector<1x1x16xf32> to vector<16xf32>
      %add3A_2383 = arith.addf %add3A_2376, %get3A_2382 : vector<16xf32>
      %get3A_2384 = arith.constant 25 : i32
      %get3A_2385 = arith.index_cast %rem3A_53 : i32 to index
      %get3A_2386 = arith.index_cast %get3A_2384 : i32 to index
      %get3A_2387 = arith.constant 96 : index
      %get3A_2388 = tpu.vector_load %arg6[%get3A_2385, %get3A_2386, %get3A_2387] {strides = array<i32>} : memref<4x50x128xf32, #tpu.memory_space<vmem>>, vector<1x1x16xf32>,
      %get3A_2389 = vector.shape_cast %get3A_2388 : vector<1x1x16xf32> to vector<16xf32>
      %add3A_2390 = arith.addf %add3A_2383, %get3A_2389 : vector<16xf32>
      %get3A_2391 = arith.constant 26 : i32
      %get3A_2392 = arith.index_cast %rem3A_53 : i32 to index
      %get3A_2393 = arith.index_cast %get3A_2391 : i32 to index
      %get3A_2394 = arith.constant 96 : index
      %get3A_2395 = tpu.vector_load %arg6[%get3A_2392, %get3A_2393, %get3A_2394] {strides = array<i32>} : memref<4x50x128xf32, #tpu.memory_space<vmem>>, vector<1x1x16xf32>,
      %get3A_2396 = vector.shape_cast %get3A_2395 : vector<1x1x16xf32> to vector<16xf32>
      %add3A_2397 = arith.addf %add3A_2390, %get3A_2396 : vector<16xf32>
      %get3A_2398 = arith.constant 27 : i32
      %get3A_2399 = arith.index_cast %rem3A_53 : i32 to index
      %get3A_2400 = arith.index_cast %get3A_2398 : i32 to index
      %get3A_2401 = arith.constant 96 : index
      %get3A_2402 = tpu.vector_load %arg6[%get3A_2399, %get3A_2400, %get3A_2401] {strides = array<i32>} : memref<4x50x128xf32, #tpu.memory_space<vmem>>, vector<1x1x16xf32>,
      %get3A_2403 = vector.shape_cast %get3A_2402 : vector<1x1x16xf32> to vector<16xf32>
      %add3A_2404 = arith.addf %add3A_2397, %get3A_2403 : vector<16xf32>
      %get3A_2405 = arith.constant 28 : i32
      %get3A_2406 = arith.index_cast %rem3A_53 : i32 to index
      %get3A_2407 = arith.index_cast %get3A_2405 : i32 to index
      %get3A_2408 = arith.constant 96 : index
      %get3A_2409 = tpu.vector_load %arg6[%get3A_2406, %get3A_2407, %get3A_2408] {strides = array<i32>} : memref<4x50x128xf32, #tpu.memory_space<vmem>>, vector<1x1x16xf32>,
      %get3A_2410 = vector.shape_cast %get3A_2409 : vector<1x1x16xf32> to vector<16xf32>
      %add3A_2411 = arith.addf %add3A_2404, %get3A_2410 : vector<16xf32>
      %get3A_2412 = arith.constant 29 : i32
      %get3A_2413 = arith.index_cast %rem3A_53 : i32 to index
      %get3A_2414 = arith.index_cast %get3A_2412 : i32 to index
      %get3A_2415 = arith.constant 96 : index
      %get3A_2416 = tpu.vector_load %arg6[%get3A_2413, %get3A_2414, %get3A_2415] {strides = array<i32>} : memref<4x50x128xf32, #tpu.memory_space<vmem>>, vector<1x1x16xf32>,
      %get3A_2417 = vector.shape_cast %get3A_2416 : vector<1x1x16xf32> to vector<16xf32>
      %add3A_2418 = arith.addf %add3A_2411, %get3A_2417 : vector<16xf32>
      %get3A_2419 = arith.constant 30 : i32
      %get3A_2420 = arith.index_cast %rem3A_53 : i32 to index
      %get3A_2421 = arith.index_cast %get3A_2419 : i32 to index
      %get3A_2422 = arith.constant 96 : index
      %get3A_2423 = tpu.vector_load %arg6[%get3A_2420, %get3A_2421, %get3A_2422] {strides = array<i32>} : memref<4x50x128xf32, #tpu.memory_space<vmem>>, vector<1x1x16xf32>,
      %get3A_2424 = vector.shape_cast %get3A_2423 : vector<1x1x16xf32> to vector<16xf32>
      %add3A_2425 = arith.addf %add3A_2418, %get3A_2424 : vector<16xf32>
      %get3A_2426 = arith.constant 31 : i32
      %get3A_2427 = arith.index_cast %rem3A_53 : i32 to index
      %get3A_2428 = arith.index_cast %get3A_2426 : i32 to index
      %get3A_2429 = arith.constant 96 : index
      %get3A_2430 = tpu.vector_load %arg6[%get3A_2427, %get3A_2428, %get3A_2429] {strides = array<i32>} : memref<4x50x128xf32, #tpu.memory_space<vmem>>, vector<1x1x16xf32>,
      %get3A_2431 = vector.shape_cast %get3A_2430 : vector<1x1x16xf32> to vector<16xf32>
      %add3A_2432 = arith.addf %add3A_2425, %get3A_2431 : vector<16xf32>
      %get3A_2433 = arith.constant 32 : i32
      %get3A_2434 = arith.index_cast %rem3A_53 : i32 to index
      %get3A_2435 = arith.index_cast %get3A_2433 : i32 to index
      %get3A_2436 = arith.constant 96 : index
      %get3A_2437 = tpu.vector_load %arg6[%get3A_2434, %get3A_2435, %get3A_2436] {strides = array<i32>} : memref<4x50x128xf32, #tpu.memory_space<vmem>>, vector<1x1x16xf32>,
      %get3A_2438 = vector.shape_cast %get3A_2437 : vector<1x1x16xf32> to vector<16xf32>
      %add3A_2439 = arith.addf %add3A_2432, %get3A_2438 : vector<16xf32>
      %get3A_2440 = arith.constant 33 : i32
      %get3A_2441 = arith.index_cast %rem3A_53 : i32 to index
      %get3A_2442 = arith.index_cast %get3A_2440 : i32 to index
      %get3A_2443 = arith.constant 96 : index
      %get3A_2444 = tpu.vector_load %arg6[%get3A_2441, %get3A_2442, %get3A_2443] {strides = array<i32>} : memref<4x50x128xf32, #tpu.memory_space<vmem>>, vector<1x1x16xf32>,
      %get3A_2445 = vector.shape_cast %get3A_2444 : vector<1x1x16xf32> to vector<16xf32>
      %add3A_2446 = arith.addf %add3A_2439, %get3A_2445 : vector<16xf32>
      %get3A_2447 = arith.constant 34 : i32
      %get3A_2448 = arith.index_cast %rem3A_53 : i32 to index
      %get3A_2449 = arith.index_cast %get3A_2447 : i32 to index
      %get3A_2450 = arith.constant 96 : index
      %get3A_2451 = tpu.vector_load %arg6[%get3A_2448, %get3A_2449, %get3A_2450] {strides = array<i32>} : memref<4x50x128xf32, #tpu.memory_space<vmem>>, vector<1x1x16xf32>,
      %get3A_2452 = vector.shape_cast %get3A_2451 : vector<1x1x16xf32> to vector<16xf32>
      %add3A_2453 = arith.addf %add3A_2446, %get3A_2452 : vector<16xf32>
      %get3A_2454 = arith.constant 35 : i32
      %get3A_2455 = arith.index_cast %rem3A_53 : i32 to index
      %get3A_2456 = arith.index_cast %get3A_2454 : i32 to index
      %get3A_2457 = arith.constant 96 : index
      %get3A_2458 = tpu.vector_load %arg6[%get3A_2455, %get3A_2456, %get3A_2457] {strides = array<i32>} : memref<4x50x128xf32, #tpu.memory_space<vmem>>, vector<1x1x16xf32>,
      %get3A_2459 = vector.shape_cast %get3A_2458 : vector<1x1x16xf32> to vector<16xf32>
      %add3A_2460 = arith.addf %add3A_2453, %get3A_2459 : vector<16xf32>
      %get3A_2461 = arith.constant 36 : i32
      %get3A_2462 = arith.index_cast %rem3A_53 : i32 to index
      %get3A_2463 = arith.index_cast %get3A_2461 : i32 to index
      %get3A_2464 = arith.constant 96 : index
      %get3A_2465 = tpu.vector_load %arg6[%get3A_2462, %get3A_2463, %get3A_2464] {strides = array<i32>} : memref<4x50x128xf32, #tpu.memory_space<vmem>>, vector<1x1x16xf32>,
      %get3A_2466 = vector.shape_cast %get3A_2465 : vector<1x1x16xf32> to vector<16xf32>
      %add3A_2467 = arith.addf %add3A_2460, %get3A_2466 : vector<16xf32>
      %get3A_2468 = arith.constant 37 : i32
      %get3A_2469 = arith.index_cast %rem3A_53 : i32 to index
      %get3A_2470 = arith.index_cast %get3A_2468 : i32 to index
      %get3A_2471 = arith.constant 96 : index
      %get3A_2472 = tpu.vector_load %arg6[%get3A_2469, %get3A_2470, %get3A_2471] {strides = array<i32>} : memref<4x50x128xf32, #tpu.memory_space<vmem>>, vector<1x1x16xf32>,
      %get3A_2473 = vector.shape_cast %get3A_2472 : vector<1x1x16xf32> to vector<16xf32>
      %add3A_2474 = arith.addf %add3A_2467, %get3A_2473 : vector<16xf32>
      %get3A_2475 = arith.constant 38 : i32
      %get3A_2476 = arith.index_cast %rem3A_53 : i32 to index
      %get3A_2477 = arith.index_cast %get3A_2475 : i32 to index
      %get3A_2478 = arith.constant 96 : index
      %get3A_2479 = tpu.vector_load %arg6[%get3A_2476, %get3A_2477, %get3A_2478] {strides = array<i32>} : memref<4x50x128xf32, #tpu.memory_space<vmem>>, vector<1x1x16xf32>,
      %get3A_2480 = vector.shape_cast %get3A_2479 : vector<1x1x16xf32> to vector<16xf32>
      %add3A_2481 = arith.addf %add3A_2474, %get3A_2480 : vector<16xf32>
      %get3A_2482 = arith.constant 39 : i32
      %get3A_2483 = arith.index_cast %rem3A_53 : i32 to index
      %get3A_2484 = arith.index_cast %get3A_2482 : i32 to index
      %get3A_2485 = arith.constant 96 : index
      %get3A_2486 = tpu.vector_load %arg6[%get3A_2483, %get3A_2484, %get3A_2485] {strides = array<i32>} : memref<4x50x128xf32, #tpu.memory_space<vmem>>, vector<1x1x16xf32>,
      %get3A_2487 = vector.shape_cast %get3A_2486 : vector<1x1x16xf32> to vector<16xf32>
      %add3A_2488 = arith.addf %add3A_2481, %get3A_2487 : vector<16xf32>
      %get3A_2489 = arith.constant 40 : i32
      %get3A_2490 = arith.index_cast %rem3A_53 : i32 to index
      %get3A_2491 = arith.index_cast %get3A_2489 : i32 to index
      %get3A_2492 = arith.constant 96 : index
      %get3A_2493 = tpu.vector_load %arg6[%get3A_2490, %get3A_2491, %get3A_2492] {strides = array<i32>} : memref<4x50x128xf32, #tpu.memory_space<vmem>>, vector<1x1x16xf32>,
      %get3A_2494 = vector.shape_cast %get3A_2493 : vector<1x1x16xf32> to vector<16xf32>
      %add3A_2495 = arith.addf %add3A_2488, %get3A_2494 : vector<16xf32>
      %get3A_2496 = arith.constant 41 : i32
      %get3A_2497 = arith.index_cast %rem3A_53 : i32 to index
      %get3A_2498 = arith.index_cast %get3A_2496 : i32 to index
      %get3A_2499 = arith.constant 96 : index
      %get3A_2500 = tpu.vector_load %arg6[%get3A_2497, %get3A_2498, %get3A_2499] {strides = array<i32>} : memref<4x50x128xf32, #tpu.memory_space<vmem>>, vector<1x1x16xf32>,
      %get3A_2501 = vector.shape_cast %get3A_2500 : vector<1x1x16xf32> to vector<16xf32>
      %add3A_2502 = arith.addf %add3A_2495, %get3A_2501 : vector<16xf32>
      %get3A_2503 = arith.constant 42 : i32
      %get3A_2504 = arith.index_cast %rem3A_53 : i32 to index
      %get3A_2505 = arith.index_cast %get3A_2503 : i32 to index
      %get3A_2506 = arith.constant 96 : index
      %get3A_2507 = tpu.vector_load %arg6[%get3A_2504, %get3A_2505, %get3A_2506] {strides = array<i32>} : memref<4x50x128xf32, #tpu.memory_space<vmem>>, vector<1x1x16xf32>,
      %get3A_2508 = vector.shape_cast %get3A_2507 : vector<1x1x16xf32> to vector<16xf32>
      %add3A_2509 = arith.addf %add3A_2502, %get3A_2508 : vector<16xf32>
      %get3A_2510 = arith.constant 43 : i32
      %get3A_2511 = arith.index_cast %rem3A_53 : i32 to index
      %get3A_2512 = arith.index_cast %get3A_2510 : i32 to index
      %get3A_2513 = arith.constant 96 : index
      %get3A_2514 = tpu.vector_load %arg6[%get3A_2511, %get3A_2512, %get3A_2513] {strides = array<i32>} : memref<4x50x128xf32, #tpu.memory_space<vmem>>, vector<1x1x16xf32>,
      %get3A_2515 = vector.shape_cast %get3A_2514 : vector<1x1x16xf32> to vector<16xf32>
      %add3A_2516 = arith.addf %add3A_2509, %get3A_2515 : vector<16xf32>
      %get3A_2517 = arith.constant 44 : i32
      %get3A_2518 = arith.index_cast %rem3A_53 : i32 to index
      %get3A_2519 = arith.index_cast %get3A_2517 : i32 to index
      %get3A_2520 = arith.constant 96 : index
      %get3A_2521 = tpu.vector_load %arg6[%get3A_2518, %get3A_2519, %get3A_2520] {strides = array<i32>} : memref<4x50x128xf32, #tpu.memory_space<vmem>>, vector<1x1x16xf32>,
      %get3A_2522 = vector.shape_cast %get3A_2521 : vector<1x1x16xf32> to vector<16xf32>
      %add3A_2523 = arith.addf %add3A_2516, %get3A_2522 : vector<16xf32>
      %get3A_2524 = arith.constant 45 : i32
      %get3A_2525 = arith.index_cast %rem3A_53 : i32 to index
      %get3A_2526 = arith.index_cast %get3A_2524 : i32 to index
      %get3A_2527 = arith.constant 96 : index
      %get3A_2528 = tpu.vector_load %arg6[%get3A_2525, %get3A_2526, %get3A_2527] {strides = array<i32>} : memref<4x50x128xf32, #tpu.memory_space<vmem>>, vector<1x1x16xf32>,
      %get3A_2529 = vector.shape_cast %get3A_2528 : vector<1x1x16xf32> to vector<16xf32>
      %add3A_2530 = arith.addf %add3A_2523, %get3A_2529 : vector<16xf32>
      %get3A_2531 = arith.constant 46 : i32
      %get3A_2532 = arith.index_cast %rem3A_53 : i32 to index
      %get3A_2533 = arith.index_cast %get3A_2531 : i32 to index
      %get3A_2534 = arith.constant 96 : index
      %get3A_2535 = tpu.vector_load %arg6[%get3A_2532, %get3A_2533, %get3A_2534] {strides = array<i32>} : memref<4x50x128xf32, #tpu.memory_space<vmem>>, vector<1x1x16xf32>,
      %get3A_2536 = vector.shape_cast %get3A_2535 : vector<1x1x16xf32> to vector<16xf32>
      %add3A_2537 = arith.addf %add3A_2530, %get3A_2536 : vector<16xf32>
      %get3A_2538 = arith.constant 47 : i32
      %get3A_2539 = arith.index_cast %rem3A_53 : i32 to index
      %get3A_2540 = arith.index_cast %get3A_2538 : i32 to index
      %get3A_2541 = arith.constant 96 : index
      %get3A_2542 = tpu.vector_load %arg6[%get3A_2539, %get3A_2540, %get3A_2541] {strides = array<i32>} : memref<4x50x128xf32, #tpu.memory_space<vmem>>, vector<1x1x16xf32>,
      %get3A_2543 = vector.shape_cast %get3A_2542 : vector<1x1x16xf32> to vector<16xf32>
      %add3A_2544 = arith.addf %add3A_2537, %get3A_2543 : vector<16xf32>
      %get3A_2545 = arith.constant 48 : i32
      %get3A_2546 = arith.index_cast %rem3A_53 : i32 to index
      %get3A_2547 = arith.index_cast %get3A_2545 : i32 to index
      %get3A_2548 = arith.constant 96 : index
      %get3A_2549 = tpu.vector_load %arg6[%get3A_2546, %get3A_2547, %get3A_2548] {strides = array<i32>} : memref<4x50x128xf32, #tpu.memory_space<vmem>>, vector<1x1x16xf32>,
      %get3A_2550 = vector.shape_cast %get3A_2549 : vector<1x1x16xf32> to vector<16xf32>
      %add3A_2551 = arith.addf %add3A_2544, %get3A_2550 : vector<16xf32>
      %get3A_2552 = arith.constant 49 : i32
      %get3A_2553 = arith.index_cast %rem3A_53 : i32 to index
      %get3A_2554 = arith.index_cast %get3A_2552 : i32 to index
      %get3A_2555 = arith.constant 96 : index
      %get3A_2556 = tpu.vector_load %arg6[%get3A_2553, %get3A_2554, %get3A_2555] {strides = array<i32>} : memref<4x50x128xf32, #tpu.memory_space<vmem>>, vector<1x1x16xf32>,
      %get3A_2557 = vector.shape_cast %get3A_2556 : vector<1x1x16xf32> to vector<16xf32>
      %add3A_2558 = arith.addf %add3A_2551, %get3A_2557 : vector<16xf32>
      %mul3A_2559 = arith.constant 2.000000e-02 : f32
      %mul3A_2560 = vector.broadcast %mul3A_2559 : f32 to vector<16xf32>
      %mul3A_2561 = arith.mulf %add3A_2558, %mul3A_2560 : vector<16xf32>
      %swap3A_2562 = arith.index_cast %scan3A_52 : i32 to index
      %swap3A_2563 = arith.constant 96 : index
      %swap3A_2564 = tpu.vector_load %arg7[%swap3A_2562, %swap3A_2563] {strides = array<i32>} : memref<32x128xf32, #tpu.memory_space<vmem>>, vector<1x16xf32>,
      %swap3A_2565 = vector.shape_cast %swap3A_2564 : vector<1x16xf32> to vector<16xf32>
      %swap3A_2566 = vector.shape_cast %mul3A_2561 : vector<16xf32> to vector<1x16xf32>
      tpu.vector_store %arg7[%swap3A_2562, %swap3A_2563], %swap3A_2566 {strides = array<i32>} : memref<32x128xf32, #tpu.memory_space<vmem>>, vector<1x16xf32>,
      %get3A_2567 = arith.constant 0 : i32
      %get3A_2568 = arith.index_cast %rem3A_53 : i32 to index
      %get3A_2569 = arith.index_cast %get3A_2567 : i32 to index
      %get3A_2570 = arith.constant 112 : index
      %get3A_2571 = tpu.vector_load %arg6[%get3A_2568, %get3A_2569, %get3A_2570] {strides = array<i32>} : memref<4x50x128xf32, #tpu.memory_space<vmem>>, vector<1x1x16xf32>,
      %get3A_2572 = vector.shape_cast %get3A_2571 : vector<1x1x16xf32> to vector<16xf32>
      %get3A_2573 = arith.constant 1 : i32
      %get3A_2574 = arith.index_cast %rem3A_53 : i32 to index
      %get3A_2575 = arith.index_cast %get3A_2573 : i32 to index
      %get3A_2576 = arith.constant 112 : index
      %get3A_2577 = tpu.vector_load %arg6[%get3A_2574, %get3A_2575, %get3A_2576] {strides = array<i32>} : memref<4x50x128xf32, #tpu.memory_space<vmem>>, vector<1x1x16xf32>,
      %get3A_2578 = vector.shape_cast %get3A_2577 : vector<1x1x16xf32> to vector<16xf32>
      %add3A_2579 = arith.addf %get3A_2572, %get3A_2578 : vector<16xf32>
      %get3A_2580 = arith.constant 2 : i32
      %get3A_2581 = arith.index_cast %rem3A_53 : i32 to index
      %get3A_2582 = arith.index_cast %get3A_2580 : i32 to index
      %get3A_2583 = arith.constant 112 : index
      %get3A_2584 = tpu.vector_load %arg6[%get3A_2581, %get3A_2582, %get3A_2583] {strides = array<i32>} : memref<4x50x128xf32, #tpu.memory_space<vmem>>, vector<1x1x16xf32>,
      %get3A_2585 = vector.shape_cast %get3A_2584 : vector<1x1x16xf32> to vector<16xf32>
      %add3A_2586 = arith.addf %add3A_2579, %get3A_2585 : vector<16xf32>
      %get3A_2587 = arith.constant 3 : i32
      %get3A_2588 = arith.index_cast %rem3A_53 : i32 to index
      %get3A_2589 = arith.index_cast %get3A_2587 : i32 to index
      %get3A_2590 = arith.constant 112 : index
      %get3A_2591 = tpu.vector_load %arg6[%get3A_2588, %get3A_2589, %get3A_2590] {strides = array<i32>} : memref<4x50x128xf32, #tpu.memory_space<vmem>>, vector<1x1x16xf32>,
      %get3A_2592 = vector.shape_cast %get3A_2591 : vector<1x1x16xf32> to vector<16xf32>
      %add3A_2593 = arith.addf %add3A_2586, %get3A_2592 : vector<16xf32>
      %get3A_2594 = arith.constant 4 : i32
      %get3A_2595 = arith.index_cast %rem3A_53 : i32 to index
      %get3A_2596 = arith.index_cast %get3A_2594 : i32 to index
      %get3A_2597 = arith.constant 112 : index
      %get3A_2598 = tpu.vector_load %arg6[%get3A_2595, %get3A_2596, %get3A_2597] {strides = array<i32>} : memref<4x50x128xf32, #tpu.memory_space<vmem>>, vector<1x1x16xf32>,
      %get3A_2599 = vector.shape_cast %get3A_2598 : vector<1x1x16xf32> to vector<16xf32>
      %add3A_2600 = arith.addf %add3A_2593, %get3A_2599 : vector<16xf32>
      %get3A_2601 = arith.constant 5 : i32
      %get3A_2602 = arith.index_cast %rem3A_53 : i32 to index
      %get3A_2603 = arith.index_cast %get3A_2601 : i32 to index
      %get3A_2604 = arith.constant 112 : index
      %get3A_2605 = tpu.vector_load %arg6[%get3A_2602, %get3A_2603, %get3A_2604] {strides = array<i32>} : memref<4x50x128xf32, #tpu.memory_space<vmem>>, vector<1x1x16xf32>,
      %get3A_2606 = vector.shape_cast %get3A_2605 : vector<1x1x16xf32> to vector<16xf32>
      %add3A_2607 = arith.addf %add3A_2600, %get3A_2606 : vector<16xf32>
      %get3A_2608 = arith.constant 6 : i32
      %get3A_2609 = arith.index_cast %rem3A_53 : i32 to index
      %get3A_2610 = arith.index_cast %get3A_2608 : i32 to index
      %get3A_2611 = arith.constant 112 : index
      %get3A_2612 = tpu.vector_load %arg6[%get3A_2609, %get3A_2610, %get3A_2611] {strides = array<i32>} : memref<4x50x128xf32, #tpu.memory_space<vmem>>, vector<1x1x16xf32>,
      %get3A_2613 = vector.shape_cast %get3A_2612 : vector<1x1x16xf32> to vector<16xf32>
      %add3A_2614 = arith.addf %add3A_2607, %get3A_2613 : vector<16xf32>
      %get3A_2615 = arith.constant 7 : i32
      %get3A_2616 = arith.index_cast %rem3A_53 : i32 to index
      %get3A_2617 = arith.index_cast %get3A_2615 : i32 to index
      %get3A_2618 = arith.constant 112 : index
      %get3A_2619 = tpu.vector_load %arg6[%get3A_2616, %get3A_2617, %get3A_2618] {strides = array<i32>} : memref<4x50x128xf32, #tpu.memory_space<vmem>>, vector<1x1x16xf32>,
      %get3A_2620 = vector.shape_cast %get3A_2619 : vector<1x1x16xf32> to vector<16xf32>
      %add3A_2621 = arith.addf %add3A_2614, %get3A_2620 : vector<16xf32>
      %get3A_2622 = arith.constant 8 : i32
      %get3A_2623 = arith.index_cast %rem3A_53 : i32 to index
      %get3A_2624 = arith.index_cast %get3A_2622 : i32 to index
      %get3A_2625 = arith.constant 112 : index
      %get3A_2626 = tpu.vector_load %arg6[%get3A_2623, %get3A_2624, %get3A_2625] {strides = array<i32>} : memref<4x50x128xf32, #tpu.memory_space<vmem>>, vector<1x1x16xf32>,
      %get3A_2627 = vector.shape_cast %get3A_2626 : vector<1x1x16xf32> to vector<16xf32>
      %add3A_2628 = arith.addf %add3A_2621, %get3A_2627 : vector<16xf32>
      %get3A_2629 = arith.constant 9 : i32
      %get3A_2630 = arith.index_cast %rem3A_53 : i32 to index
      %get3A_2631 = arith.index_cast %get3A_2629 : i32 to index
      %get3A_2632 = arith.constant 112 : index
      %get3A_2633 = tpu.vector_load %arg6[%get3A_2630, %get3A_2631, %get3A_2632] {strides = array<i32>} : memref<4x50x128xf32, #tpu.memory_space<vmem>>, vector<1x1x16xf32>,
      %get3A_2634 = vector.shape_cast %get3A_2633 : vector<1x1x16xf32> to vector<16xf32>
      %add3A_2635 = arith.addf %add3A_2628, %get3A_2634 : vector<16xf32>
      %get3A_2636 = arith.constant 10 : i32
      %get3A_2637 = arith.index_cast %rem3A_53 : i32 to index
      %get3A_2638 = arith.index_cast %get3A_2636 : i32 to index
      %get3A_2639 = arith.constant 112 : index
      %get3A_2640 = tpu.vector_load %arg6[%get3A_2637, %get3A_2638, %get3A_2639] {strides = array<i32>} : memref<4x50x128xf32, #tpu.memory_space<vmem>>, vector<1x1x16xf32>,
      %get3A_2641 = vector.shape_cast %get3A_2640 : vector<1x1x16xf32> to vector<16xf32>
      %add3A_2642 = arith.addf %add3A_2635, %get3A_2641 : vector<16xf32>
      %get3A_2643 = arith.constant 11 : i32
      %get3A_2644 = arith.index_cast %rem3A_53 : i32 to index
      %get3A_2645 = arith.index_cast %get3A_2643 : i32 to index
      %get3A_2646 = arith.constant 112 : index
      %get3A_2647 = tpu.vector_load %arg6[%get3A_2644, %get3A_2645, %get3A_2646] {strides = array<i32>} : memref<4x50x128xf32, #tpu.memory_space<vmem>>, vector<1x1x16xf32>,
      %get3A_2648 = vector.shape_cast %get3A_2647 : vector<1x1x16xf32> to vector<16xf32>
      %add3A_2649 = arith.addf %add3A_2642, %get3A_2648 : vector<16xf32>
      %get3A_2650 = arith.constant 12 : i32
      %get3A_2651 = arith.index_cast %rem3A_53 : i32 to index
      %get3A_2652 = arith.index_cast %get3A_2650 : i32 to index
      %get3A_2653 = arith.constant 112 : index
      %get3A_2654 = tpu.vector_load %arg6[%get3A_2651, %get3A_2652, %get3A_2653] {strides = array<i32>} : memref<4x50x128xf32, #tpu.memory_space<vmem>>, vector<1x1x16xf32>,
      %get3A_2655 = vector.shape_cast %get3A_2654 : vector<1x1x16xf32> to vector<16xf32>
      %add3A_2656 = arith.addf %add3A_2649, %get3A_2655 : vector<16xf32>
      %get3A_2657 = arith.constant 13 : i32
      %get3A_2658 = arith.index_cast %rem3A_53 : i32 to index
      %get3A_2659 = arith.index_cast %get3A_2657 : i32 to index
      %get3A_2660 = arith.constant 112 : index
      %get3A_2661 = tpu.vector_load %arg6[%get3A_2658, %get3A_2659, %get3A_2660] {strides = array<i32>} : memref<4x50x128xf32, #tpu.memory_space<vmem>>, vector<1x1x16xf32>,
      %get3A_2662 = vector.shape_cast %get3A_2661 : vector<1x1x16xf32> to vector<16xf32>
      %add3A_2663 = arith.addf %add3A_2656, %get3A_2662 : vector<16xf32>
      %get3A_2664 = arith.constant 14 : i32
      %get3A_2665 = arith.index_cast %rem3A_53 : i32 to index
      %get3A_2666 = arith.index_cast %get3A_2664 : i32 to index
      %get3A_2667 = arith.constant 112 : index
      %get3A_2668 = tpu.vector_load %arg6[%get3A_2665, %get3A_2666, %get3A_2667] {strides = array<i32>} : memref<4x50x128xf32, #tpu.memory_space<vmem>>, vector<1x1x16xf32>,
      %get3A_2669 = vector.shape_cast %get3A_2668 : vector<1x1x16xf32> to vector<16xf32>
      %add3A_2670 = arith.addf %add3A_2663, %get3A_2669 : vector<16xf32>
      %get3A_2671 = arith.constant 15 : i32
      %get3A_2672 = arith.index_cast %rem3A_53 : i32 to index
      %get3A_2673 = arith.index_cast %get3A_2671 : i32 to index
      %get3A_2674 = arith.constant 112 : index
      %get3A_2675 = tpu.vector_load %arg6[%get3A_2672, %get3A_2673, %get3A_2674] {strides = array<i32>} : memref<4x50x128xf32, #tpu.memory_space<vmem>>, vector<1x1x16xf32>,
      %get3A_2676 = vector.shape_cast %get3A_2675 : vector<1x1x16xf32> to vector<16xf32>
      %add3A_2677 = arith.addf %add3A_2670, %get3A_2676 : vector<16xf32>
      %get3A_2678 = arith.constant 16 : i32
      %get3A_2679 = arith.index_cast %rem3A_53 : i32 to index
      %get3A_2680 = arith.index_cast %get3A_2678 : i32 to index
      %get3A_2681 = arith.constant 112 : index
      %get3A_2682 = tpu.vector_load %arg6[%get3A_2679, %get3A_2680, %get3A_2681] {strides = array<i32>} : memref<4x50x128xf32, #tpu.memory_space<vmem>>, vector<1x1x16xf32>,
      %get3A_2683 = vector.shape_cast %get3A_2682 : vector<1x1x16xf32> to vector<16xf32>
      %add3A_2684 = arith.addf %add3A_2677, %get3A_2683 : vector<16xf32>
      %get3A_2685 = arith.constant 17 : i32
      %get3A_2686 = arith.index_cast %rem3A_53 : i32 to index
      %get3A_2687 = arith.index_cast %get3A_2685 : i32 to index
      %get3A_2688 = arith.constant 112 : index
      %get3A_2689 = tpu.vector_load %arg6[%get3A_2686, %get3A_2687, %get3A_2688] {strides = array<i32>} : memref<4x50x128xf32, #tpu.memory_space<vmem>>, vector<1x1x16xf32>,
      %get3A_2690 = vector.shape_cast %get3A_2689 : vector<1x1x16xf32> to vector<16xf32>
      %add3A_2691 = arith.addf %add3A_2684, %get3A_2690 : vector<16xf32>
      %get3A_2692 = arith.constant 18 : i32
      %get3A_2693 = arith.index_cast %rem3A_53 : i32 to index
      %get3A_2694 = arith.index_cast %get3A_2692 : i32 to index
      %get3A_2695 = arith.constant 112 : index
      %get3A_2696 = tpu.vector_load %arg6[%get3A_2693, %get3A_2694, %get3A_2695] {strides = array<i32>} : memref<4x50x128xf32, #tpu.memory_space<vmem>>, vector<1x1x16xf32>,
      %get3A_2697 = vector.shape_cast %get3A_2696 : vector<1x1x16xf32> to vector<16xf32>
      %add3A_2698 = arith.addf %add3A_2691, %get3A_2697 : vector<16xf32>
      %get3A_2699 = arith.constant 19 : i32
      %get3A_2700 = arith.index_cast %rem3A_53 : i32 to index
      %get3A_2701 = arith.index_cast %get3A_2699 : i32 to index
      %get3A_2702 = arith.constant 112 : index
      %get3A_2703 = tpu.vector_load %arg6[%get3A_2700, %get3A_2701, %get3A_2702] {strides = array<i32>} : memref<4x50x128xf32, #tpu.memory_space<vmem>>, vector<1x1x16xf32>,
      %get3A_2704 = vector.shape_cast %get3A_2703 : vector<1x1x16xf32> to vector<16xf32>
      %add3A_2705 = arith.addf %add3A_2698, %get3A_2704 : vector<16xf32>
      %get3A_2706 = arith.constant 20 : i32
      %get3A_2707 = arith.index_cast %rem3A_53 : i32 to index
      %get3A_2708 = arith.index_cast %get3A_2706 : i32 to index
      %get3A_2709 = arith.constant 112 : index
      %get3A_2710 = tpu.vector_load %arg6[%get3A_2707, %get3A_2708, %get3A_2709] {strides = array<i32>} : memref<4x50x128xf32, #tpu.memory_space<vmem>>, vector<1x1x16xf32>,
      %get3A_2711 = vector.shape_cast %get3A_2710 : vector<1x1x16xf32> to vector<16xf32>
      %add3A_2712 = arith.addf %add3A_2705, %get3A_2711 : vector<16xf32>
      %get3A_2713 = arith.constant 21 : i32
      %get3A_2714 = arith.index_cast %rem3A_53 : i32 to index
      %get3A_2715 = arith.index_cast %get3A_2713 : i32 to index
      %get3A_2716 = arith.constant 112 : index
      %get3A_2717 = tpu.vector_load %arg6[%get3A_2714, %get3A_2715, %get3A_2716] {strides = array<i32>} : memref<4x50x128xf32, #tpu.memory_space<vmem>>, vector<1x1x16xf32>,
      %get3A_2718 = vector.shape_cast %get3A_2717 : vector<1x1x16xf32> to vector<16xf32>
      %add3A_2719 = arith.addf %add3A_2712, %get3A_2718 : vector<16xf32>
      %get3A_2720 = arith.constant 22 : i32
      %get3A_2721 = arith.index_cast %rem3A_53 : i32 to index
      %get3A_2722 = arith.index_cast %get3A_2720 : i32 to index
      %get3A_2723 = arith.constant 112 : index
      %get3A_2724 = tpu.vector_load %arg6[%get3A_2721, %get3A_2722, %get3A_2723] {strides = array<i32>} : memref<4x50x128xf32, #tpu.memory_space<vmem>>, vector<1x1x16xf32>,
      %get3A_2725 = vector.shape_cast %get3A_2724 : vector<1x1x16xf32> to vector<16xf32>
      %add3A_2726 = arith.addf %add3A_2719, %get3A_2725 : vector<16xf32>
      %get3A_2727 = arith.constant 23 : i32
      %get3A_2728 = arith.index_cast %rem3A_53 : i32 to index
      %get3A_2729 = arith.index_cast %get3A_2727 : i32 to index
      %get3A_2730 = arith.constant 112 : index
      %get3A_2731 = tpu.vector_load %arg6[%get3A_2728, %get3A_2729, %get3A_2730] {strides = array<i32>} : memref<4x50x128xf32, #tpu.memory_space<vmem>>, vector<1x1x16xf32>,
      %get3A_2732 = vector.shape_cast %get3A_2731 : vector<1x1x16xf32> to vector<16xf32>
      %add3A_2733 = arith.addf %add3A_2726, %get3A_2732 : vector<16xf32>
      %get3A_2734 = arith.constant 24 : i32
      %get3A_2735 = arith.index_cast %rem3A_53 : i32 to index
      %get3A_2736 = arith.index_cast %get3A_2734 : i32 to index
      %get3A_2737 = arith.constant 112 : index
      %get3A_2738 = tpu.vector_load %arg6[%get3A_2735, %get3A_2736, %get3A_2737] {strides = array<i32>} : memref<4x50x128xf32, #tpu.memory_space<vmem>>, vector<1x1x16xf32>,
      %get3A_2739 = vector.shape_cast %get3A_2738 : vector<1x1x16xf32> to vector<16xf32>
      %add3A_2740 = arith.addf %add3A_2733, %get3A_2739 : vector<16xf32>
      %get3A_2741 = arith.constant 25 : i32
      %get3A_2742 = arith.index_cast %rem3A_53 : i32 to index
      %get3A_2743 = arith.index_cast %get3A_2741 : i32 to index
      %get3A_2744 = arith.constant 112 : index
      %get3A_2745 = tpu.vector_load %arg6[%get3A_2742, %get3A_2743, %get3A_2744] {strides = array<i32>} : memref<4x50x128xf32, #tpu.memory_space<vmem>>, vector<1x1x16xf32>,
      %get3A_2746 = vector.shape_cast %get3A_2745 : vector<1x1x16xf32> to vector<16xf32>
      %add3A_2747 = arith.addf %add3A_2740, %get3A_2746 : vector<16xf32>
      %get3A_2748 = arith.constant 26 : i32
      %get3A_2749 = arith.index_cast %rem3A_53 : i32 to index
      %get3A_2750 = arith.index_cast %get3A_2748 : i32 to index
      %get3A_2751 = arith.constant 112 : index
      %get3A_2752 = tpu.vector_load %arg6[%get3A_2749, %get3A_2750, %get3A_2751] {strides = array<i32>} : memref<4x50x128xf32, #tpu.memory_space<vmem>>, vector<1x1x16xf32>,
      %get3A_2753 = vector.shape_cast %get3A_2752 : vector<1x1x16xf32> to vector<16xf32>
      %add3A_2754 = arith.addf %add3A_2747, %get3A_2753 : vector<16xf32>
      %get3A_2755 = arith.constant 27 : i32
      %get3A_2756 = arith.index_cast %rem3A_53 : i32 to index
      %get3A_2757 = arith.index_cast %get3A_2755 : i32 to index
      %get3A_2758 = arith.constant 112 : index
      %get3A_2759 = tpu.vector_load %arg6[%get3A_2756, %get3A_2757, %get3A_2758] {strides = array<i32>} : memref<4x50x128xf32, #tpu.memory_space<vmem>>, vector<1x1x16xf32>,
      %get3A_2760 = vector.shape_cast %get3A_2759 : vector<1x1x16xf32> to vector<16xf32>
      %add3A_2761 = arith.addf %add3A_2754, %get3A_2760 : vector<16xf32>
      %get3A_2762 = arith.constant 28 : i32
      %get3A_2763 = arith.index_cast %rem3A_53 : i32 to index
      %get3A_2764 = arith.index_cast %get3A_2762 : i32 to index
      %get3A_2765 = arith.constant 112 : index
      %get3A_2766 = tpu.vector_load %arg6[%get3A_2763, %get3A_2764, %get3A_2765] {strides = array<i32>} : memref<4x50x128xf32, #tpu.memory_space<vmem>>, vector<1x1x16xf32>,
      %get3A_2767 = vector.shape_cast %get3A_2766 : vector<1x1x16xf32> to vector<16xf32>
      %add3A_2768 = arith.addf %add3A_2761, %get3A_2767 : vector<16xf32>
      %get3A_2769 = arith.constant 29 : i32
      %get3A_2770 = arith.index_cast %rem3A_53 : i32 to index
      %get3A_2771 = arith.index_cast %get3A_2769 : i32 to index
      %get3A_2772 = arith.constant 112 : index
      %get3A_2773 = tpu.vector_load %arg6[%get3A_2770, %get3A_2771, %get3A_2772] {strides = array<i32>} : memref<4x50x128xf32, #tpu.memory_space<vmem>>, vector<1x1x16xf32>,
      %get3A_2774 = vector.shape_cast %get3A_2773 : vector<1x1x16xf32> to vector<16xf32>
      %add3A_2775 = arith.addf %add3A_2768, %get3A_2774 : vector<16xf32>
      %get3A_2776 = arith.constant 30 : i32
      %get3A_2777 = arith.index_cast %rem3A_53 : i32 to index
      %get3A_2778 = arith.index_cast %get3A_2776 : i32 to index
      %get3A_2779 = arith.constant 112 : index
      %get3A_2780 = tpu.vector_load %arg6[%get3A_2777, %get3A_2778, %get3A_2779] {strides = array<i32>} : memref<4x50x128xf32, #tpu.memory_space<vmem>>, vector<1x1x16xf32>,
      %get3A_2781 = vector.shape_cast %get3A_2780 : vector<1x1x16xf32> to vector<16xf32>
      %add3A_2782 = arith.addf %add3A_2775, %get3A_2781 : vector<16xf32>
      %get3A_2783 = arith.constant 31 : i32
      %get3A_2784 = arith.index_cast %rem3A_53 : i32 to index
      %get3A_2785 = arith.index_cast %get3A_2783 : i32 to index
      %get3A_2786 = arith.constant 112 : index
      %get3A_2787 = tpu.vector_load %arg6[%get3A_2784, %get3A_2785, %get3A_2786] {strides = array<i32>} : memref<4x50x128xf32, #tpu.memory_space<vmem>>, vector<1x1x16xf32>,
      %get3A_2788 = vector.shape_cast %get3A_2787 : vector<1x1x16xf32> to vector<16xf32>
      %add3A_2789 = arith.addf %add3A_2782, %get3A_2788 : vector<16xf32>
      %get3A_2790 = arith.constant 32 : i32
      %get3A_2791 = arith.index_cast %rem3A_53 : i32 to index
      %get3A_2792 = arith.index_cast %get3A_2790 : i32 to index
      %get3A_2793 = arith.constant 112 : index
      %get3A_2794 = tpu.vector_load %arg6[%get3A_2791, %get3A_2792, %get3A_2793] {strides = array<i32>} : memref<4x50x128xf32, #tpu.memory_space<vmem>>, vector<1x1x16xf32>,
      %get3A_2795 = vector.shape_cast %get3A_2794 : vector<1x1x16xf32> to vector<16xf32>
      %add3A_2796 = arith.addf %add3A_2789, %get3A_2795 : vector<16xf32>
      %get3A_2797 = arith.constant 33 : i32
      %get3A_2798 = arith.index_cast %rem3A_53 : i32 to index
      %get3A_2799 = arith.index_cast %get3A_2797 : i32 to index
      %get3A_2800 = arith.constant 112 : index
      %get3A_2801 = tpu.vector_load %arg6[%get3A_2798, %get3A_2799, %get3A_2800] {strides = array<i32>} : memref<4x50x128xf32, #tpu.memory_space<vmem>>, vector<1x1x16xf32>,
      %get3A_2802 = vector.shape_cast %get3A_2801 : vector<1x1x16xf32> to vector<16xf32>
      %add3A_2803 = arith.addf %add3A_2796, %get3A_2802 : vector<16xf32>
      %get3A_2804 = arith.constant 34 : i32
      %get3A_2805 = arith.index_cast %rem3A_53 : i32 to index
      %get3A_2806 = arith.index_cast %get3A_2804 : i32 to index
      %get3A_2807 = arith.constant 112 : index
      %get3A_2808 = tpu.vector_load %arg6[%get3A_2805, %get3A_2806, %get3A_2807] {strides = array<i32>} : memref<4x50x128xf32, #tpu.memory_space<vmem>>, vector<1x1x16xf32>,
      %get3A_2809 = vector.shape_cast %get3A_2808 : vector<1x1x16xf32> to vector<16xf32>
      %add3A_2810 = arith.addf %add3A_2803, %get3A_2809 : vector<16xf32>
      %get3A_2811 = arith.constant 35 : i32
      %get3A_2812 = arith.index_cast %rem3A_53 : i32 to index
      %get3A_2813 = arith.index_cast %get3A_2811 : i32 to index
      %get3A_2814 = arith.constant 112 : index
      %get3A_2815 = tpu.vector_load %arg6[%get3A_2812, %get3A_2813, %get3A_2814] {strides = array<i32>} : memref<4x50x128xf32, #tpu.memory_space<vmem>>, vector<1x1x16xf32>,
      %get3A_2816 = vector.shape_cast %get3A_2815 : vector<1x1x16xf32> to vector<16xf32>
      %add3A_2817 = arith.addf %add3A_2810, %get3A_2816 : vector<16xf32>
      %get3A_2818 = arith.constant 36 : i32
      %get3A_2819 = arith.index_cast %rem3A_53 : i32 to index
      %get3A_2820 = arith.index_cast %get3A_2818 : i32 to index
      %get3A_2821 = arith.constant 112 : index
      %get3A_2822 = tpu.vector_load %arg6[%get3A_2819, %get3A_2820, %get3A_2821] {strides = array<i32>} : memref<4x50x128xf32, #tpu.memory_space<vmem>>, vector<1x1x16xf32>,
      %get3A_2823 = vector.shape_cast %get3A_2822 : vector<1x1x16xf32> to vector<16xf32>
      %add3A_2824 = arith.addf %add3A_2817, %get3A_2823 : vector<16xf32>
      %get3A_2825 = arith.constant 37 : i32
      %get3A_2826 = arith.index_cast %rem3A_53 : i32 to index
      %get3A_2827 = arith.index_cast %get3A_2825 : i32 to index
      %get3A_2828 = arith.constant 112 : index
      %get3A_2829 = tpu.vector_load %arg6[%get3A_2826, %get3A_2827, %get3A_2828] {strides = array<i32>} : memref<4x50x128xf32, #tpu.memory_space<vmem>>, vector<1x1x16xf32>,
      %get3A_2830 = vector.shape_cast %get3A_2829 : vector<1x1x16xf32> to vector<16xf32>
      %add3A_2831 = arith.addf %add3A_2824, %get3A_2830 : vector<16xf32>
      %get3A_2832 = arith.constant 38 : i32
      %get3A_2833 = arith.index_cast %rem3A_53 : i32 to index
      %get3A_2834 = arith.index_cast %get3A_2832 : i32 to index
      %get3A_2835 = arith.constant 112 : index
      %get3A_2836 = tpu.vector_load %arg6[%get3A_2833, %get3A_2834, %get3A_2835] {strides = array<i32>} : memref<4x50x128xf32, #tpu.memory_space<vmem>>, vector<1x1x16xf32>,
      %get3A_2837 = vector.shape_cast %get3A_2836 : vector<1x1x16xf32> to vector<16xf32>
      %add3A_2838 = arith.addf %add3A_2831, %get3A_2837 : vector<16xf32>
      %get3A_2839 = arith.constant 39 : i32
      %get3A_2840 = arith.index_cast %rem3A_53 : i32 to index
      %get3A_2841 = arith.index_cast %get3A_2839 : i32 to index
      %get3A_2842 = arith.constant 112 : index
      %get3A_2843 = tpu.vector_load %arg6[%get3A_2840, %get3A_2841, %get3A_2842] {strides = array<i32>} : memref<4x50x128xf32, #tpu.memory_space<vmem>>, vector<1x1x16xf32>,
      %get3A_2844 = vector.shape_cast %get3A_2843 : vector<1x1x16xf32> to vector<16xf32>
      %add3A_2845 = arith.addf %add3A_2838, %get3A_2844 : vector<16xf32>
      %get3A_2846 = arith.constant 40 : i32
      %get3A_2847 = arith.index_cast %rem3A_53 : i32 to index
      %get3A_2848 = arith.index_cast %get3A_2846 : i32 to index
      %get3A_2849 = arith.constant 112 : index
      %get3A_2850 = tpu.vector_load %arg6[%get3A_2847, %get3A_2848, %get3A_2849] {strides = array<i32>} : memref<4x50x128xf32, #tpu.memory_space<vmem>>, vector<1x1x16xf32>,
      %get3A_2851 = vector.shape_cast %get3A_2850 : vector<1x1x16xf32> to vector<16xf32>
      %add3A_2852 = arith.addf %add3A_2845, %get3A_2851 : vector<16xf32>
      %get3A_2853 = arith.constant 41 : i32
      %get3A_2854 = arith.index_cast %rem3A_53 : i32 to index
      %get3A_2855 = arith.index_cast %get3A_2853 : i32 to index
      %get3A_2856 = arith.constant 112 : index
      %get3A_2857 = tpu.vector_load %arg6[%get3A_2854, %get3A_2855, %get3A_2856] {strides = array<i32>} : memref<4x50x128xf32, #tpu.memory_space<vmem>>, vector<1x1x16xf32>,
      %get3A_2858 = vector.shape_cast %get3A_2857 : vector<1x1x16xf32> to vector<16xf32>
      %add3A_2859 = arith.addf %add3A_2852, %get3A_2858 : vector<16xf32>
      %get3A_2860 = arith.constant 42 : i32
      %get3A_2861 = arith.index_cast %rem3A_53 : i32 to index
      %get3A_2862 = arith.index_cast %get3A_2860 : i32 to index
      %get3A_2863 = arith.constant 112 : index
      %get3A_2864 = tpu.vector_load %arg6[%get3A_2861, %get3A_2862, %get3A_2863] {strides = array<i32>} : memref<4x50x128xf32, #tpu.memory_space<vmem>>, vector<1x1x16xf32>,
      %get3A_2865 = vector.shape_cast %get3A_2864 : vector<1x1x16xf32> to vector<16xf32>
      %add3A_2866 = arith.addf %add3A_2859, %get3A_2865 : vector<16xf32>
      %get3A_2867 = arith.constant 43 : i32
      %get3A_2868 = arith.index_cast %rem3A_53 : i32 to index
      %get3A_2869 = arith.index_cast %get3A_2867 : i32 to index
      %get3A_2870 = arith.constant 112 : index
      %get3A_2871 = tpu.vector_load %arg6[%get3A_2868, %get3A_2869, %get3A_2870] {strides = array<i32>} : memref<4x50x128xf32, #tpu.memory_space<vmem>>, vector<1x1x16xf32>,
      %get3A_2872 = vector.shape_cast %get3A_2871 : vector<1x1x16xf32> to vector<16xf32>
      %add3A_2873 = arith.addf %add3A_2866, %get3A_2872 : vector<16xf32>
      %get3A_2874 = arith.constant 44 : i32
      %get3A_2875 = arith.index_cast %rem3A_53 : i32 to index
      %get3A_2876 = arith.index_cast %get3A_2874 : i32 to index
      %get3A_2877 = arith.constant 112 : index
      %get3A_2878 = tpu.vector_load %arg6[%get3A_2875, %get3A_2876, %get3A_2877] {strides = array<i32>} : memref<4x50x128xf32, #tpu.memory_space<vmem>>, vector<1x1x16xf32>,
      %get3A_2879 = vector.shape_cast %get3A_2878 : vector<1x1x16xf32> to vector<16xf32>
      %add3A_2880 = arith.addf %add3A_2873, %get3A_2879 : vector<16xf32>
      %get3A_2881 = arith.constant 45 : i32
      %get3A_2882 = arith.index_cast %rem3A_53 : i32 to index
      %get3A_2883 = arith.index_cast %get3A_2881 : i32 to index
      %get3A_2884 = arith.constant 112 : index
      %get3A_2885 = tpu.vector_load %arg6[%get3A_2882, %get3A_2883, %get3A_2884] {strides = array<i32>} : memref<4x50x128xf32, #tpu.memory_space<vmem>>, vector<1x1x16xf32>,
      %get3A_2886 = vector.shape_cast %get3A_2885 : vector<1x1x16xf32> to vector<16xf32>
      %add3A_2887 = arith.addf %add3A_2880, %get3A_2886 : vector<16xf32>
      %get3A_2888 = arith.constant 46 : i32
      %get3A_2889 = arith.index_cast %rem3A_53 : i32 to index
      %get3A_2890 = arith.index_cast %get3A_2888 : i32 to index
      %get3A_2891 = arith.constant 112 : index
      %get3A_2892 = tpu.vector_load %arg6[%get3A_2889, %get3A_2890, %get3A_2891] {strides = array<i32>} : memref<4x50x128xf32, #tpu.memory_space<vmem>>, vector<1x1x16xf32>,
      %get3A_2893 = vector.shape_cast %get3A_2892 : vector<1x1x16xf32> to vector<16xf32>
      %add3A_2894 = arith.addf %add3A_2887, %get3A_2893 : vector<16xf32>
      %get3A_2895 = arith.constant 47 : i32
      %get3A_2896 = arith.index_cast %rem3A_53 : i32 to index
      %get3A_2897 = arith.index_cast %get3A_2895 : i32 to index
      %get3A_2898 = arith.constant 112 : index
      %get3A_2899 = tpu.vector_load %arg6[%get3A_2896, %get3A_2897, %get3A_2898] {strides = array<i32>} : memref<4x50x128xf32, #tpu.memory_space<vmem>>, vector<1x1x16xf32>,
      %get3A_2900 = vector.shape_cast %get3A_2899 : vector<1x1x16xf32> to vector<16xf32>
      %add3A_2901 = arith.addf %add3A_2894, %get3A_2900 : vector<16xf32>
      %get3A_2902 = arith.constant 48 : i32
      %get3A_2903 = arith.index_cast %rem3A_53 : i32 to index
      %get3A_2904 = arith.index_cast %get3A_2902 : i32 to index
      %get3A_2905 = arith.constant 112 : index
      %get3A_2906 = tpu.vector_load %arg6[%get3A_2903, %get3A_2904, %get3A_2905] {strides = array<i32>} : memref<4x50x128xf32, #tpu.memory_space<vmem>>, vector<1x1x16xf32>,
      %get3A_2907 = vector.shape_cast %get3A_2906 : vector<1x1x16xf32> to vector<16xf32>
      %add3A_2908 = arith.addf %add3A_2901, %get3A_2907 : vector<16xf32>
      %get3A_2909 = arith.constant 49 : i32
      %get3A_2910 = arith.index_cast %rem3A_53 : i32 to index
      %get3A_2911 = arith.index_cast %get3A_2909 : i32 to index
      %get3A_2912 = arith.constant 112 : index
      %get3A_2913 = tpu.vector_load %arg6[%get3A_2910, %get3A_2911, %get3A_2912] {strides = array<i32>} : memref<4x50x128xf32, #tpu.memory_space<vmem>>, vector<1x1x16xf32>,
      %get3A_2914 = vector.shape_cast %get3A_2913 : vector<1x1x16xf32> to vector<16xf32>
      %add3A_2915 = arith.addf %add3A_2908, %get3A_2914 : vector<16xf32>
      %mul3A_2916 = arith.constant 2.000000e-02 : f32
      %mul3A_2917 = vector.broadcast %mul3A_2916 : f32 to vector<16xf32>
      %mul3A_2918 = arith.mulf %add3A_2915, %mul3A_2917 : vector<16xf32>
      %swap3A_2919 = arith.index_cast %scan3A_52 : i32 to index
      %swap3A_2920 = arith.constant 112 : index
      %swap3A_2921 = tpu.vector_load %arg7[%swap3A_2919, %swap3A_2920] {strides = array<i32>} : memref<32x128xf32, #tpu.memory_space<vmem>>, vector<1x16xf32>,
      %swap3A_2922 = vector.shape_cast %swap3A_2921 : vector<1x16xf32> to vector<16xf32>
      %swap3A_2923 = vector.shape_cast %mul3A_2918 : vector<16xf32> to vector<1x16xf32>
      tpu.vector_store %arg7[%swap3A_2919, %swap3A_2920], %swap3A_2923 {strides = array<i32>} : memref<32x128xf32, #tpu.memory_space<vmem>>, vector<1x16xf32>,
    }
    %scan3A_51 = arith.constant 32 : i32
    "tpu.region"() ({
      %run_scoped3A = tpu.sem_alloc : memref<!tpu.dma_semaphore, #tpu.memory_space<semaphore_mem>>
      %dma_start3A_52 = arith.constant 0 : i32
      %dma_start3A_53 = tpu.memref_slice %arg4[%mul3A_2, %dma_start3A_52] : memref<1024x128xf32, #tpu.memory_space<hbm>> -> memref<32x128xf32, #tpu.memory_space<hbm>>
      %dma_start3A_54 = arith.constant 0 : i32
      %dma_start3A_55 = tpu.memref_slice %arg4[%mul3A_2, %dma_start3A_54] : memref<1024x128xf32, #tpu.memory_space<hbm>> -> memref<32x128xf32, #tpu.memory_space<hbm>>
      tpu.enqueue_dma source(%arg7 : memref<32x128xf32, #tpu.memory_space<vmem>>) target(%dma_start3A_55 : memref<32x128xf32, #tpu.memory_space<hbm>>) target_semaphore(%run_scoped3A : memref<!tpu.dma_semaphore, #tpu.memory_space<semaphore_mem>>)
      %dma_wait3A = arith.constant 0 : i32
      %dma_wait3A_56 = tpu.memref_slice %arg4[%mul3A_2, %dma_wait3A] : memref<1024x128xf32, #tpu.memory_space<hbm>> -> memref<32x128xf32, #tpu.memory_space<hbm>>
      %dma_wait3A_57 = arith.constant 0 : i32
      %dma_wait3A_58 = tpu.memref_slice %arg4[%mul3A_2, %dma_wait3A_57] : memref<1024x128xf32, #tpu.memory_space<hbm>> -> memref<32x128xf32, #tpu.memory_space<hbm>>
      tpu.wait_dma2 semaphore(%run_scoped3A : memref<!tpu.dma_semaphore, #tpu.memory_space<semaphore_mem>>) src(%arg7 : memref<32x128xf32, #tpu.memory_space<vmem>>) dst(%dma_wait3A_58 : memref<32x128xf32, #tpu.memory_space<hbm>>)
      tpu.yield
    }) : () -> ()
    return
  }
}

</mosaic_0001>

<sc_bundles>
// kernel: _sc_pool.3.cloned.1.call-start
scs
__scs_entry_jumppad:
0x0: {  	(pc) =	sbr.rel $0x88, $3  }
0x1: {  	(tag) =	ssettag $0x0;
	lr =	simm.s32 $0x1  }
0x2: {  	[smem:$0x3F9F] =	sst lr;
	_ =	strace $0xD0000000  }
0x3: {  	_ = 	snop  }
0x4: {  	_ = 	snop  }
0x5: {  	_ = 	snop  }
0x6: {  	_ = 	snop  }
0x7: {  	_ = 	snop  }
__scs_overlays_trampoline_lowered:
0x8: {  	[smem:$0x3FAE] =	sst s0  }
0x9: {  	[smem:$0x3FAF] =	sst s1  }
0xa: {  	[smem:$0x3FB0] =	sst s2  }
0xb: {  	[smem:$0x3FB1] =	sst s3  }
0xc: {  	[smem:$0x3FB2] =	sst s4  }
0xd: {  	[smem:$0x3FB3] =	sst s5  }
0xe: {  	[smem:$0x3FB4] =	sst s6  }
0xf: {  	[smem:$0x3FB5] =	sst s7  }
0x10: {  	[smem:$0x3FB6] =	sst s8  }
0x11: {  	[smem:$0x3FB7] =	sst s9;
	s0 =	simm.s32 @!p0 $0x0  }
0x12: {  	s1 =	sld [smem:$0x3F9D];
	s0 =	simm.s32 @p0 $0x1  }
0x13: {  	[smem:$0x3FB8] =	sst s0;
	s0 =	simm.s32 @!p1 $0x0  }
0x14: {  	s2 =	sld [smem:$0x3F9C];
	s0 =	simm.s32 @p1 $0x1  }
0x15: {  	[smem:$0x3FB9] =	sst s0;
	s0 =	simm.s32 @!p2 $0x0  }
0x16: {  	s3 =	sld [smem:$0x3FDB];
	s0 =	simm.s32 @p2 $0x1  }
0x17: {  	s4 =	simm.s32 $0x1BF5;
	[smem:$0x3FBB] =	sst s0  }
0x18: {  	s0 =	sld [smem:$0x3F9E];
	_ =	swait.ge [sflag:s4], $0x0  }
0x19: {  	s7 =	sld [smem:$0x3F9F]  }
0x1a: {  	s8 =	sadd.s32 $0xFFFFE003, lr  }
0x1b: {  	s9 =	sadd.s32 $0xFFFFFEF7, lr;
	s5 =	simm.s32 $0xFFFFFFFF;
	p2 =	slt.u32 s8, $0xFFFFF086  }
0x1c: {  	p1 =	slt.u32 s9, $0xF7A;
	s5 =	simm.s32 @!p2 $0x0  }
0x1d: {  	s5 =	simm.s32 @p1 $0x1;
	p0 =	seq.s32 s7, s2  }
0x1e: {  	s7 =	smul.u32 @!p0 $0xF7A, s2;
	p2 =	seq.s32 @!p0 s5, $0x0  }
0x1f: {  	s9 =	smul.u32 $0xF7A, s1;
	s8 =	simm.s32 @!p0 $0x1BF5;
	p2 =	por !p2, p0  }
0x20: {  	[sflag:s8] =	ssyncset.s32 @!p0 $0xFFFFF086;
	s6 =	sadd.s32 @!p0 s3, s7;
	s7 =	simm.s32 @!p0 $0x108  }
0x21: {  	s3 =	sadd.s32 s3, s9;
	s6 =	sadd.s32 @!p0 $0x88, s6;
	s7 =	simm.s32 @p2 $0x1082  }
0x22: {  	[simem:s7], [sflag:s8] =	dma.local @!p0 [hbm:s6], $0xF7A  }
0x23: {  	s9 =	sor.u32 $0xD0000000, s2;
	s6 =	simm.s32 $0x108;
	_ =	swait.ge @!p0 [sflag:s8], $0x0  }
0x24: {  	s3 =	sadd.s32 $0x88, s3;
	s6 =	simm.s32 @!p1 $0x1082;
	[sflag:s4] =	ssyncset.s32 $0xFFFFF086  }
0x25: {  	[simem:s6], [sflag:s4] =	dma.local [hbm:s3], $0xF7A  }
0x26: {  	[smem:$0x3F9F] =	sst s1;
	(tag) =	ssettag s2;
	_ =	strace s9  }
0x27: {  	s1 =	sld [smem:$0x3FAF]  }
0x28: {  	s2 =	sld [smem:$0x3FB0]  }
0x29: {  	s4 =	sld [smem:$0x3FB2]  }
0x2a: {  	p0 =	seq.s32 s5, $0x0;
	s5 =	sld [smem:$0x3FB3]  }
0x2b: {  	s6 =	sld [smem:$0x3FB4]  }
0x2c: {  	s7 =	sld [smem:$0x3FB5]  }
0x2d: {  	s3 =	simm.s32 $0x108;
	s8 =	sld [smem:$0x3FB6]  }
0x2e: {  	s3 =	simm.s32 @!p0 $0x1082;
	s9 =	sld [smem:$0x3FB7]  }
0x2f: {  	lr =	sadd.s32 s0, s3;
	s0 =	sld [smem:$0x3FAE]  }
0x30: {  	s3 =	sld [smem:$0x3FB1]  }
0x31: {  	[smem:$0x3FBA] =	sst s10  }
0x32: {  	s10 =	sld [smem:$0x3FB8];
	_ =	sdelay $0x3  }
0x33: {  	p0 =	seq.s32 s10, $0x1;
	s10 =	sld [smem:$0x3FBA];
	_ =	sdelay $0x3  }
0x34: {  	[smem:$0x3FBA] =	sst s10  }
0x35: {  	s10 =	sld [smem:$0x3FB9];
	_ =	sdelay $0x3  }
0x36: {  	p1 =	seq.s32 s10, $0x1;
	s10 =	sld [smem:$0x3FBA];
	_ =	sdelay $0x3  }
0x37: {  	[smem:$0x3FBA] =	sst s10  }
0x38: {  	s10 =	sld [smem:$0x3FBB]  }
0x39: {  	_ = 	snop;
	(pc) =	sbr.ind lr, $3  }
0x3a: {  	_ = 	snop  }
0x3b: {  	_ = 	snop  }
0x3c: {  	p2 =	seq.s32 s10, $0x1;
	s10 =	sld [smem:$0x3FBA]  }
0x3d: {  	_ =	shalt  }
0x3e: {  	_ =	shalt  }
0x3f: {  	_ =	shalt  }
0x40: {  	_ =	shalt  }
0x41: {  	_ =	shalt  }
0x42: {  	_ =	shalt  }
0x43: {  	_ =	shalt  }
0x44: {  	_ =	shalt  }
0x45: {  	_ =	shalt  }
0x46: {  	_ =	shalt  }
0x47: {  	_ =	shalt  }
0x48: {  	_ =	shalt  }
0x49: {  	_ =	shalt  }
0x4a: {  	_ =	shalt  }
0x4b: {  	_ =	shalt  }
0x4c: {  	_ =	shalt  }
0x4d: {  	_ =	shalt  }
0x4e: {  	_ =	shalt  }
0x4f: {  	_ =	shalt  }
0x50: {  	_ =	shalt  }
0x51: {  	_ =	shalt  }
0x52: {  	_ =	shalt  }
0x53: {  	_ =	shalt  }
0x54: {  	_ =	shalt  }
0x55: {  	_ =	shalt  }
0x56: {  	_ =	shalt  }
0x57: {  	_ =	shalt  }
0x58: {  	_ =	shalt  }
0x59: {  	_ =	shalt  }
0x5a: {  	_ =	shalt  }
0x5b: {  	_ =	shalt  }
0x5c: {  	_ =	shalt  }
0x5d: {  	_ =	shalt  }
0x5e: {  	_ =	shalt  }
0x5f: {  	_ =	shalt  }
0x60: {  	_ =	shalt  }
0x61: {  	_ =	shalt  }
0x62: {  	_ =	shalt  }
0x63: {  	_ =	shalt  }
0x64: {  	_ =	shalt  }
0x65: {  	_ =	shalt  }
0x66: {  	_ =	shalt  }
0x67: {  	_ =	shalt  }
0x68: {  	_ =	shalt  }
0x69: {  	_ =	shalt  }
0x6a: {  	_ =	shalt  }
0x6b: {  	_ =	shalt  }
0x6c: {  	_ =	shalt  }
0x6d: {  	_ =	shalt  }
0x6e: {  	_ =	shalt  }
0x6f: {  	_ =	shalt  }
0x70: {  	_ =	shalt  }
0x71: {  	_ =	shalt  }
0x72: {  	_ =	shalt  }
0x73: {  	_ =	shalt  }
0x74: {  	_ =	shalt  }
0x75: {  	_ =	shalt  }
0x76: {  	_ =	shalt  }
0x77: {  	_ =	shalt  }
0x78: {  	_ =	shalt  }
0x79: {  	_ =	shalt  }
0x7a: {  	_ =	shalt  }
0x7b: {  	_ =	shalt  }
0x7c: {  	_ =	shalt  }
0x7d: {  	_ =	shalt  }
0x7e: {  	_ =	shalt  }
0x7f: {  	_ =	shalt  }
0x80: {  	_ =	shalt  }
0x81: {  	_ =	shalt  }
0x82: {  	_ =	shalt  }
0x83: {  	_ =	shalt  }
0x84: {  	_ =	shalt  }
0x85: {  	_ =	shalt  }
0x86: {  	_ =	shalt  }
0x87: {  	_ =	shalt  }
.Lfunc_end0:
.L_simem_size_0:
called_computation_lowered:
.L_overlay_start_0:
0x88: {  	s2 =	sld [smem:$0x3FD9]  }
0x89: {  	s3 =	sld [smem:$0x3FFE];
	_ =	sdelay $0x1  }
0x8a: {  	s1 =	srdreg.scid  }
0x8b: {  	s0 =	sand.u32 $0x1, s1  }
0x8c: {  	s17 =	sshll.u32 s0, $0xA;
	s2 =	sadd.s32 s3, s2  }
0x8d: {  	s2 =	sadd.s32 s2, s17  }
0x8e: {  	[smem:$0x3FC6] =	sst s2  }
0x8f: {  	_ = 	snop  }
0x90: {  	s2 =	sld [smem:$0x3FC9]  }
0x91: {  	s18 =	sld [smem:$0x3FD0];
	(tm) =	ssettm $0x1  }
0x92: {  	s4 =	sld [smem:$0x3FFB];
	_ =	sdelay $0x3  }
0x93: {  	_ =	strace s4  }
0x94: {  	s4 =	sld [smem:$0x3FFC];
	_ =	sdelay $0x3  }
0x95: {  	_ =	strace s4  }
0x96: {  	s4 =	sld [smem:$0x3FFD];
	_ =	sdelay $0x3  }
0x97: {  	_ =	strace s4  }
0x98: {  	_ =	strace $0x8FFFFFFF  }
0x99: {  	s19 =	sld [smem:$0x3FDB];
	_ =	sdelay $0x1  }
0x9a: {  	s5 =	simm.s32 $_scs_section_size  }
0x9b: {  	s6 =	simm.s32 $_size__tile_overlayer_lowered;
	s7 =	simm.s32 $_tile_overlayer_lowered  }
0x9c: {  	s22 =	simm.s32 $0x1BFF;
	s21 =	sshll.u32 s7, $0x1;
	s4 =	sadd.s32 s5, s19  }
0x9d: {  	s8 =	simm.s32 $0x0;
	s20 =	sshll.u32 s6, $0x1;
	s6 =	sadd.s32 s21, s4  }
0x9e: {  	[timem:s8], [sflag:s22] =	dma.local [hbm:s6], s20  }
0x9f: {  	_ =	swait.ge [sflag:s22], s20  }
0xa0: {  	s5 =	ssub.s32 $0x0, s20;
	[sflag:s22] =	ssyncset.done $0x0  }
0xa1: {  	[sflag:s22] =	ssyncadd.s32 s5;
	_ =	sdelay $0x1  }
0xa2: {  	s23 =	simm.s32 $0x1B8B  }
0xa3: {  	_ =	swait.ge [sflag:s23], $0x1  }
0xa4: {  	[sflag:s23] =	ssyncset.done $0x0  }
0xa5: {  	s25 =	simm.s32 $0x1B8E;
	s24 =	sld [smem:$0x3FFE];
	[sflag:s23] =	ssyncadd.s32 $0xFFFFFFFF  }
0xa6: {  	s26 =	simm.s32 $execute0_lowered;
	[smem:$0x3FD2] =	sst s25  }
0xa7: {  	s6 =	sshll.u32 s26, $0x1;
	_ =	strace $0x80000046;
	[dreg:$0x1] =	wrdreg $0xFFFFFFFF  }
0xa8: {  	s28 =	simm.s32 $_size_execute0_lowered;
	s4 =	sadd.s32 s4, s6;
	[dreg:$0x0] =	wrdreg $0x0  }
0xa9: {  	s6 =	sshll.u32 s28, $0x1;
	[dreg:$0x2] =	wrdreg s4  }
0xaa: {  	[dreg:$0x3] =	wrdreg s6  }
0xab: {  	[dreg:$0x4] =	wrdreg $0xC0  }
0xac: {  	_ =	task [dreg:s8], $0x5FFFF  }
0xad: {  	[dreg:$0x1] =	wrdreg $0xFFFFFFFF  }
0xae: {  	[dreg:$0x0] =	wrdreg $0x60  }
0xaf: {  	[dreg:$0x2] =	wrdreg s2  }
0xb0: {  	[dreg:$0x3] =	wrdreg s24  }
0xb1: {  	[dreg:$0x4] =	wrdreg s18  }
0xb2: {  	[dreg:$0x5] =	wrdreg $0x9  }
0xb3: {  	_ =	task.clear_ibuf [dreg:s8], $0x6FFFF;
	_ =	strace $0x90000046  }
0xb4: {  	s29 =	simm.s32 $0x9;
	_ =	strace $0x80000048  }
0xb5: {  	_ =	swait.ge [sflag:s29], $0x1  }
0xb6: {  	[sflag:s29] =	ssyncadd.s32 $0xFFFFFFFF  }
0xb7: {  	_ =	strace $0x90000048  }
0xb8: {  	_ =	sfence  }
0xb9: {  	s30 =	sld [smem:$0x0];
	_ =	sdelay $0x2  }
0xba: {  	s31 =	sshll.u32 s1, $0xD;
	s1 =	sshrl.u32 s1, $0x2  }
0xbb: {  	s3 =	sand.u32 $0x4000, s31;
	s1 =	sadd.s32 s1, s30  }
0xbc: {  	s0 =	sor.u32 s3, s0;
	s1 =	sshll.u32 s1, $0x11  }
0xbd: {  	s0 =	sor.u32 s1, s0  }
0xbe: {  	s0 =	sadd.s32 $0x8F2B, s0  }
0xbf: {  	[sflag:s0] =	ssyncadd.remote.s32 $0x1  }
0xc0: {  	_ =	sfence.sel $0xFFFF  }
0xc1: {  	[dreg:$0x0] =	wrdreg $0xFFFFFFFF;
	(pc) =	sbr.abs _section_cstart, $3  }
0xc2: {  	[dreg:$0x1] =	wrdreg $0xFFFFFFFF  }
0xc3: {  	_ =	task.clear_ibuf [dreg:s8], $0x2FFFF;
	_ =	strace $0x9FFFFFFF  }
0xc4: {  	(tm) =	ssettm $0x7FFFFFFF  }
0xc5: {  	_ =	shalt  }
tec
execute0_lowered:
.L_overlay_start_1:
0x0: {  	(tag) =	ssettag $0x1  }
0x1: {  	s1 =	rddreg [dreg:$0x0]  }
0x2: {  	s4 =	rddreg [dreg:$0x1]  }
0x3: {  	s5 =	rddreg [dreg:$0x2]  }
0x4: {  	s0 =	rddreg [dreg:$0x3];
	s6 =	srdreg.scid  }
0x5: {  	s3 =	simm.s32 $0x0;
	s2 =	stileid.u32;
	s9 =	simm.s32 $0x1000  }
0x6: {  	s10 =	simm.s32 $0x80;
	s11 =	simm.s32 $0x2C00;
	s12 =	simm.s32 $0x100  }
0x7: {  	s13 =	simm.s32 $0x4800;
	s14 =	simm.s32 $0x8000;
	s15 =	simm.s32 $0x0  }
0x8: {  	s6 =	sand.u32 $0x1, s6;
	s7 =	sshll.u32 s2, $0xA;
	[smem:$0x7FF] =	sst s3  }
0x9: {  	s8 =	sshll.u32 s6, $0x9;
	s6 =	ssub.s32 $0x2, s6;
	_ =	strace $0x80000047  }
0xa: {  	s7 =	sor.u32 s8, s7;
	s31 =	sshrl.u32 s6, $0x1;
	s8 =	simm.s32 $0x32  }
0xb: {  	s4 =	sadd.s32 s7, s4;
	s6 =	ssub.s32 s6, s31;
	s5 =	sadd.s32 s5, s7  }
0xc: {  	s7 =	simm.s32 $0x5;
	s4 =	sadd.s32 $0x400, s4;
	s6 =	smax.u32 s6, $0x1  }
.LBB2_1:
0xd: {  	[tilespmem:s3], [sflag:$0x5] =	stream.linear.gather [hbm4b:s4+s3], $0x1000, $0x38;
	[tilespmem:$0x9000] =	vst v63  }
0xe: {  	_ =	swait.ge [sflag:s7], $0x1000  }
0xf: {  	[sflag:s7] =	ssyncset.done $0x0  }
0x10: {  	[sflag:s7] =	ssyncadd.s32 $0xFFFFF000  }
0x11: {  	[tilespmem:s9], [sflag:$0x1] =	stream.indirect.gather [hbm4b:s1+s8], $0x80, s3, s8, $0xb8;
	[tilespmem:$0x9000] =	vst v63  }
0x12: {  	_ = 	snop  }
0x13: {  	[tilespmem:s11], [sflag:$0x2] =	stream.indirect.gather [hbm4b:s1+s8], $0x80, s10, s8, $0xb8;
	[tilespmem:$0x9000] =	vst v63  }
0x14: {  	s16 =	simm.s32 $0x180;
	s17 =	simm.s32 $0x8040;
	s18 =	simm.s32 $0x0  }
0x15: {  	[tilespmem:s13], [sflag:$0x3] =	stream.indirect.gather [hbm4b:s1+s8], $0x80, s12, s8, $0xb8;
	[tilespmem:$0x9000] =	vst v63  }
.LBB2_2:
0x16: {  	p0 =	sgt.u32 s18, $0x1C  }
0x17: {  	s20 =	sand.u32 $0x3, s18;
	s19 =	sadd.s32 @!p0 $0xFFFFFFFF, s18  }
0x18: {  	s21 =	sadd.s32 $0x1, s20;
	s20 =	smul.u32 $0x7000, s20;
	s19 =	sand.u32 @!p0 $0x3, s19  }
0x19: {  	_ =	swait.ge [sflag:s21], $0x1900;
	s22 =	smul.u32 @!p0 $0x7000, s19  }
0x1a: {  	[sflag:s21] =	ssyncset.done $0x0  }
0x1b: {  	s19 =	sadd.s32 @!p0 $0x1, s19;
	s31 =	sshrl.u32 s20, $0x2;
	s22 =	sshrl.u32 @!p0 s22, $0x2  }
0x1c: {  	[sflag:s21] =	ssyncadd.s32 $0xFFFFE700;
	s21 =	sadd.s32 @!p0 $0x1000, s22;
	s22 =	simm.s32 @!p0 $0x32  }
0x1d: {  	[tilespmem:s21], [sflag:s19] =	stream.indirect.gather @!p0 [hbm4b:s1+s22], $0x80, s16, s22, $0xb8;
	[tilespmem:$0x9000] =	vst v63  }
0x1e: {  	v0 =	vld [tilespmem:s31+$0x1000]  }
0x1f: {  	v1 =	vld [tilespmem:s31+$0x1080];
	_ =	sdelay $0x1  }
0x20: {  	v2 =	vld [tilespmem:s31+$0x1100];
	_ =	sdelay $0x1  }
0x21: {  	v3 =	vld [tilespmem:s31+$0x1180]  }
0x22: {  	v0 =	vadd.f32 v1, v0  }
0x23: {  	v23 =	vld [tilespmem:s31+$0x1200]  }
0x24: {  	v0 =	vadd.f32 v2, v0  }
0x25: {  	v24 =	vld [tilespmem:s31+$0x1280]  }
0x26: {  	v0 =	vadd.f32 v3, v0  }
0x27: {  	v25 =	vld [tilespmem:s31+$0x1300]  }
0x28: {  	v0 =	vadd.f32 v23, v0  }
0x29: {  	v26 =	vld [tilespmem:s31+$0x1380]  }
0x2a: {  	v0 =	vadd.f32 v24, v0  }
0x2b: {  	v27 =	vld [tilespmem:s31+$0x1400]  }
0x2c: {  	v0 =	vadd.f32 v25, v0  }
0x2d: {  	v28 =	vld [tilespmem:s31+$0x1480]  }
0x2e: {  	v0 =	vadd.f32 v26, v0  }
0x2f: {  	v29 =	vld [tilespmem:s31+$0x1500]  }
0x30: {  	v0 =	vadd.f32 v27, v0  }
0x31: {  	v30 =	vld [tilespmem:s31+$0x1580]  }
0x32: {  	v0 =	vadd.f32 v28, v0  }
0x33: {  	v31 =	vld [tilespmem:s31+$0x1600]  }
0x34: {  	v0 =	vadd.f32 v29, v0  }
0x35: {  	v32 =	vld [tilespmem:s31+$0x1680]  }
0x36: {  	v0 =	vadd.f32 v30, v0  }
0x37: {  	v33 =	vld [tilespmem:s31+$0x1700]  }
0x38: {  	v0 =	vadd.f32 v31, v0  }
0x39: {  	v34 =	vld [tilespmem:s31+$0x1780]  }
0x3a: {  	v0 =	vadd.f32 v32, v0  }
0x3b: {  	v35 =	vld [tilespmem:s31+$0x1800]  }
0x3c: {  	v0 =	vadd.f32 v33, v0  }
0x3d: {  	v36 =	vld [tilespmem:s31+$0x1880]  }
0x3e: {  	v0 =	vadd.f32 v34, v0  }
0x3f: {  	v37 =	vld [tilespmem:s31+$0x1900]  }
0x40: {  	v0 =	vadd.f32 v35, v0  }
0x41: {  	v38 =	vld [tilespmem:s31+$0x1980]  }
0x42: {  	v0 =	vadd.f32 v36, v0  }
0x43: {  	v39 =	vld [tilespmem:s31+$0x1A00]  }
0x44: {  	v0 =	vadd.f32 v37, v0  }
0x45: {  	v40 =	vld [tilespmem:s31+$0x1A80]  }
0x46: {  	v0 =	vadd.f32 v38, v0  }
0x47: {  	v41 =	vld [tilespmem:s31+$0x1B00]  }
0x48: {  	v0 =	vadd.f32 v39, v0  }
0x49: {  	v42 =	vld [tilespmem:s31+$0x1B80]  }
0x4a: {  	v0 =	vadd.f32 v40, v0  }
0x4b: {  	v43 =	vld [tilespmem:s31+$0x1C00]  }
0x4c: {  	v0 =	vadd.f32 v41, v0  }
0x4d: {  	v44 =	vld [tilespmem:s31+$0x1C80]  }
0x4e: {  	v0 =	vadd.f32 v42, v0  }
0x4f: {  	v45 =	vld [tilespmem:s31+$0x1D00]  }
0x50: {  	v0 =	vadd.f32 v43, v0  }
0x51: {  	v46 =	vld [tilespmem:s31+$0x1D80]  }
0x52: {  	v0 =	vadd.f32 v44, v0  }
0x53: {  	v47 =	vld [tilespmem:s31+$0x1E00]  }
0x54: {  	v0 =	vadd.f32 v45, v0  }
0x55: {  	v48 =	vld [tilespmem:s31+$0x1E80]  }
0x56: {  	v0 =	vadd.f32 v46, v0  }
0x57: {  	v49 =	vld [tilespmem:s31+$0x1F00]  }
0x58: {  	v0 =	vadd.f32 v47, v0  }
0x59: {  	v50 =	vld [tilespmem:s31+$0x1F80]  }
0x5a: {  	v0 =	vadd.f32 v48, v0  }
0x5b: {  	v51 =	vld [tilespmem:s31+$0x2000]  }
0x5c: {  	v0 =	vadd.f32 v49, v0  }
0x5d: {  	v52 =	vld [tilespmem:s31+$0x2080]  }
0x5e: {  	v0 =	vadd.f32 v50, v0  }
0x5f: {  	v53 =	vld [tilespmem:s31+$0x2100]  }
0x60: {  	v0 =	vadd.f32 v51, v0  }
0x61: {  	v54 =	vld [tilespmem:s31+$0x2180]  }
0x62: {  	v0 =	vadd.f32 v52, v0  }
0x63: {  	v55 =	vld [tilespmem:s31+$0x2200]  }
0x64: {  	v0 =	vadd.f32 v53, v0  }
0x65: {  	v56 =	vld [tilespmem:s31+$0x2280]  }
0x66: {  	v0 =	vadd.f32 v54, v0  }
0x67: {  	v57 =	vld [tilespmem:s31+$0x2300]  }
0x68: {  	v0 =	vadd.f32 v55, v0  }
0x69: {  	v58 =	vld [tilespmem:s31+$0x2380]  }
0x6a: {  	v0 =	vadd.f32 v56, v0  }
0x6b: {  	v59 =	vld [tilespmem:s31+$0x2400]  }
0x6c: {  	v0 =	vadd.f32 v57, v0  }
0x6d: {  	v60 =	vld [tilespmem:s31+$0x2480]  }
0x6e: {  	v0 =	vadd.f32 v58, v0  }
0x6f: {  	v61 =	vld [tilespmem:s31+$0x2500]  }
0x70: {  	v0 =	vadd.f32 v59, v0  }
0x71: {  	v62 =	vld [tilespmem:s31+$0x2580]  }
0x72: {  	v0 =	vadd.f32 v60, v0  }
0x73: {  	v63 =	vld [tilespmem:s31+$0x2600]  }
0x74: {  	v0 =	vadd.f32 v61, v0  }
0x75: {  	v6 =	vld [tilespmem:s31+$0x2680]  }
0x76: {  	v0 =	vadd.f32 v62, v0  }
0x77: {  	v7 =	vld [tilespmem:s31+$0x2700]  }
0x78: {  	v0 =	vadd.f32 v63, v0  }
0x79: {  	v8 =	vld [tilespmem:s31+$0x2780]  }
0x7a: {  	v0 =	vadd.f32 v6, v0  }
0x7b: {  	v9 =	vld [tilespmem:s31+$0x2800]  }
0x7c: {  	v0 =	vadd.f32 v7, v0  }
0x7d: {  	v10 =	vld [tilespmem:s31+$0x2880]  }
0x7e: {  	v0 =	vadd.f32 v8, v0;
	_ =	sdelay $0x1  }
0x7f: {  	v0 =	vadd.f32 v9, v0;
	_ =	sdelay $0x1  }
0x80: {  	v0 =	vadd.f32 v10, v0;
	_ =	sdelay $0x1  }
0x81: {  	v0 =	vmul.f32 $1.999999960e-02, v0;
	_ =	sdelay $0x1  }
0x82: {  	[tilespmem:s17+$0xFFFFFFC0] =	vst v0  }
0x83: {  	v0 =	vld [tilespmem:s31+$0x1010]  }
0x84: {  	v11 =	vld [tilespmem:s31+$0x1090];
	_ =	sdelay $0x1  }
0x85: {  	v12 =	vld [tilespmem:s31+$0x1110];
	_ =	sdelay $0x1  }
0x86: {  	v13 =	vld [tilespmem:s31+$0x1190]  }
0x87: {  	v0 =	vadd.f32 v11, v0  }
0x88: {  	v14 =	vld [tilespmem:s31+$0x1210]  }
0x89: {  	v0 =	vadd.f32 v12, v0  }
0x8a: {  	v15 =	vld [tilespmem:s31+$0x1290]  }
0x8b: {  	v0 =	vadd.f32 v13, v0  }
0x8c: {  	v16 =	vld [tilespmem:s31+$0x1310]  }
0x8d: {  	v0 =	vadd.f32 v14, v0  }
0x8e: {  	v17 =	vld [tilespmem:s31+$0x1390]  }
0x8f: {  	v0 =	vadd.f32 v15, v0  }
0x90: {  	v18 =	vld [tilespmem:s31+$0x1410]  }
0x91: {  	v0 =	vadd.f32 v16, v0  }
0x92: {  	v19 =	vld [tilespmem:s31+$0x1490]  }
0x93: {  	v0 =	vadd.f32 v17, v0  }
0x94: {  	v20 =	vld [tilespmem:s31+$0x1510]  }
0x95: {  	v0 =	vadd.f32 v18, v0  }
0x96: {  	v21 =	vld [tilespmem:s31+$0x1590]  }
0x97: {  	v0 =	vadd.f32 v19, v0  }
0x98: {  	v22 =	vld [tilespmem:s31+$0x1610]  }
0x99: {  	v0 =	vadd.f32 v20, v0  }
0x9a: {  	v23 =	vld [tilespmem:s31+$0x1690]  }
0x9b: {  	v0 =	vadd.f32 v21, v0  }
0x9c: {  	v24 =	vld [tilespmem:s31+$0x1710]  }
0x9d: {  	v0 =	vadd.f32 v22, v0  }
0x9e: {  	v25 =	vld [tilespmem:s31+$0x1790]  }
0x9f: {  	v0 =	vadd.f32 v23, v0  }
0xa0: {  	v26 =	vld [tilespmem:s31+$0x1810]  }
0xa1: {  	v0 =	vadd.f32 v24, v0  }
0xa2: {  	v27 =	vld [tilespmem:s31+$0x1890]  }
0xa3: {  	v0 =	vadd.f32 v25, v0  }
0xa4: {  	v28 =	vld [tilespmem:s31+$0x1910]  }
0xa5: {  	v0 =	vadd.f32 v26, v0  }
0xa6: {  	v29 =	vld [tilespmem:s31+$0x1990]  }
0xa7: {  	v0 =	vadd.f32 v27, v0  }
0xa8: {  	v30 =	vld [tilespmem:s31+$0x1A10]  }
0xa9: {  	v0 =	vadd.f32 v28, v0  }
0xaa: {  	v31 =	vld [tilespmem:s31+$0x1A90]  }
0xab: {  	v0 =	vadd.f32 v29, v0  }
0xac: {  	v32 =	vld [tilespmem:s31+$0x1B10]  }
0xad: {  	v0 =	vadd.f32 v30, v0  }
0xae: {  	v33 =	vld [tilespmem:s31+$0x1B90]  }
0xaf: {  	v0 =	vadd.f32 v31, v0  }
0xb0: {  	v34 =	vld [tilespmem:s31+$0x1C10]  }
0xb1: {  	v0 =	vadd.f32 v32, v0  }
0xb2: {  	v35 =	vld [tilespmem:s31+$0x1C90]  }
0xb3: {  	v0 =	vadd.f32 v33, v0  }
0xb4: {  	v36 =	vld [tilespmem:s31+$0x1D10]  }
0xb5: {  	v0 =	vadd.f32 v34, v0  }
0xb6: {  	v37 =	vld [tilespmem:s31+$0x1D90]  }
0xb7: {  	v0 =	vadd.f32 v35, v0  }
0xb8: {  	v38 =	vld [tilespmem:s31+$0x1E10]  }
0xb9: {  	v0 =	vadd.f32 v36, v0  }
0xba: {  	v39 =	vld [tilespmem:s31+$0x1E90]  }
0xbb: {  	v0 =	vadd.f32 v37, v0  }
0xbc: {  	v40 =	vld [tilespmem:s31+$0x1F10]  }
0xbd: {  	v0 =	vadd.f32 v38, v0  }
0xbe: {  	v41 =	vld [tilespmem:s31+$0x1F90]  }
0xbf: {  	v0 =	vadd.f32 v39, v0  }
0xc0: {  	v42 =	vld [tilespmem:s31+$0x2010]  }
0xc1: {  	v0 =	vadd.f32 v40, v0  }
0xc2: {  	v43 =	vld [tilespmem:s31+$0x2090]  }
0xc3: {  	v0 =	vadd.f32 v41, v0  }
0xc4: {  	v44 =	vld [tilespmem:s31+$0x2110]  }
0xc5: {  	v0 =	vadd.f32 v42, v0  }
0xc6: {  	v45 =	vld [tilespmem:s31+$0x2190]  }
0xc7: {  	v0 =	vadd.f32 v43, v0  }
0xc8: {  	v46 =	vld [tilespmem:s31+$0x2210]  }
0xc9: {  	v0 =	vadd.f32 v44, v0  }
0xca: {  	v47 =	vld [tilespmem:s31+$0x2290]  }
0xcb: {  	v0 =	vadd.f32 v45, v0  }
0xcc: {  	v48 =	vld [tilespmem:s31+$0x2310]  }
0xcd: {  	v0 =	vadd.f32 v46, v0  }
0xce: {  	v49 =	vld [tilespmem:s31+$0x2390]  }
0xcf: {  	v0 =	vadd.f32 v47, v0  }
0xd0: {  	v50 =	vld [tilespmem:s31+$0x2410]  }
0xd1: {  	v0 =	vadd.f32 v48, v0  }
0xd2: {  	v51 =	vld [tilespmem:s31+$0x2490]  }
0xd3: {  	v0 =	vadd.f32 v49, v0  }
0xd4: {  	v52 =	vld [tilespmem:s31+$0x2510]  }
0xd5: {  	v0 =	vadd.f32 v50, v0  }
0xd6: {  	v53 =	vld [tilespmem:s31+$0x2590]  }
0xd7: {  	v0 =	vadd.f32 v51, v0  }
0xd8: {  	v54 =	vld [tilespmem:s31+$0x2610]  }
0xd9: {  	v0 =	vadd.f32 v52, v0  }
0xda: {  	v55 =	vld [tilespmem:s31+$0x2690]  }
0xdb: {  	v0 =	vadd.f32 v53, v0  }
0xdc: {  	v56 =	vld [tilespmem:s31+$0x2710]  }
0xdd: {  	v0 =	vadd.f32 v54, v0  }
0xde: {  	v57 =	vld [tilespmem:s31+$0x2790]  }
0xdf: {  	v0 =	vadd.f32 v55, v0  }
0xe0: {  	v58 =	vld [tilespmem:s31+$0x2810]  }
0xe1: {  	v0 =	vadd.f32 v56, v0  }
0xe2: {  	v59 =	vld [tilespmem:s31+$0x2890]  }
0xe3: {  	v0 =	vadd.f32 v57, v0;
	_ =	sdelay $0x1  }
0xe4: {  	v0 =	vadd.f32 v58, v0;
	_ =	sdelay $0x1  }
0xe5: {  	v0 =	vadd.f32 v59, v0;
	_ =	sdelay $0x1  }
0xe6: {  	v0 =	vmul.f32 $1.999999960e-02, v0;
	_ =	sdelay $0x1  }
0xe7: {  	[tilespmem:s17+$0xFFFFFFD0] =	vst v0  }
0xe8: {  	v0 =	vld [tilespmem:s31+$0x1020]  }
0xe9: {  	v60 =	vld [tilespmem:s31+$0x10A0];
	_ =	sdelay $0x1  }
0xea: {  	v61 =	vld [tilespmem:s31+$0x1120];
	_ =	sdelay $0x1  }
0xeb: {  	v62 =	vld [tilespmem:s31+$0x11A0]  }
0xec: {  	v0 =	vadd.f32 v60, v0  }
0xed: {  	v63 =	vld [tilespmem:s31+$0x1220]  }
0xee: {  	v0 =	vadd.f32 v61, v0  }
0xef: {  	v6 =	vld [tilespmem:s31+$0x12A0]  }
0xf0: {  	v0 =	vadd.f32 v62, v0  }
0xf1: {  	v7 =	vld [tilespmem:s31+$0x1320]  }
0xf2: {  	v0 =	vadd.f32 v63, v0  }
0xf3: {  	v8 =	vld [tilespmem:s31+$0x13A0]  }
0xf4: {  	v0 =	vadd.f32 v6, v0  }
0xf5: {  	v9 =	vld [tilespmem:s31+$0x1420]  }
0xf6: {  	v0 =	vadd.f32 v7, v0  }
0xf7: {  	v10 =	vld [tilespmem:s31+$0x14A0]  }
0xf8: {  	v0 =	vadd.f32 v8, v0  }
0xf9: {  	v11 =	vld [tilespmem:s31+$0x1520]  }
0xfa: {  	v0 =	vadd.f32 v9, v0  }
0xfb: {  	v12 =	vld [tilespmem:s31+$0x15A0]  }
0xfc: {  	v0 =	vadd.f32 v10, v0  }
0xfd: {  	v13 =	vld [tilespmem:s31+$0x1620]  }
0xfe: {  	v0 =	vadd.f32 v11, v0  }
0xff: {  	v14 =	vld [tilespmem:s31+$0x16A0]  }
0x100: {  	v0 =	vadd.f32 v12, v0  }
0x101: {  	v15 =	vld [tilespmem:s31+$0x1720]  }
0x102: {  	v0 =	vadd.f32 v13, v0  }
0x103: {  	v16 =	vld [tilespmem:s31+$0x17A0]  }
0x104: {  	v0 =	vadd.f32 v14, v0  }
0x105: {  	v17 =	vld [tilespmem:s31+$0x1820]  }
0x106: {  	v0 =	vadd.f32 v15, v0  }
0x107: {  	v18 =	vld [tilespmem:s31+$0x18A0]  }
0x108: {  	v0 =	vadd.f32 v16, v0  }
0x109: {  	v19 =	vld [tilespmem:s31+$0x1920]  }
0x10a: {  	v0 =	vadd.f32 v17, v0  }
0x10b: {  	v20 =	vld [tilespmem:s31+$0x19A0]  }
0x10c: {  	v0 =	vadd.f32 v18, v0  }
0x10d: {  	v21 =	vld [tilespmem:s31+$0x1A20]  }
0x10e: {  	v0 =	vadd.f32 v19, v0  }
0x10f: {  	v22 =	vld [tilespmem:s31+$0x1AA0]  }
0x110: {  	v0 =	vadd.f32 v20, v0  }
0x111: {  	v23 =	vld [tilespmem:s31+$0x1B20]  }
0x112: {  	v0 =	vadd.f32 v21, v0  }
0x113: {  	v24 =	vld [tilespmem:s31+$0x1BA0]  }
0x114: {  	v0 =	vadd.f32 v22, v0  }
0x115: {  	v25 =	vld [tilespmem:s31+$0x1C20]  }
0x116: {  	v0 =	vadd.f32 v23, v0  }
0x117: {  	v26 =	vld [tilespmem:s31+$0x1CA0]  }
0x118: {  	v0 =	vadd.f32 v24, v0  }
0x119: {  	v27 =	vld [tilespmem:s31+$0x1D20]  }
0x11a: {  	v0 =	vadd.f32 v25, v0  }
0x11b: {  	v28 =	vld [tilespmem:s31+$0x1DA0]  }
0x11c: {  	v0 =	vadd.f32 v26, v0  }
0x11d: {  	v29 =	vld [tilespmem:s31+$0x1E20]  }
0x11e: {  	v0 =	vadd.f32 v27, v0  }
0x11f: {  	v30 =	vld [tilespmem:s31+$0x1EA0]  }
0x120: {  	v0 =	vadd.f32 v28, v0  }
0x121: {  	v31 =	vld [tilespmem:s31+$0x1F20]  }
0x122: {  	v0 =	vadd.f32 v29, v0  }
0x123: {  	v32 =	vld [tilespmem:s31+$0x1FA0]  }
0x124: {  	v0 =	vadd.f32 v30, v0  }
0x125: {  	v33 =	vld [tilespmem:s31+$0x2020]  }
0x126: {  	v0 =	vadd.f32 v31, v0  }
0x127: {  	v34 =	vld [tilespmem:s31+$0x20A0]  }
0x128: {  	v0 =	vadd.f32 v32, v0  }
0x129: {  	v35 =	vld [tilespmem:s31+$0x2120]  }
0x12a: {  	v0 =	vadd.f32 v33, v0  }
0x12b: {  	v36 =	vld [tilespmem:s31+$0x21A0]  }
0x12c: {  	v0 =	vadd.f32 v34, v0  }
0x12d: {  	v37 =	vld [tilespmem:s31+$0x2220]  }
0x12e: {  	v0 =	vadd.f32 v35, v0  }
0x12f: {  	v38 =	vld [tilespmem:s31+$0x22A0]  }
0x130: {  	v0 =	vadd.f32 v36, v0  }
0x131: {  	v39 =	vld [tilespmem:s31+$0x2320]  }
0x132: {  	v0 =	vadd.f32 v37, v0  }
0x133: {  	v40 =	vld [tilespmem:s31+$0x23A0]  }
0x134: {  	v0 =	vadd.f32 v38, v0  }
0x135: {  	v41 =	vld [tilespmem:s31+$0x2420]  }
0x136: {  	v0 =	vadd.f32 v39, v0  }
0x137: {  	v42 =	vld [tilespmem:s31+$0x24A0]  }
0x138: {  	v0 =	vadd.f32 v40, v0  }
0x139: {  	v43 =	vld [tilespmem:s31+$0x2520]  }
0x13a: {  	v0 =	vadd.f32 v41, v0  }
0x13b: {  	v44 =	vld [tilespmem:s31+$0x25A0]  }
0x13c: {  	v0 =	vadd.f32 v42, v0  }
0x13d: {  	v45 =	vld [tilespmem:s31+$0x2620]  }
0x13e: {  	v0 =	vadd.f32 v43, v0  }
0x13f: {  	v46 =	vld [tilespmem:s31+$0x26A0]  }
0x140: {  	v0 =	vadd.f32 v44, v0  }
0x141: {  	v47 =	vld [tilespmem:s31+$0x2720]  }
0x142: {  	v0 =	vadd.f32 v45, v0  }
0x143: {  	v48 =	vld [tilespmem:s31+$0x27A0]  }
0x144: {  	v0 =	vadd.f32 v46, v0  }
0x145: {  	v49 =	vld [tilespmem:s31+$0x2820]  }
0x146: {  	v0 =	vadd.f32 v47, v0  }
0x147: {  	v50 =	vld [tilespmem:s31+$0x28A0]  }
0x148: {  	v0 =	vadd.f32 v48, v0;
	_ =	sdelay $0x1  }
0x149: {  	v0 =	vadd.f32 v49, v0;
	_ =	sdelay $0x1  }
0x14a: {  	v0 =	vadd.f32 v50, v0;
	_ =	sdelay $0x1  }
0x14b: {  	v0 =	vmul.f32 $1.999999960e-02, v0;
	_ =	sdelay $0x1  }
0x14c: {  	[tilespmem:s17+$0xFFFFFFE0] =	vst v0  }
0x14d: {  	v0 =	vld [tilespmem:s31+$0x1030]  }
0x14e: {  	v51 =	vld [tilespmem:s31+$0x10B0];
	_ =	sdelay $0x1  }
0x14f: {  	v52 =	vld [tilespmem:s31+$0x1130];
	_ =	sdelay $0x1  }
0x150: {  	v53 =	vld [tilespmem:s31+$0x11B0]  }
0x151: {  	v0 =	vadd.f32 v51, v0  }
0x152: {  	v54 =	vld [tilespmem:s31+$0x1230]  }
0x153: {  	v0 =	vadd.f32 v52, v0  }
0x154: {  	v55 =	vld [tilespmem:s31+$0x12B0]  }
0x155: {  	v0 =	vadd.f32 v53, v0  }
0x156: {  	v56 =	vld [tilespmem:s31+$0x1330]  }
0x157: {  	v0 =	vadd.f32 v54, v0  }
0x158: {  	v57 =	vld [tilespmem:s31+$0x13B0]  }
0x159: {  	v0 =	vadd.f32 v55, v0  }
0x15a: {  	v58 =	vld [tilespmem:s31+$0x1430]  }
0x15b: {  	v0 =	vadd.f32 v56, v0  }
0x15c: {  	v59 =	vld [tilespmem:s31+$0x14B0]  }
0x15d: {  	v0 =	vadd.f32 v57, v0  }
0x15e: {  	v60 =	vld [tilespmem:s31+$0x1530]  }
0x15f: {  	v0 =	vadd.f32 v58, v0  }
0x160: {  	v61 =	vld [tilespmem:s31+$0x15B0]  }
0x161: {  	v0 =	vadd.f32 v59, v0  }
0x162: {  	v62 =	vld [tilespmem:s31+$0x1630]  }
0x163: {  	v0 =	vadd.f32 v60, v0  }
0x164: {  	v63 =	vld [tilespmem:s31+$0x16B0]  }
0x165: {  	v0 =	vadd.f32 v61, v0  }
0x166: {  	v6 =	vld [tilespmem:s31+$0x1730]  }
0x167: {  	v0 =	vadd.f32 v62, v0  }
0x168: {  	v7 =	vld [tilespmem:s31+$0x17B0]  }
0x169: {  	v0 =	vadd.f32 v63, v0  }
0x16a: {  	v8 =	vld [tilespmem:s31+$0x1830]  }
0x16b: {  	v0 =	vadd.f32 v6, v0  }
0x16c: {  	v9 =	vld [tilespmem:s31+$0x18B0]  }
0x16d: {  	v0 =	vadd.f32 v7, v0  }
0x16e: {  	v10 =	vld [tilespmem:s31+$0x1930]  }
0x16f: {  	v0 =	vadd.f32 v8, v0  }
0x170: {  	v11 =	vld [tilespmem:s31+$0x19B0]  }
0x171: {  	v0 =	vadd.f32 v9, v0  }
0x172: {  	v12 =	vld [tilespmem:s31+$0x1A30]  }
0x173: {  	v0 =	vadd.f32 v10, v0  }
0x174: {  	v13 =	vld [tilespmem:s31+$0x1AB0]  }
0x175: {  	v0 =	vadd.f32 v11, v0  }
0x176: {  	v14 =	vld [tilespmem:s31+$0x1B30]  }
0x177: {  	v0 =	vadd.f32 v12, v0  }
0x178: {  	v15 =	vld [tilespmem:s31+$0x1BB0]  }
0x179: {  	v0 =	vadd.f32 v13, v0  }
0x17a: {  	v16 =	vld [tilespmem:s31+$0x1C30]  }
0x17b: {  	v0 =	vadd.f32 v14, v0  }
0x17c: {  	v17 =	vld [tilespmem:s31+$0x1CB0]  }
0x17d: {  	v0 =	vadd.f32 v15, v0  }
0x17e: {  	v18 =	vld [tilespmem:s31+$0x1D30]  }
0x17f: {  	v0 =	vadd.f32 v16, v0  }
0x180: {  	v19 =	vld [tilespmem:s31+$0x1DB0]  }
0x181: {  	v0 =	vadd.f32 v17, v0  }
0x182: {  	v20 =	vld [tilespmem:s31+$0x1E30]  }
0x183: {  	v0 =	vadd.f32 v18, v0  }
0x184: {  	v21 =	vld [tilespmem:s31+$0x1EB0]  }
0x185: {  	v0 =	vadd.f32 v19, v0  }
0x186: {  	v22 =	vld [tilespmem:s31+$0x1F30]  }
0x187: {  	v0 =	vadd.f32 v20, v0  }
0x188: {  	v23 =	vld [tilespmem:s31+$0x1FB0]  }
0x189: {  	v0 =	vadd.f32 v21, v0  }
0x18a: {  	v24 =	vld [tilespmem:s31+$0x2030]  }
0x18b: {  	v0 =	vadd.f32 v22, v0  }
0x18c: {  	v25 =	vld [tilespmem:s31+$0x20B0]  }
0x18d: {  	v0 =	vadd.f32 v23, v0  }
0x18e: {  	v26 =	vld [tilespmem:s31+$0x2130]  }
0x18f: {  	v0 =	vadd.f32 v24, v0  }
0x190: {  	v27 =	vld [tilespmem:s31+$0x21B0]  }
0x191: {  	v0 =	vadd.f32 v25, v0  }
0x192: {  	v28 =	vld [tilespmem:s31+$0x2230]  }
0x193: {  	v0 =	vadd.f32 v26, v0  }
0x194: {  	v29 =	vld [tilespmem:s31+$0x22B0]  }
0x195: {  	v0 =	vadd.f32 v27, v0  }
0x196: {  	v30 =	vld [tilespmem:s31+$0x2330]  }
0x197: {  	v0 =	vadd.f32 v28, v0  }
0x198: {  	v31 =	vld [tilespmem:s31+$0x23B0]  }
0x199: {  	v0 =	vadd.f32 v29, v0  }
0x19a: {  	v32 =	vld [tilespmem:s31+$0x2430]  }
0x19b: {  	v0 =	vadd.f32 v30, v0  }
0x19c: {  	v33 =	vld [tilespmem:s31+$0x24B0]  }
0x19d: {  	v0 =	vadd.f32 v31, v0  }
0x19e: {  	v34 =	vld [tilespmem:s31+$0x2530]  }
0x19f: {  	v0 =	vadd.f32 v32, v0  }
0x1a0: {  	v35 =	vld [tilespmem:s31+$0x25B0]  }
0x1a1: {  	v0 =	vadd.f32 v33, v0  }
0x1a2: {  	v36 =	vld [tilespmem:s31+$0x2630]  }
0x1a3: {  	v0 =	vadd.f32 v34, v0  }
0x1a4: {  	v37 =	vld [tilespmem:s31+$0x26B0]  }
0x1a5: {  	v0 =	vadd.f32 v35, v0  }
0x1a6: {  	v38 =	vld [tilespmem:s31+$0x2730]  }
0x1a7: {  	v0 =	vadd.f32 v36, v0  }
0x1a8: {  	v39 =	vld [tilespmem:s31+$0x27B0]  }
0x1a9: {  	v0 =	vadd.f32 v37, v0  }
0x1aa: {  	v40 =	vld [tilespmem:s31+$0x2830]  }
0x1ab: {  	v0 =	vadd.f32 v38, v0  }
0x1ac: {  	v41 =	vld [tilespmem:s31+$0x28B0]  }
0x1ad: {  	v0 =	vadd.f32 v39, v0;
	_ =	sdelay $0x1  }
0x1ae: {  	v0 =	vadd.f32 v40, v0;
	_ =	sdelay $0x1  }
0x1af: {  	v0 =	vadd.f32 v41, v0;
	_ =	sdelay $0x1  }
0x1b0: {  	v0 =	vmul.f32 $1.999999960e-02, v0;
	_ =	sdelay $0x1  }
0x1b1: {  	[tilespmem:s17+$0xFFFFFFF0] =	vst v0  }
0x1b2: {  	v0 =	vld [tilespmem:s31+$0x1040]  }
0x1b3: {  	v42 =	vld [tilespmem:s31+$0x10C0];
	_ =	sdelay $0x1  }
0x1b4: {  	v43 =	vld [tilespmem:s31+$0x1140];
	_ =	sdelay $0x1  }
0x1b5: {  	v44 =	vld [tilespmem:s31+$0x11C0]  }
0x1b6: {  	v0 =	vadd.f32 v42, v0  }
0x1b7: {  	v45 =	vld [tilespmem:s31+$0x1240]  }
0x1b8: {  	v0 =	vadd.f32 v43, v0  }
0x1b9: {  	v46 =	vld [tilespmem:s31+$0x12C0]  }
0x1ba: {  	v0 =	vadd.f32 v44, v0  }
0x1bb: {  	v47 =	vld [tilespmem:s31+$0x1340]  }
0x1bc: {  	v0 =	vadd.f32 v45, v0  }
0x1bd: {  	v48 =	vld [tilespmem:s31+$0x13C0]  }
0x1be: {  	v0 =	vadd.f32 v46, v0  }
0x1bf: {  	v49 =	vld [tilespmem:s31+$0x1440]  }
0x1c0: {  	v0 =	vadd.f32 v47, v0  }
0x1c1: {  	v50 =	vld [tilespmem:s31+$0x14C0]  }
0x1c2: {  	v0 =	vadd.f32 v48, v0  }
0x1c3: {  	v51 =	vld [tilespmem:s31+$0x1540]  }
0x1c4: {  	v0 =	vadd.f32 v49, v0  }
0x1c5: {  	v52 =	vld [tilespmem:s31+$0x15C0]  }
0x1c6: {  	v0 =	vadd.f32 v50, v0  }
0x1c7: {  	v53 =	vld [tilespmem:s31+$0x1640]  }
0x1c8: {  	v0 =	vadd.f32 v51, v0  }
0x1c9: {  	v54 =	vld [tilespmem:s31+$0x16C0]  }
0x1ca: {  	v0 =	vadd.f32 v52, v0  }
0x1cb: {  	v55 =	vld [tilespmem:s31+$0x1740]  }
0x1cc: {  	v0 =	vadd.f32 v53, v0  }
0x1cd: {  	v56 =	vld [tilespmem:s31+$0x17C0]  }
0x1ce: {  	v0 =	vadd.f32 v54, v0  }
0x1cf: {  	v57 =	vld [tilespmem:s31+$0x1840]  }
0x1d0: {  	v0 =	vadd.f32 v55, v0  }
0x1d1: {  	v58 =	vld [tilespmem:s31+$0x18C0]  }
0x1d2: {  	v0 =	vadd.f32 v56, v0  }
0x1d3: {  	v59 =	vld [tilespmem:s31+$0x1940]  }
0x1d4: {  	v0 =	vadd.f32 v57, v0  }
0x1d5: {  	v60 =	vld [tilespmem:s31+$0x19C0]  }
0x1d6: {  	v0 =	vadd.f32 v58, v0  }
0x1d7: {  	v61 =	vld [tilespmem:s31+$0x1A40]  }
0x1d8: {  	v0 =	vadd.f32 v59, v0  }
0x1d9: {  	v62 =	vld [tilespmem:s31+$0x1AC0]  }
0x1da: {  	v0 =	vadd.f32 v60, v0  }
0x1db: {  	v63 =	vld [tilespmem:s31+$0x1B40]  }
0x1dc: {  	v0 =	vadd.f32 v61, v0  }
0x1dd: {  	v6 =	vld [tilespmem:s31+$0x1BC0]  }
0x1de: {  	v0 =	vadd.f32 v62, v0  }
0x1df: {  	v7 =	vld [tilespmem:s31+$0x1C40]  }
0x1e0: {  	v0 =	vadd.f32 v63, v0  }
0x1e1: {  	v8 =	vld [tilespmem:s31+$0x1CC0]  }
0x1e2: {  	v0 =	vadd.f32 v6, v0  }
0x1e3: {  	v9 =	vld [tilespmem:s31+$0x1D40]  }
0x1e4: {  	v0 =	vadd.f32 v7, v0  }
0x1e5: {  	v10 =	vld [tilespmem:s31+$0x1DC0]  }
0x1e6: {  	v0 =	vadd.f32 v8, v0  }
0x1e7: {  	v11 =	vld [tilespmem:s31+$0x1E40]  }
0x1e8: {  	v0 =	vadd.f32 v9, v0  }
0x1e9: {  	v12 =	vld [tilespmem:s31+$0x1EC0]  }
0x1ea: {  	v0 =	vadd.f32 v10, v0  }
0x1eb: {  	v13 =	vld [tilespmem:s31+$0x1F40]  }
0x1ec: {  	v0 =	vadd.f32 v11, v0  }
0x1ed: {  	v14 =	vld [tilespmem:s31+$0x1FC0]  }
0x1ee: {  	v0 =	vadd.f32 v12, v0  }
0x1ef: {  	v15 =	vld [tilespmem:s31+$0x2040]  }
0x1f0: {  	v0 =	vadd.f32 v13, v0  }
0x1f1: {  	v16 =	vld [tilespmem:s31+$0x20C0]  }
0x1f2: {  	v0 =	vadd.f32 v14, v0  }
0x1f3: {  	v17 =	vld [tilespmem:s31+$0x2140]  }
0x1f4: {  	v0 =	vadd.f32 v15, v0  }
0x1f5: {  	v18 =	vld [tilespmem:s31+$0x21C0]  }
0x1f6: {  	v0 =	vadd.f32 v16, v0  }
0x1f7: {  	v19 =	vld [tilespmem:s31+$0x2240]  }
0x1f8: {  	v0 =	vadd.f32 v17, v0  }
0x1f9: {  	v20 =	vld [tilespmem:s31+$0x22C0]  }
0x1fa: {  	v0 =	vadd.f32 v18, v0  }
0x1fb: {  	v21 =	vld [tilespmem:s31+$0x2340]  }
0x1fc: {  	v0 =	vadd.f32 v19, v0  }
0x1fd: {  	v22 =	vld [tilespmem:s31+$0x23C0]  }
0x1fe: {  	v0 =	vadd.f32 v20, v0  }
0x1ff: {  	v23 =	vld [tilespmem:s31+$0x2440]  }
0x200: {  	v0 =	vadd.f32 v21, v0  }
0x201: {  	v24 =	vld [tilespmem:s31+$0x24C0]  }
0x202: {  	v0 =	vadd.f32 v22, v0  }
0x203: {  	v25 =	vld [tilespmem:s31+$0x2540]  }
0x204: {  	v0 =	vadd.f32 v23, v0  }
0x205: {  	v26 =	vld [tilespmem:s31+$0x25C0]  }
0x206: {  	v0 =	vadd.f32 v24, v0  }
0x207: {  	v27 =	vld [tilespmem:s31+$0x2640]  }
0x208: {  	v0 =	vadd.f32 v25, v0  }
0x209: {  	v28 =	vld [tilespmem:s31+$0x26C0]  }
0x20a: {  	v0 =	vadd.f32 v26, v0  }
0x20b: {  	v29 =	vld [tilespmem:s31+$0x2740]  }
0x20c: {  	v0 =	vadd.f32 v27, v0  }
0x20d: {  	v30 =	vld [tilespmem:s31+$0x27C0]  }
0x20e: {  	v0 =	vadd.f32 v28, v0  }
0x20f: {  	v31 =	vld [tilespmem:s31+$0x2840]  }
0x210: {  	v0 =	vadd.f32 v29, v0  }
0x211: {  	v32 =	vld [tilespmem:s31+$0x28C0]  }
0x212: {  	v0 =	vadd.f32 v30, v0;
	_ =	sdelay $0x1  }
0x213: {  	v0 =	vadd.f32 v31, v0;
	_ =	sdelay $0x1  }
0x214: {  	v0 =	vadd.f32 v32, v0;
	_ =	sdelay $0x1  }
0x215: {  	v0 =	vmul.f32 $1.999999960e-02, v0;
	_ =	sdelay $0x1  }
0x216: {  	[tilespmem:s17+$0x0] =	vst v0  }
0x217: {  	v0 =	vld [tilespmem:s31+$0x1050]  }
0x218: {  	v33 =	vld [tilespmem:s31+$0x10D0];
	_ =	sdelay $0x1  }
0x219: {  	v34 =	vld [tilespmem:s31+$0x1150];
	_ =	sdelay $0x1  }
0x21a: {  	v35 =	vld [tilespmem:s31+$0x11D0]  }
0x21b: {  	v0 =	vadd.f32 v33, v0  }
0x21c: {  	v36 =	vld [tilespmem:s31+$0x1250]  }
0x21d: {  	v0 =	vadd.f32 v34, v0  }
0x21e: {  	v37 =	vld [tilespmem:s31+$0x12D0]  }
0x21f: {  	v0 =	vadd.f32 v35, v0  }
0x220: {  	v38 =	vld [tilespmem:s31+$0x1350]  }
0x221: {  	v0 =	vadd.f32 v36, v0  }
0x222: {  	v39 =	vld [tilespmem:s31+$0x13D0]  }
0x223: {  	v0 =	vadd.f32 v37, v0  }
0x224: {  	v40 =	vld [tilespmem:s31+$0x1450]  }
0x225: {  	v0 =	vadd.f32 v38, v0  }
0x226: {  	v41 =	vld [tilespmem:s31+$0x14D0]  }
0x227: {  	v0 =	vadd.f32 v39, v0  }
0x228: {  	v42 =	vld [tilespmem:s31+$0x1550]  }
0x229: {  	v0 =	vadd.f32 v40, v0  }
0x22a: {  	v43 =	vld [tilespmem:s31+$0x15D0]  }
0x22b: {  	v0 =	vadd.f32 v41, v0  }
0x22c: {  	v44 =	vld [tilespmem:s31+$0x1650]  }
0x22d: {  	v0 =	vadd.f32 v42, v0  }
0x22e: {  	v45 =	vld [tilespmem:s31+$0x16D0]  }
0x22f: {  	v0 =	vadd.f32 v43, v0  }
0x230: {  	v46 =	vld [tilespmem:s31+$0x1750]  }
0x231: {  	v0 =	vadd.f32 v44, v0  }
0x232: {  	v47 =	vld [tilespmem:s31+$0x17D0]  }
0x233: {  	v0 =	vadd.f32 v45, v0  }
0x234: {  	v48 =	vld [tilespmem:s31+$0x1850]  }
0x235: {  	v0 =	vadd.f32 v46, v0  }
0x236: {  	v49 =	vld [tilespmem:s31+$0x18D0]  }
0x237: {  	v0 =	vadd.f32 v47, v0  }
0x238: {  	v50 =	vld [tilespmem:s31+$0x1950]  }
0x239: {  	v0 =	vadd.f32 v48, v0  }
0x23a: {  	v51 =	vld [tilespmem:s31+$0x19D0]  }
0x23b: {  	v0 =	vadd.f32 v49, v0  }
0x23c: {  	v52 =	vld [tilespmem:s31+$0x1A50]  }
0x23d: {  	v0 =	vadd.f32 v50, v0  }
0x23e: {  	v53 =	vld [tilespmem:s31+$0x1AD0]  }
0x23f: {  	v0 =	vadd.f32 v51, v0  }
0x240: {  	v54 =	vld [tilespmem:s31+$0x1B50]  }
0x241: {  	v0 =	vadd.f32 v52, v0  }
0x242: {  	v55 =	vld [tilespmem:s31+$0x1BD0]  }
0x243: {  	v0 =	vadd.f32 v53, v0  }
0x244: {  	v56 =	vld [tilespmem:s31+$0x1C50]  }
0x245: {  	v0 =	vadd.f32 v54, v0  }
0x246: {  	v57 =	vld [tilespmem:s31+$0x1CD0]  }
0x247: {  	v0 =	vadd.f32 v55, v0  }
0x248: {  	v58 =	vld [tilespmem:s31+$0x1D50]  }
0x249: {  	v0 =	vadd.f32 v56, v0  }
0x24a: {  	v59 =	vld [tilespmem:s31+$0x1DD0]  }
0x24b: {  	v0 =	vadd.f32 v57, v0  }
0x24c: {  	v60 =	vld [tilespmem:s31+$0x1E50]  }
0x24d: {  	v0 =	vadd.f32 v58, v0  }
0x24e: {  	v61 =	vld [tilespmem:s31+$0x1ED0]  }
0x24f: {  	v0 =	vadd.f32 v59, v0  }
0x250: {  	v62 =	vld [tilespmem:s31+$0x1F50]  }
0x251: {  	v0 =	vadd.f32 v60, v0  }
0x252: {  	v63 =	vld [tilespmem:s31+$0x1FD0]  }
0x253: {  	v0 =	vadd.f32 v61, v0  }
0x254: {  	v6 =	vld [tilespmem:s31+$0x2050]  }
0x255: {  	v0 =	vadd.f32 v62, v0  }
0x256: {  	v7 =	vld [tilespmem:s31+$0x20D0]  }
0x257: {  	v0 =	vadd.f32 v63, v0  }
0x258: {  	v8 =	vld [tilespmem:s31+$0x2150]  }
0x259: {  	v0 =	vadd.f32 v6, v0  }
0x25a: {  	v9 =	vld [tilespmem:s31+$0x21D0]  }
0x25b: {  	v0 =	vadd.f32 v7, v0  }
0x25c: {  	v10 =	vld [tilespmem:s31+$0x2250]  }
0x25d: {  	v0 =	vadd.f32 v8, v0  }
0x25e: {  	v11 =	vld [tilespmem:s31+$0x22D0]  }
0x25f: {  	v0 =	vadd.f32 v9, v0  }
0x260: {  	v12 =	vld [tilespmem:s31+$0x2350]  }
0x261: {  	v0 =	vadd.f32 v10, v0  }
0x262: {  	v13 =	vld [tilespmem:s31+$0x23D0]  }
0x263: {  	v0 =	vadd.f32 v11, v0  }
0x264: {  	v14 =	vld [tilespmem:s31+$0x2450]  }
0x265: {  	v0 =	vadd.f32 v12, v0  }
0x266: {  	v15 =	vld [tilespmem:s31+$0x24D0]  }
0x267: {  	v0 =	vadd.f32 v13, v0  }
0x268: {  	v16 =	vld [tilespmem:s31+$0x2550]  }
0x269: {  	v0 =	vadd.f32 v14, v0  }
0x26a: {  	v17 =	vld [tilespmem:s31+$0x25D0]  }
0x26b: {  	v0 =	vadd.f32 v15, v0  }
0x26c: {  	v18 =	vld [tilespmem:s31+$0x2650]  }
0x26d: {  	v0 =	vadd.f32 v16, v0  }
0x26e: {  	v19 =	vld [tilespmem:s31+$0x26D0]  }
0x26f: {  	v0 =	vadd.f32 v17, v0  }
0x270: {  	v20 =	vld [tilespmem:s31+$0x2750]  }
0x271: {  	v0 =	vadd.f32 v18, v0  }
0x272: {  	v21 =	vld [tilespmem:s31+$0x27D0]  }
0x273: {  	v0 =	vadd.f32 v19, v0  }
0x274: {  	v22 =	vld [tilespmem:s31+$0x2850]  }
0x275: {  	v0 =	vadd.f32 v20, v0  }
0x276: {  	v23 =	vld [tilespmem:s31+$0x28D0]  }
0x277: {  	v0 =	vadd.f32 v21, v0;
	_ =	sdelay $0x1  }
0x278: {  	v0 =	vadd.f32 v22, v0;
	_ =	sdelay $0x1  }
0x279: {  	v0 =	vadd.f32 v23, v0;
	_ =	sdelay $0x1  }
0x27a: {  	v0 =	vmul.f32 $1.999999960e-02, v0;
	_ =	sdelay $0x1  }
0x27b: {  	[tilespmem:s17+$0x10] =	vst v0  }
0x27c: {  	v0 =	vld [tilespmem:s31+$0x1060]  }
0x27d: {  	v24 =	vld [tilespmem:s31+$0x10E0];
	_ =	sdelay $0x1  }
0x27e: {  	v25 =	vld [tilespmem:s31+$0x1160];
	_ =	sdelay $0x1  }
0x27f: {  	v26 =	vld [tilespmem:s31+$0x11E0]  }
0x280: {  	v0 =	vadd.f32 v24, v0  }
0x281: {  	v27 =	vld [tilespmem:s31+$0x1260]  }
0x282: {  	v0 =	vadd.f32 v25, v0  }
0x283: {  	v28 =	vld [tilespmem:s31+$0x12E0]  }
0x284: {  	v0 =	vadd.f32 v26, v0  }
0x285: {  	v29 =	vld [tilespmem:s31+$0x1360]  }
0x286: {  	v0 =	vadd.f32 v27, v0  }
0x287: {  	v30 =	vld [tilespmem:s31+$0x13E0]  }
0x288: {  	v0 =	vadd.f32 v28, v0  }
0x289: {  	v31 =	vld [tilespmem:s31+$0x1460]  }
0x28a: {  	v0 =	vadd.f32 v29, v0  }
0x28b: {  	v32 =	vld [tilespmem:s31+$0x14E0]  }
0x28c: {  	v0 =	vadd.f32 v30, v0  }
0x28d: {  	v33 =	vld [tilespmem:s31+$0x1560]  }
0x28e: {  	v0 =	vadd.f32 v31, v0  }
0x28f: {  	v34 =	vld [tilespmem:s31+$0x15E0]  }
0x290: {  	v0 =	vadd.f32 v32, v0  }
0x291: {  	v35 =	vld [tilespmem:s31+$0x1660]  }
0x292: {  	v0 =	vadd.f32 v33, v0  }
0x293: {  	v36 =	vld [tilespmem:s31+$0x16E0]  }
0x294: {  	v0 =	vadd.f32 v34, v0  }
0x295: {  	v37 =	vld [tilespmem:s31+$0x1760]  }
0x296: {  	v0 =	vadd.f32 v35, v0  }
0x297: {  	v38 =	vld [tilespmem:s31+$0x17E0]  }
0x298: {  	v0 =	vadd.f32 v36, v0  }
0x299: {  	v39 =	vld [tilespmem:s31+$0x1860]  }
0x29a: {  	v0 =	vadd.f32 v37, v0  }
0x29b: {  	v40 =	vld [tilespmem:s31+$0x18E0]  }
0x29c: {  	v0 =	vadd.f32 v38, v0  }
0x29d: {  	v41 =	vld [tilespmem:s31+$0x1960]  }
0x29e: {  	v0 =	vadd.f32 v39, v0  }
0x29f: {  	v42 =	vld [tilespmem:s31+$0x19E0]  }
0x2a0: {  	v0 =	vadd.f32 v40, v0  }
0x2a1: {  	v43 =	vld [tilespmem:s31+$0x1A60]  }
0x2a2: {  	v0 =	vadd.f32 v41, v0  }
0x2a3: {  	v44 =	vld [tilespmem:s31+$0x1AE0]  }
0x2a4: {  	v0 =	vadd.f32 v42, v0  }
0x2a5: {  	v45 =	vld [tilespmem:s31+$0x1B60]  }
0x2a6: {  	v0 =	vadd.f32 v43, v0  }
0x2a7: {  	v46 =	vld [tilespmem:s31+$0x1BE0]  }
0x2a8: {  	v0 =	vadd.f32 v44, v0  }
0x2a9: {  	v47 =	vld [tilespmem:s31+$0x1C60]  }
0x2aa: {  	v0 =	vadd.f32 v45, v0  }
0x2ab: {  	v48 =	vld [tilespmem:s31+$0x1CE0]  }
0x2ac: {  	v0 =	vadd.f32 v46, v0  }
0x2ad: {  	v49 =	vld [tilespmem:s31+$0x1D60]  }
0x2ae: {  	v0 =	vadd.f32 v47, v0  }
0x2af: {  	v50 =	vld [tilespmem:s31+$0x1DE0]  }
0x2b0: {  	v0 =	vadd.f32 v48, v0  }
0x2b1: {  	v51 =	vld [tilespmem:s31+$0x1E60]  }
0x2b2: {  	v0 =	vadd.f32 v49, v0  }
0x2b3: {  	v52 =	vld [tilespmem:s31+$0x1EE0]  }
0x2b4: {  	v0 =	vadd.f32 v50, v0  }
0x2b5: {  	v53 =	vld [tilespmem:s31+$0x1F60]  }
0x2b6: {  	v0 =	vadd.f32 v51, v0  }
0x2b7: {  	v54 =	vld [tilespmem:s31+$0x1FE0]  }
0x2b8: {  	v0 =	vadd.f32 v52, v0  }
0x2b9: {  	v55 =	vld [tilespmem:s31+$0x2060]  }
0x2ba: {  	v0 =	vadd.f32 v53, v0  }
0x2bb: {  	v56 =	vld [tilespmem:s31+$0x20E0]  }
0x2bc: {  	v0 =	vadd.f32 v54, v0  }
0x2bd: {  	v57 =	vld [tilespmem:s31+$0x2160]  }
0x2be: {  	v0 =	vadd.f32 v55, v0  }
0x2bf: {  	v58 =	vld [tilespmem:s31+$0x21E0]  }
0x2c0: {  	v0 =	vadd.f32 v56, v0  }
0x2c1: {  	v59 =	vld [tilespmem:s31+$0x2260]  }
0x2c2: {  	v0 =	vadd.f32 v57, v0  }
0x2c3: {  	v60 =	vld [tilespmem:s31+$0x22E0]  }
0x2c4: {  	v0 =	vadd.f32 v58, v0  }
0x2c5: {  	v61 =	vld [tilespmem:s31+$0x2360]  }
0x2c6: {  	v0 =	vadd.f32 v59, v0  }
0x2c7: {  	v62 =	vld [tilespmem:s31+$0x23E0]  }
0x2c8: {  	v0 =	vadd.f32 v60, v0  }
0x2c9: {  	v63 =	vld [tilespmem:s31+$0x2460]  }
0x2ca: {  	v0 =	vadd.f32 v61, v0  }
0x2cb: {  	v6 =	vld [tilespmem:s31+$0x24E0]  }
0x2cc: {  	v0 =	vadd.f32 v62, v0  }
0x2cd: {  	v7 =	vld [tilespmem:s31+$0x2560]  }
0x2ce: {  	v0 =	vadd.f32 v63, v0  }
0x2cf: {  	v8 =	vld [tilespmem:s31+$0x25E0]  }
0x2d0: {  	v0 =	vadd.f32 v6, v0  }
0x2d1: {  	v9 =	vld [tilespmem:s31+$0x2660]  }
0x2d2: {  	v0 =	vadd.f32 v7, v0  }
0x2d3: {  	v10 =	vld [tilespmem:s31+$0x26E0]  }
0x2d4: {  	v0 =	vadd.f32 v8, v0  }
0x2d5: {  	v11 =	vld [tilespmem:s31+$0x2760]  }
0x2d6: {  	v0 =	vadd.f32 v9, v0  }
0x2d7: {  	v12 =	vld [tilespmem:s31+$0x27E0]  }
0x2d8: {  	v0 =	vadd.f32 v10, v0  }
0x2d9: {  	v13 =	vld [tilespmem:s31+$0x2860]  }
0x2da: {  	v0 =	vadd.f32 v11, v0  }
0x2db: {  	v14 =	vld [tilespmem:s31+$0x28E0]  }
0x2dc: {  	v0 =	vadd.f32 v12, v0;
	_ =	sdelay $0x1  }
0x2dd: {  	v0 =	vadd.f32 v13, v0;
	_ =	sdelay $0x1  }
0x2de: {  	v0 =	vadd.f32 v14, v0;
	_ =	sdelay $0x1  }
0x2df: {  	v0 =	vmul.f32 $1.999999960e-02, v0;
	_ =	sdelay $0x1  }
0x2e0: {  	[tilespmem:s17+$0x20] =	vst v0  }
0x2e1: {  	v0 =	vld [tilespmem:s31+$0x1070]  }
0x2e2: {  	v15 =	vld [tilespmem:s31+$0x10F0];
	_ =	sdelay $0x1  }
0x2e3: {  	v16 =	vld [tilespmem:s31+$0x1170];
	_ =	sdelay $0x1  }
0x2e4: {  	v17 =	vld [tilespmem:s31+$0x11F0]  }
0x2e5: {  	v0 =	vadd.f32 v15, v0  }
0x2e6: {  	v18 =	vld [tilespmem:s31+$0x1270]  }
0x2e7: {  	v0 =	vadd.f32 v16, v0  }
0x2e8: {  	v19 =	vld [tilespmem:s31+$0x12F0]  }
0x2e9: {  	v0 =	vadd.f32 v17, v0  }
0x2ea: {  	v20 =	vld [tilespmem:s31+$0x1370]  }
0x2eb: {  	v0 =	vadd.f32 v18, v0  }
0x2ec: {  	v21 =	vld [tilespmem:s31+$0x13F0]  }
0x2ed: {  	v0 =	vadd.f32 v19, v0  }
0x2ee: {  	v22 =	vld [tilespmem:s31+$0x1470]  }
0x2ef: {  	v0 =	vadd.f32 v20, v0  }
0x2f0: {  	v23 =	vld [tilespmem:s31+$0x14F0]  }
0x2f1: {  	v0 =	vadd.f32 v21, v0  }
0x2f2: {  	v24 =	vld [tilespmem:s31+$0x1570]  }
0x2f3: {  	v0 =	vadd.f32 v22, v0  }
0x2f4: {  	v25 =	vld [tilespmem:s31+$0x15F0]  }
0x2f5: {  	v0 =	vadd.f32 v23, v0  }
0x2f6: {  	v26 =	vld [tilespmem:s31+$0x1670]  }
0x2f7: {  	v0 =	vadd.f32 v24, v0  }
0x2f8: {  	v27 =	vld [tilespmem:s31+$0x16F0]  }
0x2f9: {  	v0 =	vadd.f32 v25, v0  }
0x2fa: {  	v28 =	vld [tilespmem:s31+$0x1770]  }
0x2fb: {  	v0 =	vadd.f32 v26, v0  }
0x2fc: {  	v29 =	vld [tilespmem:s31+$0x17F0]  }
0x2fd: {  	v0 =	vadd.f32 v27, v0  }
0x2fe: {  	v30 =	vld [tilespmem:s31+$0x1870]  }
0x2ff: {  	v0 =	vadd.f32 v28, v0  }
0x300: {  	v31 =	vld [tilespmem:s31+$0x18F0]  }
0x301: {  	v0 =	vadd.f32 v29, v0  }
0x302: {  	v32 =	vld [tilespmem:s31+$0x1970]  }
0x303: {  	v0 =	vadd.f32 v30, v0  }
0x304: {  	v33 =	vld [tilespmem:s31+$0x19F0]  }
0x305: {  	v0 =	vadd.f32 v31, v0  }
0x306: {  	v34 =	vld [tilespmem:s31+$0x1A70]  }
0x307: {  	v0 =	vadd.f32 v32, v0  }
0x308: {  	v35 =	vld [tilespmem:s31+$0x1AF0]  }
0x309: {  	v0 =	vadd.f32 v33, v0  }
0x30a: {  	v36 =	vld [tilespmem:s31+$0x1B70]  }
0x30b: {  	v0 =	vadd.f32 v34, v0  }
0x30c: {  	v37 =	vld [tilespmem:s31+$0x1BF0]  }
0x30d: {  	v0 =	vadd.f32 v35, v0  }
0x30e: {  	v38 =	vld [tilespmem:s31+$0x1C70]  }
0x30f: {  	v0 =	vadd.f32 v36, v0  }
0x310: {  	v39 =	vld [tilespmem:s31+$0x1CF0]  }
0x311: {  	v0 =	vadd.f32 v37, v0  }
0x312: {  	v40 =	vld [tilespmem:s31+$0x1D70]  }
0x313: {  	v0 =	vadd.f32 v38, v0  }
0x314: {  	v41 =	vld [tilespmem:s31+$0x1DF0]  }
0x315: {  	v0 =	vadd.f32 v39, v0  }
0x316: {  	v42 =	vld [tilespmem:s31+$0x1E70]  }
0x317: {  	v0 =	vadd.f32 v40, v0  }
0x318: {  	v43 =	vld [tilespmem:s31+$0x1EF0]  }
0x319: {  	v0 =	vadd.f32 v41, v0  }
0x31a: {  	v44 =	vld [tilespmem:s31+$0x1F70]  }
0x31b: {  	v0 =	vadd.f32 v42, v0  }
0x31c: {  	v45 =	vld [tilespmem:s31+$0x1FF0]  }
0x31d: {  	v0 =	vadd.f32 v43, v0  }
0x31e: {  	v46 =	vld [tilespmem:s31+$0x2070]  }
0x31f: {  	v0 =	vadd.f32 v44, v0  }
0x320: {  	v47 =	vld [tilespmem:s31+$0x20F0]  }
0x321: {  	v0 =	vadd.f32 v45, v0  }
0x322: {  	v48 =	vld [tilespmem:s31+$0x2170]  }
0x323: {  	v0 =	vadd.f32 v46, v0  }
0x324: {  	v49 =	vld [tilespmem:s31+$0x21F0]  }
0x325: {  	v0 =	vadd.f32 v47, v0  }
0x326: {  	v50 =	vld [tilespmem:s31+$0x2270]  }
0x327: {  	v0 =	vadd.f32 v48, v0  }
0x328: {  	v51 =	vld [tilespmem:s31+$0x22F0]  }
0x329: {  	v0 =	vadd.f32 v49, v0  }
0x32a: {  	v52 =	vld [tilespmem:s31+$0x2370]  }
0x32b: {  	v0 =	vadd.f32 v50, v0  }
0x32c: {  	v53 =	vld [tilespmem:s31+$0x23F0]  }
0x32d: {  	v0 =	vadd.f32 v51, v0  }
0x32e: {  	v54 =	vld [tilespmem:s31+$0x2470]  }
0x32f: {  	v0 =	vadd.f32 v52, v0  }
0x330: {  	v55 =	vld [tilespmem:s31+$0x24F0]  }
0x331: {  	v0 =	vadd.f32 v53, v0  }
0x332: {  	v56 =	vld [tilespmem:s31+$0x2570]  }
0x333: {  	v0 =	vadd.f32 v54, v0  }
0x334: {  	v57 =	vld [tilespmem:s31+$0x25F0]  }
0x335: {  	v0 =	vadd.f32 v55, v0  }
0x336: {  	v58 =	vld [tilespmem:s31+$0x2670]  }
0x337: {  	v0 =	vadd.f32 v56, v0  }
0x338: {  	v59 =	vld [tilespmem:s31+$0x26F0]  }
0x339: {  	v0 =	vadd.f32 v57, v0  }
0x33a: {  	v60 =	vld [tilespmem:s31+$0x2770]  }
0x33b: {  	v0 =	vadd.f32 v58, v0  }
0x33c: {  	v61 =	vld [tilespmem:s31+$0x27F0]  }
0x33d: {  	v0 =	vadd.f32 v59, v0  }
0x33e: {  	v62 =	vld [tilespmem:s31+$0x2870]  }
0x33f: {  	v0 =	vadd.f32 v60, v0  }
0x340: {  	v63 =	vld [tilespmem:s31+$0x28F0]  }
0x341: {  	v0 =	vadd.f32 v61, v0;
	_ =	sdelay $0x1  }
0x342: {  	s18 =	sadd.s32 $0x1, s18;
	v0 =	vadd.f32 v62, v0  }
0x343: {  	p0 =	sne.s32 s18, $0x20  }
.Ltmp0:
0x344: {  	v0 =	vadd.f32 v63, v0;
	(pc) =	sbr.rel @p0 .LBB2_2-.Ltmp0, $3  }
0x345: {  	_ = 	snop  }
0x346: {  	v0 =	vmul.f32 $1.999999960e-02, v0;
	_ =	sdelay $0x1  }
0x347: {  	s16 =	sadd.s32 $0x80, s16;
	[tilespmem:s17+$0x30] =	vst v0;
	s17 =	sadd.s32 $0x80, s17  }
0x348: {  	s15 =	sadd.s32 $0x1, s15  }
0x349: {  	p0 =	sne.s32 s15, s6  }
.Ltmp1:
0x34a: {  	_ = 	snop;
	(pc) =	sbr.rel @p0 .LBB2_1-.Ltmp1, $4  }
0x34b: {  	[hbm4b:s5+s3] =	stream.linear.scatter [tilespmem:s14], [sflag:$0x5], $0x1000, $0x38;
	[tilespmem:$0x9000] =	vst v63  }
0x34c: {  	_ =	swait.ge [sflag:s7], $0x1000  }
0x34d: {  	[sflag:s7] =	ssyncset.done $0x0  }
0x34e: {  	[sflag:s7] =	ssyncadd.s32 $0xFFFFF000  }
0x34f: {  	_ =	sfence.sel $0x180000  }
0x350: {  	[bflag:$0x0] =	sbarrier.arrive $0xFFFF  }
0x351: {  	p0 =	sne.s32 s2, $0x0;
	_ =	strace $0x90000047  }
0x352: {  	s0 =	sadd.s32 @!p0 $0x100000, s0;
	[bflag:$0x2] =	sbarrier.arrive $0xFFFF  }
0x353: {  	[sflag:s0] =	ssyncadd.tile.s32 @!p0 $0x1;
	_ =	shalt  }
.Lfunc_end2:
_tile_overlayer_lowered:
.L_overlay_start_2:
0x354: {  	(tag) =	ssettag $0x2  }
0x355: {  	s0 =	rddreg [dreg:$0x0];
	s2 =	stileid.u32  }
0x356: {  	s1 =	rddreg [dreg:$0x1];
	p0 =	sne.s32 s2, $0x0  }
0x357: {  	s3 =	rddreg [dreg:$0x2];
	[bflag:$0x3] =	sbarrier.arrive $0xFFFF;
	s2 =	simm.s32 @!p0 $0x1C05  }
0x358: {  	[timem:s3], [sflag:s2] =	dma.local @!p0 [hbm:s0], s1  }
0x359: {  	s0 =	simm.s32 @!p0 $0x5  }
0x35a: {  	_ =	swait.ge @!p0 [sflag:s0], s1  }
0x35b: {  	s1 =	ssub.s32 @!p0 $0x0, s1;
	[sflag:s0] =	ssyncset.done @!p0 $0x0  }
0x35c: {  	[sflag:s0] =	ssyncadd.s32 @!p0 s1  }
0x35d: {  	[bflag:$0x3] =	sbarrier.arrive $0xFFFF  }
0x35e: {  	_ =	shalt  }

</sc_bundles>
